<compile_context>
chip_gen: v7x
topology: tpu7x:2x2x1
jax: 0.10.2.dev20260603
libtpu: 0.0.44.dev20260713+nightly
codegen_flags: <defaults>
</compile_context>

<pallas_src>
import functools

import jax
import jax.numpy as jnp
from jax import lax
from jax.experimental import pallas as pl
from jax.experimental.pallas import tpu as pltpu
from jax.experimental.pallas import tpu_sc as plsc

NC, NS, LANES = 2, 16, 16
N = 10000
N_PAD = 10240
CH = 128
E_PAD_UNIT = NC * NS * CH * 8

BR = 512
GRID = N_PAD // BR
HIGHEST = jax.lax.Precision.HIGHEST


def _sc_degree(dst_pad, e_pad):
    per_core = e_pad // NC
    per_tile = per_core // NS
    chunks = per_tile // CH
    rpt = N_PAD // NS

    mesh = plsc.VectorSubcoreMesh(core_axis_name="c", subcore_axis_name="s")

    @functools.partial(
        pl.kernel,
        out_type=jax.ShapeDtypeStruct((NC, N_PAD, LANES), jnp.float32),
        mesh=mesh,
        scratch_types=[
            pltpu.VMEM((chunks, CH), jnp.int32),
            pltpu.VMEM((CH, LANES), jnp.float32),
            pltpu.VMEM_SHARED((N_PAD, LANES), jnp.float32),
            pltpu.SemaphoreType.DMA,
        ],
    )
    def k(dst_hbm, out_hbm, di, ones_v, acc_sh, sem):
        cid = lax.axis_index("c")
        sid = lax.axis_index("s")
        crow0 = pl.multiple_of((cid * per_core + sid * per_tile) // CH, 8)
        row0 = pl.multiple_of(sid * rpt, 8)
        pltpu.async_copy(dst_hbm.at[pl.ds(crow0, chunks)], di, sem)

        @pl.loop(0, CH)
        def _(r):
            ones_v[r, :] = jnp.zeros((LANES,), jnp.float32)

        @pl.loop(0, rpt, step=CH)
        def _(off):
            pltpu.sync_copy(ones_v, acc_sh.at[pl.ds(row0 + off, CH)])

        @pl.loop(0, CH)
        def _(r):
            ones_v[r, :] = jnp.ones((LANES,), jnp.float32)

        pltpu.make_async_copy(dst_hbm.at[pl.ds(crow0, chunks)], di, sem).wait()
        plsc.subcore_barrier()

        @pl.loop(0, chunks)
        def _(j):
            pltpu.sync_copy(ones_v, acc_sh.at[di.at[j]], add=True)

        plsc.subcore_barrier()
        pltpu.sync_copy(acc_sh.at[pl.ds(row0, rpt)],
                        out_hbm.at[cid, pl.ds(row0, rpt)])

    return k(dst_pad)


def _sc_aggregate(hs, src2, dst2, e_pad, dw):
    per_core = e_pad // NC
    per_tile = per_core // NS
    chunks = per_tile // CH
    rpt = N_PAD // NS

    mesh = plsc.VectorSubcoreMesh(core_axis_name="c", subcore_axis_name="s")

    hc = chunks // 2

    @functools.partial(
        pl.kernel,
        out_type=jax.ShapeDtypeStruct((NC, N_PAD, dw), jnp.float32),
        mesh=mesh,
        scratch_types=[
            pltpu.VMEM((hc, CH), jnp.int32),
            pltpu.VMEM((hc, CH), jnp.int32),
            pltpu.VMEM((CH, dw), jnp.float32),
            pltpu.VMEM((CH, dw), jnp.float32),
            pltpu.VMEM_SHARED((N_PAD, dw), jnp.float32),
            pltpu.SemaphoreType.DMA,
            pltpu.SemaphoreType.DMA,
            pltpu.SemaphoreType.DMA,
        ],
    )
    def k(hs_hbm, src_hbm, dst_hbm, out_hbm, si, di, rows_a, rows_b, acc_sh,
          sem_i, sem_a, sem_b):
        cid = lax.axis_index("c")
        sid = lax.axis_index("s")
        crow0 = pl.multiple_of((cid * per_core + sid * per_tile) // CH, 8)
        row0 = pl.multiple_of(sid * rpt, 8)

        pltpu.async_copy(src_hbm.at[pl.ds(crow0, hc)], si, sem_i)
        pltpu.async_copy(dst_hbm.at[pl.ds(crow0, hc)], di, sem_i)

        @pl.loop(0, CH)
        def _(r):
            @pl.loop(0, dw, step=LANES)
            def _(c):
                rows_a[r, pl.ds(c, LANES)] = jnp.zeros((LANES,), jnp.float32)

        @pl.loop(0, rpt, step=CH)
        def _(off):
            pltpu.sync_copy(rows_a, acc_sh.at[pl.ds(row0 + off, CH)])

        pltpu.make_async_copy(src_hbm.at[pl.ds(crow0, hc)], si, sem_i).wait()
        pltpu.make_async_copy(dst_hbm.at[pl.ds(crow0, hc)], di, sem_i).wait()
        plsc.subcore_barrier()

        for half in range(2):
            if half == 1:
                hrow = pl.multiple_of(crow0 + hc, 8)
                pltpu.sync_copy(src_hbm.at[pl.ds(hrow, hc)], si)
                pltpu.sync_copy(dst_hbm.at[pl.ds(hrow, hc)], di)

            pltpu.async_copy(hs_hbm.at[si.at[0]], rows_a, sem_a)

            @pl.loop(0, hc, step=2)
            def _(j):
                pltpu.make_async_copy(hs_hbm.at[si.at[j]], rows_a, sem_a).wait()

                @pl.when(j + 1 < hc)
                def _():
                    pltpu.async_copy(hs_hbm.at[si.at[j + 1]], rows_b, sem_b)

                pltpu.sync_copy(rows_a, acc_sh.at[di.at[j]], add=True)

                @pl.when(j + 1 < hc)
                def _():
                    pltpu.make_async_copy(hs_hbm.at[si.at[j + 1]], rows_b,
                                          sem_b).wait()

                    @pl.when(j + 2 < hc)
                    def _():
                        pltpu.async_copy(hs_hbm.at[si.at[j + 2]], rows_a, sem_a)

                    pltpu.sync_copy(rows_b, acc_sh.at[di.at[j + 1]], add=True)

        plsc.subcore_barrier()
        pltpu.sync_copy(acc_sh.at[pl.ds(row0, rpt)],
                        out_hbm.at[cid, pl.ds(row0, rpt)])

    return k(hs, src2, dst2)


def _tc_lin1(x_pad, zf, z_table, W1):
    d_feat = x_pad.shape[1]
    hid = W1.shape[1]

    def body(x_ref, zf_ref, zt_ref, w_ref, o_ref):
        w = w_ref[...]
        t = jnp.dot(zt_ref[...], w[d_feat:, :], precision=HIGHEST,
                    preferred_element_type=jnp.float32)
        acc = jnp.dot(x_ref[...], w[:d_feat, :], precision=HIGHEST,
                      preferred_element_type=jnp.float32)
        zfb = zf_ref[...]
        o_ref[...] = acc + t[0:1, :] + zfb * (t[1:2, :] - t[0:1, :])

    return pl.pallas_call(
        body,
        grid=(GRID,),
        in_specs=[
            pl.BlockSpec((BR, d_feat), lambda i: (i, 0)),
            pl.BlockSpec((BR, 1), lambda i: (i, 0)),
            pl.BlockSpec(z_table.shape, lambda i: (0, 0)),
            pl.BlockSpec(W1.shape, lambda i: (0, 0)),
        ],
        out_specs=pl.BlockSpec((BR, hid), lambda i: (i, 0)),
        out_shape=jax.ShapeDtypeStruct((N_PAD, hid), jnp.float32),
    )(x_pad, zf, z_table, W1)


def _tc_scale(degp, h1lin):
    hid = h1lin.shape[1]

    def body(deg_ref, h_ref, dinv_ref, hs_ref):
        indeg = (deg_ref[0] + deg_ref[1])[:, 0:1]
        dinv = lax.rsqrt(indeg + 1.0)
        dinv_ref[...] = dinv
        hs_ref[...] = dinv * h_ref[...]

    return pl.pallas_call(
        body,
        grid=(GRID,),
        in_specs=[
            pl.BlockSpec((NC, BR, LANES), lambda i: (0, i, 0)),
            pl.BlockSpec((BR, hid), lambda i: (i, 0)),
        ],
        out_specs=[
            pl.BlockSpec((BR, 1), lambda i: (i, 0)),
            pl.BlockSpec((BR, hid), lambda i: (i, 0)),
        ],
        out_shape=[
            jax.ShapeDtypeStruct((N_PAD, 1), jnp.float32),
            jax.ShapeDtypeStruct((N_PAD, hid), jnp.float32),
        ],
    )(degp, h1lin)


def _tc_layer2(parts, hs1, dinv, b1, g1, be1, W2):
    hid = hs1.shape[1]
    dout = W2.shape[1]

    def body(p_ref, hs_ref, dinv_ref, b_ref, g_ref, be_ref, w_ref, o_ref):
        dinv = dinv_ref[...]
        c = dinv * (p_ref[0] + p_ref[1] + hs_ref[...]) + b_ref[...]
        mu = jnp.mean(c, axis=-1, keepdims=True)
        xc = c - mu
        var = jnp.mean(xc * xc, axis=-1, keepdims=True)
        u = xc * lax.rsqrt(var + 1e-5) * g_ref[...] + be_ref[...]
        u = jnp.maximum(u, 0.0)
        h2 = jnp.dot(u, w_ref[...], precision=HIGHEST,
                     preferred_element_type=jnp.float32)
        o_ref[...] = dinv * h2

    return pl.pallas_call(
        body,
        grid=(GRID,),
        in_specs=[
            pl.BlockSpec((NC, BR, hid), lambda i: (0, i, 0)),
            pl.BlockSpec((BR, hid), lambda i: (i, 0)),
            pl.BlockSpec((BR, 1), lambda i: (i, 0)),
            pl.BlockSpec((1, hid), lambda i: (0, 0)),
            pl.BlockSpec((1, hid), lambda i: (0, 0)),
            pl.BlockSpec((1, hid), lambda i: (0, 0)),
            pl.BlockSpec(W2.shape, lambda i: (0, 0)),
        ],
        out_specs=pl.BlockSpec((BR, dout), lambda i: (i, 0)),
        out_shape=jax.ShapeDtypeStruct((N_PAD, dout), jnp.float32),
    )(parts, hs1, dinv, b1, g1, be1, W2)


def _tc_layer3(parts, hs2, dinv, b2, Wmu):
    hid = hs2.shape[1]
    dout = Wmu.shape[1]

    def body(p_ref, hs_ref, dinv_ref, b_ref, w_ref, o_ref):
        dinv = dinv_ref[...]
        c = dinv * (p_ref[0] + p_ref[1] + hs_ref[...]) + b_ref[...]
        u = jnp.maximum(c, 0.0)
        h3 = jnp.dot(u, w_ref[...], precision=HIGHEST,
                     preferred_element_type=jnp.float32)
        o_ref[...] = dinv * h3

    return pl.pallas_call(
        body,
        grid=(GRID,),
        in_specs=[
            pl.BlockSpec((NC, BR, hid), lambda i: (0, i, 0)),
            pl.BlockSpec((BR, hid), lambda i: (i, 0)),
            pl.BlockSpec((BR, 1), lambda i: (i, 0)),
            pl.BlockSpec((1, hid), lambda i: (0, 0)),
            pl.BlockSpec(Wmu.shape, lambda i: (0, 0)),
        ],
        out_specs=pl.BlockSpec((BR, dout), lambda i: (i, 0)),
        out_shape=jax.ShapeDtypeStruct((N_PAD, dout), jnp.float32),
    )(parts, hs2, dinv, b2, Wmu)


def _tc_final(parts, hs3, dinv, bmu):
    wide = hs3.shape[1]
    dout = bmu.shape[1]

    def body(p_ref, hs_ref, dinv_ref, b_ref, o_ref):
        c = dinv_ref[...] * (p_ref[0] + p_ref[1] + hs_ref[...])
        o_ref[...] = c[:, :dout] + b_ref[...]

    return pl.pallas_call(
        body,
        grid=(GRID,),
        in_specs=[
            pl.BlockSpec((NC, BR, wide), lambda i: (0, i, 0)),
            pl.BlockSpec((BR, wide), lambda i: (i, 0)),
            pl.BlockSpec((BR, 1), lambda i: (i, 0)),
            pl.BlockSpec((1, dout), lambda i: (0, 0)),
        ],
        out_specs=pl.BlockSpec((BR, dout), lambda i: (i, 0)),
        out_shape=jax.ShapeDtypeStruct((N_PAD, dout), jnp.float32),
    )(parts, hs3, dinv, bmu)


def kernel(x, adj_t, z, z_table, W1, b1, g1, be1, W2, b2, Wmu, bmu):
    n, d_feat = x.shape
    e = adj_t.shape[1]
    e_pad = ((e + E_PAD_UNIT - 1) // E_PAD_UNIT) * E_PAD_UNIT

    src = adj_t[0].astype(jnp.int32)
    dst = adj_t[1].astype(jnp.int32)
    pad = jnp.full((e_pad - e,), n, jnp.int32)
    src_pad = jnp.concatenate([src, pad]).reshape(e_pad // CH, CH)
    dst_pad = jnp.concatenate([dst, pad]).reshape(e_pad // CH, CH)

    x_pad = jnp.pad(x, ((0, N_PAD - n), (0, 0)))
    zf = jnp.pad(z.astype(jnp.float32), (0, N_PAD - n)).reshape(N_PAD, 1)

    b1r = b1.reshape(1, -1)
    g1r = g1.reshape(1, -1)
    be1r = be1.reshape(1, -1)
    b2r = b2.reshape(1, -1)
    bmur = bmu.reshape(1, -1)

    degp = _sc_degree(dst_pad, e_pad)
    h1lin = _tc_lin1(x_pad, zf, z_table, W1)
    dinv, hs1 = _tc_scale(degp, h1lin)

    agg1 = _sc_aggregate(hs1, src_pad, dst_pad, e_pad, hs1.shape[1])
    hs2 = _tc_layer2(agg1, hs1, dinv, b1r, g1r, be1r, W2)

    wmu_pad = jnp.pad(Wmu, ((0, 0), (0, W2.shape[1] - Wmu.shape[1])))

    agg2 = _sc_aggregate(hs2, src_pad, dst_pad, e_pad, hs2.shape[1])
    hs3 = _tc_layer3(agg2, hs2, dinv, b2r, wmu_pad)

    agg3 = _sc_aggregate(hs3, src_pad, dst_pad, e_pad, hs3.shape[1])
    out = _tc_final(agg3, hs3, dinv, bmur)

    return out[:n]

# --- scband reference (transcript-rebuilt; emitter-appended) ---
"""Pipeline reference for scband-gcn-encoder-70677981823585 (READ-ONLY COPY).

The authoritative reference and input builder live on the scoring server;
editing this copy changes nothing except your own understanding.
"""

import jax, jax.numpy as jnp
import numpy as np

N = 10000
E = 320000
D_FEAT = 128
HID = 128
OUT = 64


def gcn_conv(x, edge_index, W, b, n):
    # PyG GCNConv with add_self_loops=True and symmetric normalization
    src = jnp.concatenate([edge_index[0], jnp.arange(n, dtype=edge_index.dtype)])
    dst = jnp.concatenate([edge_index[1], jnp.arange(n, dtype=edge_index.dtype)])
    deg = jnp.zeros((n,), x.dtype).at[dst].add(1.0)
    dinv = jax.lax.rsqrt(jnp.maximum(deg, 1.0))
    norm = dinv[src] * dinv[dst]
    h = x @ W
    out = jnp.zeros((n, W.shape[1]), x.dtype).at[dst].add(norm[:, None] * h[src])
    return out + b


def layer_norm(x, g, b, eps=1e-5):
    mu = jnp.mean(x, axis=-1, keepdims=True)
    var = jnp.var(x, axis=-1, keepdims=True)
    return (x - mu) * jax.lax.rsqrt(var + eps) * g + b


def setup_inputs(seed: int = 0) -> dict:
    key = jax.random.key(seed)
    ks = jax.random.split(key, 12)
    x = jax.random.normal(ks[0], (N, D_FEAT), dtype=jnp.float32)
    adj_t = jax.random.randint(ks[1], (2, E), 0, N, dtype=jnp.int64)
    z = jax.random.randint(ks[2], (N,), 0, 2, dtype=jnp.int64)
    in_ch = D_FEAT + HID  # 256
    z_table = jax.random.normal(ks[3], (2, HID), dtype=jnp.float32)
    W1 = jax.random.normal(ks[4], (in_ch, HID), dtype=jnp.float32) * (1.0 / np.sqrt(in_ch))
    b1 = jnp.zeros((HID,), jnp.float32)
    g1 = jnp.ones((HID,), jnp.float32)
    be1 = jnp.zeros((HID,), jnp.float32)
    W2 = jax.random.normal(ks[5], (HID, 2 * OUT), dtype=jnp.float32) * (1.0 / np.sqrt(HID))
    b2 = jnp.zeros((2 * OUT,), jnp.float32)
    Wmu = jax.random.normal(ks[6], (2 * OUT, OUT), dtype=jnp.float32) * (1.0 / np.sqrt(2 * OUT))
    bmu = jnp.zeros((OUT,), jnp.float32)
    return {"x": x, "adj_t": adj_t, "z": z, "z_table": z_table,
            "W1": W1, "b1": b1, "g1": g1, "be1": be1,
            "W2": W2, "b2": b2, "Wmu": Wmu, "bmu": bmu}


def reference(x, adj_t, z, z_table, W1, b1, g1, be1, W2, b2, Wmu, bmu):
    n = x.shape[0]
    # eval mode: DropAdj and dropout are no-ops; ablate=False -> concat z embedding
    h = jnp.concatenate([x, z_table[z].astype(jnp.float32)], axis=1)
    h = gcn_conv(h, adj_t, W1, b1, n)
    h = layer_norm(h, g1, be1)
    h = jax.nn.relu(h)
    h = gcn_conv(h, adj_t, W2, b2, n)
    h = jax.nn.relu(h)
    return gcn_conv(h, adj_t, Wmu, bmu, n)

if __name__ == "__main__":
    import jax
    _d = setup_inputs()
    print(jax.jit(kernel)(*tuple(_d.values())))

</pallas_src>

<mosaic_0001>
#map = affine_map<(d0, d1) -> (0, 0)>
#map1 = affine_map<(d0, d1) -> (0, 0, 0)>
module attributes {stable_mosaic.version = 14 : i64} {
  func.func @k(%arg0: i32, %arg1: i32, %arg2: memref<2560x128xi32, #tpu.memory_space<hbm>>, %arg3: memref<2x10240x16xf32, #tpu.memory_space<hbm>>, %arg4: memref<80x128xi32, #tpu.memory_space<vmem>>, %arg5: memref<128x16xf32, #tpu.memory_space<vmem>>, %arg6: memref<10240x16xf32, #tpu.memory_space<vmem_shared>>, %arg7: memref<!tpu.dma_semaphore, #tpu.memory_space<semaphore_mem>>) attributes {dimension_semantics = [#tpu.dimension_semantics<core_parallel>, #tpu.dimension_semantics<subcore_parallel>], iteration_bounds = array<i64: 2, 16>, scalar_prefetch = 0 : i64, scratch_operands = 4 : i64, tpu.core_type = #tpu.core_type<sc_vector_subcore>, window_params = [{transform_indices = #map}, {transform_indices = #map1}]} {
    %mul3A = arith.constant 163840 : i32
    %mul3A_0 = arith.muli %arg0, %mul3A : i32
    %mul3A_1 = arith.constant 10240 : i32
    %mul3A_2 = arith.muli %arg1, %mul3A_1 : i32
    %add3A = arith.addi %mul3A_0, %mul3A_2 : i32
    %jit3A = arith.constant 128 : i32
    %div3A = arith.divsi %add3A, %jit3A : i32
    %sign3A = arith.constant 0 : i32
    %sign3A_3 = arith.cmpi sgt, %add3A, %sign3A : i32
    %sign3A_4 = arith.extui %sign3A_3 : i1 to i32
    %sign3A_5 = arith.constant 0 : i32
    %sign3A_6 = arith.cmpi slt, %add3A, %sign3A_5 : i32
    %sign3A_7 = arith.extui %sign3A_6 : i1 to i32
    %sign3A_8 = arith.subi %sign3A_4, %sign3A_7 : i32
    %sign3A_9 = arith.constant 0 : i32
    %sign3A_10 = arith.cmpi sgt, %jit3A, %sign3A_9 : i32
    %sign3A_11 = arith.extui %sign3A_10 : i1 to i32
    %sign3A_12 = arith.constant 0 : i32
    %sign3A_13 = arith.cmpi slt, %jit3A, %sign3A_12 : i32
    %sign3A_14 = arith.extui %sign3A_13 : i1 to i32
    %sign3A_15 = arith.subi %sign3A_11, %sign3A_14 : i32
    %ne3A = arith.cmpi ne, %sign3A_8, %sign3A_15 : i32
    %rem3A = arith.remsi %add3A, %jit3A : i32
    %ne3A_16 = arith.constant 0 : i32
    %ne3A_17 = arith.cmpi ne, %rem3A, %ne3A_16 : i32
    %and3A = arith.andi %ne3A, %ne3A_17 : i1
    %sub3A = arith.constant 1 : i32
    %sub3A_18 = arith.subi %div3A, %sub3A : i32
    %select_n3A = arith.select %and3A, %sub3A_18, %div3A : i32
    %multiple_of3A = tpu.assume_multiple %select_n3A, 8 : i32
    %mul3A_19 = arith.constant 640 : i32
    %mul3A_20 = arith.muli %arg1, %mul3A_19 : i32
    %multiple_of3A_21 = tpu.assume_multiple %mul3A_20, 8 : i32
    %dma_start3A = arith.constant 0 : i32
    %dma_start3A_22 = tpu.memref_slice %arg2[%multiple_of3A, %dma_start3A] : memref<2560x128xi32, #tpu.memory_space<hbm>> -> memref<80x128xi32, #tpu.memory_space<hbm>>
    %dma_start3A_23 = arith.constant 0 : i32
    %dma_start3A_24 = tpu.memref_slice %arg2[%multiple_of3A, %dma_start3A_23] : memref<2560x128xi32, #tpu.memory_space<hbm>> -> memref<80x128xi32, #tpu.memory_space<hbm>>
    tpu.enqueue_dma source(%dma_start3A_24 : memref<80x128xi32, #tpu.memory_space<hbm>>) target(%arg4 : memref<80x128xi32, #tpu.memory_space<vmem>>) target_semaphore(%arg7 : memref<!tpu.dma_semaphore, #tpu.memory_space<semaphore_mem>>)
    %scan3A = arith.constant 0 : i32
    %scan3A_25 = arith.constant 128 : i32
    %scan3A_26 = arith.addi %scan3A, %scan3A_25 : i32
    %scan3A_27 = arith.constant 1 : i32
    scf.for %scan3A_48 = %scan3A to %scan3A_26 step %scan3A_27  : i32 {
      %mul3A_49 = arith.constant 1 : i32
      %mul3A_50 = arith.muli %scan3A_48, %mul3A_49 : i32
      %add3A_51 = arith.constant 0 : i32
      %add3A_52 = arith.addi %add3A_51, %mul3A_50 : i32
      %broadcast_in_dim3A = arith.constant 0.000000e+00 : f32
      %broadcast_in_dim3A_53 = vector.broadcast %broadcast_in_dim3A : f32 to vector<16xf32>
      %swap3A = arith.index_cast %add3A_52 : i32 to index
      %swap3A_54 = arith.constant 0 : index
      %swap3A_55 = tpu.vector_load %arg5[%swap3A, %swap3A_54] {strides = array<i32>} : memref<128x16xf32, #tpu.memory_space<vmem>>, vector<1x16xf32>,
      %swap3A_56 = vector.shape_cast %swap3A_55 : vector<1x16xf32> to vector<16xf32>
      %swap3A_57 = vector.shape_cast %broadcast_in_dim3A_53 : vector<16xf32> to vector<1x16xf32>
      tpu.vector_store %arg5[%swap3A, %swap3A_54], %swap3A_57 {strides = array<i32>} : memref<128x16xf32, #tpu.memory_space<vmem>>, vector<1x16xf32>,
    }
    %scan3A_28 = arith.constant 128 : i32
    %scan3A_29 = arith.constant 0 : i32
    %scan3A_30 = arith.constant 5 : i32
    %scan3A_31 = arith.addi %scan3A_29, %scan3A_30 : i32
    %scan3A_32 = arith.constant 1 : i32
    scf.for %scan3A_48 = %scan3A_29 to %scan3A_31 step %scan3A_32  : i32 {
      %mul3A_49 = arith.constant 128 : i32
      %mul3A_50 = arith.muli %scan3A_48, %mul3A_49 : i32
      %add3A_51 = arith.constant 0 : i32
      %add3A_52 = arith.addi %add3A_51, %mul3A_50 : i32
      %add3A_53 = arith.addi %multiple_of3A_21, %add3A_52 : i32
      "tpu.region"() ({
        %run_scoped3A = tpu.sem_alloc : memref<!tpu.dma_semaphore, #tpu.memory_space<semaphore_mem>>
        %dma_start3A_54 = arith.constant 0 : i32
        %dma_start3A_55 = tpu.memref_slice %arg6[%add3A_53, %dma_start3A_54] : memref<10240x16xf32, #tpu.memory_space<vmem_shared>> -> memref<128x16xf32, #tpu.memory_space<vmem_shared>>
        %dma_start3A_56 = arith.constant 0 : i32
        %dma_start3A_57 = tpu.memref_slice %arg6[%add3A_53, %dma_start3A_56] : memref<10240x16xf32, #tpu.memory_space<vmem_shared>> -> memref<128x16xf32, #tpu.memory_space<vmem_shared>>
        tpu.enqueue_dma source(%arg5 : memref<128x16xf32, #tpu.memory_space<vmem>>) target(%dma_start3A_57 : memref<128x16xf32, #tpu.memory_space<vmem_shared>>) target_semaphore(%run_scoped3A : memref<!tpu.dma_semaphore, #tpu.memory_space<semaphore_mem>>)
        %dma_wait3A_58 = arith.constant 0 : i32
        %dma_wait3A_59 = tpu.memref_slice %arg6[%add3A_53, %dma_wait3A_58] : memref<10240x16xf32, #tpu.memory_space<vmem_shared>> -> memref<128x16xf32, #tpu.memory_space<vmem_shared>>
        %dma_wait3A_60 = arith.constant 0 : i32
        %dma_wait3A_61 = tpu.memref_slice %arg6[%add3A_53, %dma_wait3A_60] : memref<10240x16xf32, #tpu.memory_space<vmem_shared>> -> memref<128x16xf32, #tpu.memory_space<vmem_shared>>
        tpu.wait_dma2 semaphore(%run_scoped3A : memref<!tpu.dma_semaphore, #tpu.memory_space<semaphore_mem>>) src(%arg5 : memref<128x16xf32, #tpu.memory_space<vmem>>) dst(%dma_wait3A_61 : memref<128x16xf32, #tpu.memory_space<vmem_shared>>)
        tpu.yield
      }) : () -> ()
    }
    %scan3A_33 = arith.constant 5 : i32
    %scan3A_34 = arith.constant 0 : i32
    %scan3A_35 = arith.constant 128 : i32
    %scan3A_36 = arith.addi %scan3A_34, %scan3A_35 : i32
    %scan3A_37 = arith.constant 1 : i32
    scf.for %scan3A_48 = %scan3A_34 to %scan3A_36 step %scan3A_37  : i32 {
      %mul3A_49 = arith.constant 1 : i32
      %mul3A_50 = arith.muli %scan3A_48, %mul3A_49 : i32
      %add3A_51 = arith.constant 0 : i32
      %add3A_52 = arith.addi %add3A_51, %mul3A_50 : i32
      %broadcast_in_dim3A = arith.constant 1.000000e+00 : f32
      %broadcast_in_dim3A_53 = vector.broadcast %broadcast_in_dim3A : f32 to vector<16xf32>
      %swap3A = arith.index_cast %add3A_52 : i32 to index
      %swap3A_54 = arith.constant 0 : index
      %swap3A_55 = tpu.vector_load %arg5[%swap3A, %swap3A_54] {strides = array<i32>} : memref<128x16xf32, #tpu.memory_space<vmem>>, vector<1x16xf32>,
      %swap3A_56 = vector.shape_cast %swap3A_55 : vector<1x16xf32> to vector<16xf32>
      %swap3A_57 = vector.shape_cast %broadcast_in_dim3A_53 : vector<16xf32> to vector<1x16xf32>
      tpu.vector_store %arg5[%swap3A, %swap3A_54], %swap3A_57 {strides = array<i32>} : memref<128x16xf32, #tpu.memory_space<vmem>>, vector<1x16xf32>,
    }
    %scan3A_38 = arith.constant 128 : i32
    %dma_wait3A = arith.constant 0 : i32
    %dma_wait3A_39 = tpu.memref_slice %arg2[%multiple_of3A, %dma_wait3A] : memref<2560x128xi32, #tpu.memory_space<hbm>> -> memref<80x128xi32, #tpu.memory_space<hbm>>
    %dma_wait3A_40 = arith.constant 0 : i32
    %dma_wait3A_41 = tpu.memref_slice %arg2[%multiple_of3A, %dma_wait3A_40] : memref<2560x128xi32, #tpu.memory_space<hbm>> -> memref<80x128xi32, #tpu.memory_space<hbm>>
    tpu.wait_dma2 semaphore(%arg7 : memref<!tpu.dma_semaphore, #tpu.memory_space<semaphore_mem>>) src(%dma_wait3A_41 : memref<80x128xi32, #tpu.memory_space<hbm>>) dst(%arg4 : memref<80x128xi32, #tpu.memory_space<vmem>>)
    %barrier3A = arith.constant 0 : index
    tpu.barrier barrier_id(%barrier3A)
    %scan3A_42 = arith.constant 0 : i32
    %scan3A_43 = arith.constant 80 : i32
    %scan3A_44 = arith.addi %scan3A_42, %scan3A_43 : i32
    %scan3A_45 = arith.constant 1 : i32
    scf.for %scan3A_48 = %scan3A_42 to %scan3A_44 step %scan3A_45  : i32 {
      %mul3A_49 = arith.constant 1 : i32
      %mul3A_50 = arith.muli %scan3A_48, %mul3A_49 : i32
      %add3A_51 = arith.constant 0 : i32
      %add3A_52 = arith.addi %add3A_51, %mul3A_50 : i32
      "tpu.region"() ({
        %run_scoped3A = tpu.sem_alloc : memref<!tpu.dma_semaphore, #tpu.memory_space<semaphore_mem>>
        %dma_start3A_53 = arith.constant 0 : i32
        %dma_start3A_54 = tpu.memref_slice %arg4[%add3A_52, %dma_start3A_53] : memref<80x128xi32, #tpu.memory_space<vmem>> -> memref<1x128xi32, #tpu.memory_space<vmem>>
        %dma_start3A_55 = tpu.memref_squeeze %dma_start3A_54 : memref<1x128xi32, #tpu.memory_space<vmem>> -> memref<128xi32, #tpu.memory_space<vmem>>
        %dma_start3A_56 = arith.constant 0 : i32
        %dma_start3A_57 = arith.constant 0 : i32
        %dma_start3A_58 = tpu.memref_slice %arg6[%dma_start3A_56, %dma_start3A_57] : memref<10240x16xf32, #tpu.memory_space<vmem_shared>> -> memref<10240x16xf32, #tpu.memory_space<vmem_shared>>
        tpu.enqueue_indirect_dma source(%arg5 : memref<128x16xf32, #tpu.memory_space<vmem>>) target(%dma_start3A_58 : memref<10240x16xf32, #tpu.memory_space<vmem_shared>>) offsets(%dma_start3A_55 : memref<128xi32, #tpu.memory_space<vmem>>) semaphore(%run_scoped3A : memref<!tpu.dma_semaphore, #tpu.memory_space<semaphore_mem>>) {add = true}
        %dma_wait3A_59 = arith.constant 0 : i32
        %dma_wait3A_60 = tpu.memref_slice %arg4[%add3A_52, %dma_wait3A_59] : memref<80x128xi32, #tpu.memory_space<vmem>> -> memref<1x128xi32, #tpu.memory_space<vmem>>
        %dma_wait3A_61 = tpu.memref_squeeze %dma_wait3A_60 : memref<1x128xi32, #tpu.memory_space<vmem>> -> memref<128xi32, #tpu.memory_space<vmem>>
        %dma_wait3A_62 = arith.constant 0 : i32
        %dma_wait3A_63 = arith.constant 0 : i32
        %dma_wait3A_64 = tpu.memref_slice %arg6[%dma_wait3A_62, %dma_wait3A_63] : memref<10240x16xf32, #tpu.memory_space<vmem_shared>> -> memref<10240x16xf32, #tpu.memory_space<vmem_shared>>
        tpu.wait_indirect_dma semaphore(%run_scoped3A : memref<!tpu.dma_semaphore, #tpu.memory_space<semaphore_mem>>) src(%arg5 : memref<128x16xf32, #tpu.memory_space<vmem>>) dst(%dma_wait3A_64 : memref<10240x16xf32, #tpu.memory_space<vmem_shared>>)
        tpu.yield
      }) : () -> ()
    }
    %scan3A_46 = arith.constant 80 : i32
    %barrier3A_47 = arith.constant 0 : index
    tpu.barrier barrier_id(%barrier3A_47)
    "tpu.region"() ({
      %run_scoped3A = tpu.sem_alloc : memref<!tpu.dma_semaphore, #tpu.memory_space<semaphore_mem>>
      %dma_start3A_48 = arith.constant 0 : i32
      %dma_start3A_49 = tpu.memref_slice %arg3[%arg0, %multiple_of3A_21, %dma_start3A_48] : memref<2x10240x16xf32, #tpu.memory_space<hbm>> -> memref<1x640x16xf32, #tpu.memory_space<hbm>>
      %dma_start3A_50 = tpu.memref_squeeze %dma_start3A_49 : memref<1x640x16xf32, #tpu.memory_space<hbm>> -> memref<640x16xf32, #tpu.memory_space<hbm>>
      %dma_start3A_51 = arith.constant 0 : i32
      %dma_start3A_52 = tpu.memref_slice %arg6[%multiple_of3A_21, %dma_start3A_51] : memref<10240x16xf32, #tpu.memory_space<vmem_shared>> -> memref<640x16xf32, #tpu.memory_space<vmem_shared>>
      tpu.enqueue_dma source(%dma_start3A_52 : memref<640x16xf32, #tpu.memory_space<vmem_shared>>) target(%dma_start3A_50 : memref<640x16xf32, #tpu.memory_space<hbm>>) target_semaphore(%run_scoped3A : memref<!tpu.dma_semaphore, #tpu.memory_space<semaphore_mem>>)
      %dma_wait3A_53 = arith.constant 0 : i32
      %dma_wait3A_54 = tpu.memref_slice %arg3[%arg0, %multiple_of3A_21, %dma_wait3A_53] : memref<2x10240x16xf32, #tpu.memory_space<hbm>> -> memref<1x640x16xf32, #tpu.memory_space<hbm>>
      %dma_wait3A_55 = tpu.memref_squeeze %dma_wait3A_54 : memref<1x640x16xf32, #tpu.memory_space<hbm>> -> memref<640x16xf32, #tpu.memory_space<hbm>>
      %dma_wait3A_56 = arith.constant 0 : i32
      %dma_wait3A_57 = tpu.memref_slice %arg6[%multiple_of3A_21, %dma_wait3A_56] : memref<10240x16xf32, #tpu.memory_space<vmem_shared>> -> memref<640x16xf32, #tpu.memory_space<vmem_shared>>
      tpu.wait_dma2 semaphore(%run_scoped3A : memref<!tpu.dma_semaphore, #tpu.memory_space<semaphore_mem>>) src(%dma_wait3A_57 : memref<640x16xf32, #tpu.memory_space<vmem_shared>>) dst(%dma_wait3A_55 : memref<640x16xf32, #tpu.memory_space<hbm>>)
      tpu.yield
    }) : () -> ()
    return
  }
}

#map = affine_map<(d0, d1) -> (0, 0)>
#map1 = affine_map<(d0, d1) -> (0, 0, 0)>
module attributes {stable_mosaic.version = 14 : i64} {
  func.func @k(%arg0: i32, %arg1: i32, %arg2: memref<10240x128xf32, #tpu.memory_space<hbm>>, %arg3: memref<2560x128xi32, #tpu.memory_space<hbm>>, %arg4: memref<2560x128xi32, #tpu.memory_space<hbm>>, %arg5: memref<2x10240x128xf32, #tpu.memory_space<hbm>>, %arg6: memref<40x128xi32, #tpu.memory_space<vmem>>, %arg7: memref<40x128xi32, #tpu.memory_space<vmem>>, %arg8: memref<128x128xf32, #tpu.memory_space<vmem>>, %arg9: memref<128x128xf32, #tpu.memory_space<vmem>>, %arg10: memref<10240x128xf32, #tpu.memory_space<vmem_shared>>, %arg11: memref<!tpu.dma_semaphore, #tpu.memory_space<semaphore_mem>>, %arg12: memref<!tpu.dma_semaphore, #tpu.memory_space<semaphore_mem>>, %arg13: memref<!tpu.dma_semaphore, #tpu.memory_space<semaphore_mem>>) attributes {dimension_semantics = [#tpu.dimension_semantics<core_parallel>, #tpu.dimension_semantics<subcore_parallel>], iteration_bounds = array<i64: 2, 16>, scalar_prefetch = 0 : i64, scratch_operands = 8 : i64, tpu.core_type = #tpu.core_type<sc_vector_subcore>, window_params = [{transform_indices = #map}, {transform_indices = #map}, {transform_indices = #map}, {transform_indices = #map1}]} {
    %mul3A = arith.constant 163840 : i32
    %mul3A_0 = arith.muli %arg0, %mul3A : i32
    %mul3A_1 = arith.constant 10240 : i32
    %mul3A_2 = arith.muli %arg1, %mul3A_1 : i32
    %add3A = arith.addi %mul3A_0, %mul3A_2 : i32
    %jit3A = arith.constant 128 : i32
    %div3A = arith.divsi %add3A, %jit3A : i32
    %sign3A = arith.constant 0 : i32
    %sign3A_3 = arith.cmpi sgt, %add3A, %sign3A : i32
    %sign3A_4 = arith.extui %sign3A_3 : i1 to i32
    %sign3A_5 = arith.constant 0 : i32
    %sign3A_6 = arith.cmpi slt, %add3A, %sign3A_5 : i32
    %sign3A_7 = arith.extui %sign3A_6 : i1 to i32
    %sign3A_8 = arith.subi %sign3A_4, %sign3A_7 : i32
    %sign3A_9 = arith.constant 0 : i32
    %sign3A_10 = arith.cmpi sgt, %jit3A, %sign3A_9 : i32
    %sign3A_11 = arith.extui %sign3A_10 : i1 to i32
    %sign3A_12 = arith.constant 0 : i32
    %sign3A_13 = arith.cmpi slt, %jit3A, %sign3A_12 : i32
    %sign3A_14 = arith.extui %sign3A_13 : i1 to i32
    %sign3A_15 = arith.subi %sign3A_11, %sign3A_14 : i32
    %ne3A = arith.cmpi ne, %sign3A_8, %sign3A_15 : i32
    %rem3A = arith.remsi %add3A, %jit3A : i32
    %ne3A_16 = arith.constant 0 : i32
    %ne3A_17 = arith.cmpi ne, %rem3A, %ne3A_16 : i32
    %and3A = arith.andi %ne3A, %ne3A_17 : i1
    %sub3A = arith.constant 1 : i32
    %sub3A_18 = arith.subi %div3A, %sub3A : i32
    %select_n3A = arith.select %and3A, %sub3A_18, %div3A : i32
    %multiple_of3A = tpu.assume_multiple %select_n3A, 8 : i32
    %mul3A_19 = arith.constant 640 : i32
    %mul3A_20 = arith.muli %arg1, %mul3A_19 : i32
    %multiple_of3A_21 = tpu.assume_multiple %mul3A_20, 8 : i32
    %dma_start3A = arith.constant 0 : i32
    %dma_start3A_22 = tpu.memref_slice %arg3[%multiple_of3A, %dma_start3A] : memref<2560x128xi32, #tpu.memory_space<hbm>> -> memref<40x128xi32, #tpu.memory_space<hbm>>
    %dma_start3A_23 = arith.constant 0 : i32
    %dma_start3A_24 = tpu.memref_slice %arg3[%multiple_of3A, %dma_start3A_23] : memref<2560x128xi32, #tpu.memory_space<hbm>> -> memref<40x128xi32, #tpu.memory_space<hbm>>
    tpu.enqueue_dma source(%dma_start3A_24 : memref<40x128xi32, #tpu.memory_space<hbm>>) target(%arg6 : memref<40x128xi32, #tpu.memory_space<vmem>>) target_semaphore(%arg11 : memref<!tpu.dma_semaphore, #tpu.memory_space<semaphore_mem>>)
    %dma_start3A_25 = arith.constant 0 : i32
    %dma_start3A_26 = tpu.memref_slice %arg4[%multiple_of3A, %dma_start3A_25] : memref<2560x128xi32, #tpu.memory_space<hbm>> -> memref<40x128xi32, #tpu.memory_space<hbm>>
    %dma_start3A_27 = arith.constant 0 : i32
    %dma_start3A_28 = tpu.memref_slice %arg4[%multiple_of3A, %dma_start3A_27] : memref<2560x128xi32, #tpu.memory_space<hbm>> -> memref<40x128xi32, #tpu.memory_space<hbm>>
    tpu.enqueue_dma source(%dma_start3A_28 : memref<40x128xi32, #tpu.memory_space<hbm>>) target(%arg7 : memref<40x128xi32, #tpu.memory_space<vmem>>) target_semaphore(%arg11 : memref<!tpu.dma_semaphore, #tpu.memory_space<semaphore_mem>>)
    %scan3A = arith.constant 0 : i32
    %scan3A_29 = arith.constant 128 : i32
    %scan3A_30 = arith.addi %scan3A, %scan3A_29 : i32
    %scan3A_31 = arith.constant 1 : i32
    scf.for %scan3A_73 = %scan3A to %scan3A_30 step %scan3A_31  : i32 {
      %mul3A_74 = arith.constant 1 : i32
      %mul3A_75 = arith.muli %scan3A_73, %mul3A_74 : i32
      %add3A_76 = arith.constant 0 : i32
      %add3A_77 = arith.addi %add3A_76, %mul3A_75 : i32
      %scan3A_78 = arith.constant 0 : i32
      %scan3A_79 = arith.constant 8 : i32
      %scan3A_80 = arith.addi %scan3A_78, %scan3A_79 : i32
      %scan3A_81 = arith.constant 1 : i32
      scf.for %scan3A_83 = %scan3A_78 to %scan3A_80 step %scan3A_81  : i32 {
        %mul3A_84 = arith.constant 16 : i32
        %mul3A_85 = arith.muli %scan3A_83, %mul3A_84 : i32
        %add3A_86 = arith.constant 0 : i32
        %add3A_87 = arith.addi %add3A_86, %mul3A_85 : i32
        %broadcast_in_dim3A = arith.constant 0.000000e+00 : f32
        %broadcast_in_dim3A_88 = vector.broadcast %broadcast_in_dim3A : f32 to vector<16xf32>
        %swap3A = arith.index_cast %add3A_77 : i32 to index
        %swap3A_89 = arith.index_cast %add3A_87 : i32 to index
        %swap3A_90 = tpu.vector_load %arg8[%swap3A, %swap3A_89] {strides = array<i32>} : memref<128x128xf32, #tpu.memory_space<vmem>>, vector<1x16xf32>,
        %swap3A_91 = vector.shape_cast %swap3A_90 : vector<1x16xf32> to vector<16xf32>
        %swap3A_92 = vector.shape_cast %broadcast_in_dim3A_88 : vector<16xf32> to vector<1x16xf32>
        tpu.vector_store %arg8[%swap3A, %swap3A_89], %swap3A_92 {strides = array<i32>} : memref<128x128xf32, #tpu.memory_space<vmem>>, vector<1x16xf32>,
      }
      %scan3A_82 = arith.constant 8 : i32
    }
    %scan3A_32 = arith.constant 128 : i32
    %scan3A_33 = arith.constant 0 : i32
    %scan3A_34 = arith.constant 5 : i32
    %scan3A_35 = arith.addi %scan3A_33, %scan3A_34 : i32
    %scan3A_36 = arith.constant 1 : i32
    scf.for %scan3A_73 = %scan3A_33 to %scan3A_35 step %scan3A_36  : i32 {
      %mul3A_74 = arith.constant 128 : i32
      %mul3A_75 = arith.muli %scan3A_73, %mul3A_74 : i32
      %add3A_76 = arith.constant 0 : i32
      %add3A_77 = arith.addi %add3A_76, %mul3A_75 : i32
      %add3A_78 = arith.addi %multiple_of3A_21, %add3A_77 : i32
      "tpu.region"() ({
        %run_scoped3A = tpu.sem_alloc : memref<!tpu.dma_semaphore, #tpu.memory_space<semaphore_mem>>
        %dma_start3A_79 = arith.constant 0 : i32
        %dma_start3A_80 = tpu.memref_slice %arg10[%add3A_78, %dma_start3A_79] : memref<10240x128xf32, #tpu.memory_space<vmem_shared>> -> memref<128x128xf32, #tpu.memory_space<vmem_shared>>
        %dma_start3A_81 = arith.constant 0 : i32
        %dma_start3A_82 = tpu.memref_slice %arg10[%add3A_78, %dma_start3A_81] : memref<10240x128xf32, #tpu.memory_space<vmem_shared>> -> memref<128x128xf32, #tpu.memory_space<vmem_shared>>
        tpu.enqueue_dma source(%arg8 : memref<128x128xf32, #tpu.memory_space<vmem>>) target(%dma_start3A_82 : memref<128x128xf32, #tpu.memory_space<vmem_shared>>) target_semaphore(%run_scoped3A : memref<!tpu.dma_semaphore, #tpu.memory_space<semaphore_mem>>)
        %dma_wait3A_83 = arith.constant 0 : i32
        %dma_wait3A_84 = tpu.memref_slice %arg10[%add3A_78, %dma_wait3A_83] : memref<10240x128xf32, #tpu.memory_space<vmem_shared>> -> memref<128x128xf32, #tpu.memory_space<vmem_shared>>
        %dma_wait3A_85 = arith.constant 0 : i32
        %dma_wait3A_86 = tpu.memref_slice %arg10[%add3A_78, %dma_wait3A_85] : memref<10240x128xf32, #tpu.memory_space<vmem_shared>> -> memref<128x128xf32, #tpu.memory_space<vmem_shared>>
        tpu.wait_dma2 semaphore(%run_scoped3A : memref<!tpu.dma_semaphore, #tpu.memory_space<semaphore_mem>>) src(%arg8 : memref<128x128xf32, #tpu.memory_space<vmem>>) dst(%dma_wait3A_86 : memref<128x128xf32, #tpu.memory_space<vmem_shared>>)
        tpu.yield
      }) : () -> ()
    }
    %scan3A_37 = arith.constant 5 : i32
    %dma_wait3A = arith.constant 0 : i32
    %dma_wait3A_38 = tpu.memref_slice %arg3[%multiple_of3A, %dma_wait3A] : memref<2560x128xi32, #tpu.memory_space<hbm>> -> memref<40x128xi32, #tpu.memory_space<hbm>>
    %dma_wait3A_39 = arith.constant 0 : i32
    %dma_wait3A_40 = tpu.memref_slice %arg3[%multiple_of3A, %dma_wait3A_39] : memref<2560x128xi32, #tpu.memory_space<hbm>> -> memref<40x128xi32, #tpu.memory_space<hbm>>
    tpu.wait_dma2 semaphore(%arg11 : memref<!tpu.dma_semaphore, #tpu.memory_space<semaphore_mem>>) src(%dma_wait3A_40 : memref<40x128xi32, #tpu.memory_space<hbm>>) dst(%arg6 : memref<40x128xi32, #tpu.memory_space<vmem>>)
    %dma_wait3A_41 = arith.constant 0 : i32
    %dma_wait3A_42 = tpu.memref_slice %arg4[%multiple_of3A, %dma_wait3A_41] : memref<2560x128xi32, #tpu.memory_space<hbm>> -> memref<40x128xi32, #tpu.memory_space<hbm>>
    %dma_wait3A_43 = arith.constant 0 : i32
    %dma_wait3A_44 = tpu.memref_slice %arg4[%multiple_of3A, %dma_wait3A_43] : memref<2560x128xi32, #tpu.memory_space<hbm>> -> memref<40x128xi32, #tpu.memory_space<hbm>>
    tpu.wait_dma2 semaphore(%arg11 : memref<!tpu.dma_semaphore, #tpu.memory_space<semaphore_mem>>) src(%dma_wait3A_44 : memref<40x128xi32, #tpu.memory_space<hbm>>) dst(%arg7 : memref<40x128xi32, #tpu.memory_space<vmem>>)
    %barrier3A = arith.constant 0 : index
    tpu.barrier barrier_id(%barrier3A)
    %dma_start3A_45 = arith.constant 0 : i32
    %dma_start3A_46 = arith.constant 0 : i32
    %dma_start3A_47 = tpu.memref_slice %arg6[%dma_start3A_45, %dma_start3A_46] : memref<40x128xi32, #tpu.memory_space<vmem>> -> memref<1x128xi32, #tpu.memory_space<vmem>>
    %dma_start3A_48 = tpu.memref_squeeze %dma_start3A_47 : memref<1x128xi32, #tpu.memory_space<vmem>> -> memref<128xi32, #tpu.memory_space<vmem>>
    %dma_start3A_49 = arith.constant 0 : i32
    %dma_start3A_50 = arith.constant 0 : i32
    %dma_start3A_51 = tpu.memref_slice %arg2[%dma_start3A_49, %dma_start3A_50] : memref<10240x128xf32, #tpu.memory_space<hbm>> -> memref<10240x128xf32, #tpu.memory_space<hbm>>
    tpu.enqueue_indirect_dma source(%dma_start3A_51 : memref<10240x128xf32, #tpu.memory_space<hbm>>) target(%arg8 : memref<128x128xf32, #tpu.memory_space<vmem>>) offsets(%dma_start3A_48 : memref<128xi32, #tpu.memory_space<vmem>>) semaphore(%arg12 : memref<!tpu.dma_semaphore, #tpu.memory_space<semaphore_mem>>)
    %scan3A_52 = arith.constant 0 : i32
    %scan3A_53 = arith.constant 20 : i32
    %scan3A_54 = arith.addi %scan3A_52, %scan3A_53 : i32
    %scan3A_55 = arith.constant 1 : i32
    scf.for %scan3A_73 = %scan3A_52 to %scan3A_54 step %scan3A_55  : i32 {
      %mul3A_74 = arith.constant 2 : i32
      %mul3A_75 = arith.muli %scan3A_73, %mul3A_74 : i32
      %add3A_76 = arith.constant 0 : i32
      %add3A_77 = arith.addi %add3A_76, %mul3A_75 : i32
      %dma_wait3A_78 = arith.constant 0 : i32
      %dma_wait3A_79 = tpu.memref_slice %arg6[%add3A_77, %dma_wait3A_78] : memref<40x128xi32, #tpu.memory_space<vmem>> -> memref<1x128xi32, #tpu.memory_space<vmem>>
      %dma_wait3A_80 = tpu.memref_squeeze %dma_wait3A_79 : memref<1x128xi32, #tpu.memory_space<vmem>> -> memref<128xi32, #tpu.memory_space<vmem>>
      %dma_wait3A_81 = arith.constant 0 : i32
      %dma_wait3A_82 = arith.constant 0 : i32
      %dma_wait3A_83 = tpu.memref_slice %arg2[%dma_wait3A_81, %dma_wait3A_82] : memref<10240x128xf32, #tpu.memory_space<hbm>> -> memref<10240x128xf32, #tpu.memory_space<hbm>>
      tpu.wait_indirect_dma semaphore(%arg12 : memref<!tpu.dma_semaphore, #tpu.memory_space<semaphore_mem>>) src(%dma_wait3A_83 : memref<10240x128xf32, #tpu.memory_space<hbm>>) dst(%arg8 : memref<128x128xf32, #tpu.memory_space<vmem>>)
      %add3A_84 = arith.constant 1 : i32
      %add3A_85 = arith.addi %add3A_77, %add3A_84 : i32
      %lt3A = arith.constant 40 : i32
      %lt3A_86 = arith.cmpi slt, %add3A_85, %lt3A : i32
      %convert_element_type3A = arith.extui %lt3A_86 : i1 to i32
      %cond3A = arith.constant 0 : i32
      %cond3A_87 = arith.cmpi ne, %convert_element_type3A, %cond3A : i32
      scf.if %cond3A_87 {
        %add3A_95 = arith.constant 1 : i32
        %add3A_96 = arith.addi %add3A_77, %add3A_95 : i32
        %dma_start3A_97 = arith.constant 0 : i32
        %dma_start3A_98 = tpu.memref_slice %arg6[%add3A_96, %dma_start3A_97] : memref<40x128xi32, #tpu.memory_space<vmem>> -> memref<1x128xi32, #tpu.memory_space<vmem>>
        %dma_start3A_99 = tpu.memref_squeeze %dma_start3A_98 : memref<1x128xi32, #tpu.memory_space<vmem>> -> memref<128xi32, #tpu.memory_space<vmem>>
        %dma_start3A_100 = arith.constant 0 : i32
        %dma_start3A_101 = arith.constant 0 : i32
        %dma_start3A_102 = tpu.memref_slice %arg2[%dma_start3A_100, %dma_start3A_101] : memref<10240x128xf32, #tpu.memory_space<hbm>> -> memref<10240x128xf32, #tpu.memory_space<hbm>>
        tpu.enqueue_indirect_dma source(%dma_start3A_102 : memref<10240x128xf32, #tpu.memory_space<hbm>>) target(%arg9 : memref<128x128xf32, #tpu.memory_space<vmem>>) offsets(%dma_start3A_99 : memref<128xi32, #tpu.memory_space<vmem>>) semaphore(%arg13 : memref<!tpu.dma_semaphore, #tpu.memory_space<semaphore_mem>>)
      } else {
      }
      "tpu.region"() ({
        %run_scoped3A = tpu.sem_alloc : memref<!tpu.dma_semaphore, #tpu.memory_space<semaphore_mem>>
        %dma_start3A_95 = arith.constant 0 : i32
        %dma_start3A_96 = tpu.memref_slice %arg7[%add3A_77, %dma_start3A_95] : memref<40x128xi32, #tpu.memory_space<vmem>> -> memref<1x128xi32, #tpu.memory_space<vmem>>
        %dma_start3A_97 = tpu.memref_squeeze %dma_start3A_96 : memref<1x128xi32, #tpu.memory_space<vmem>> -> memref<128xi32, #tpu.memory_space<vmem>>
        %dma_start3A_98 = arith.constant 0 : i32
        %dma_start3A_99 = arith.constant 0 : i32
        %dma_start3A_100 = tpu.memref_slice %arg10[%dma_start3A_98, %dma_start3A_99] : memref<10240x128xf32, #tpu.memory_space<vmem_shared>> -> memref<10240x128xf32, #tpu.memory_space<vmem_shared>>
        tpu.enqueue_indirect_dma source(%arg8 : memref<128x128xf32, #tpu.memory_space<vmem>>) target(%dma_start3A_100 : memref<10240x128xf32, #tpu.memory_space<vmem_shared>>) offsets(%dma_start3A_97 : memref<128xi32, #tpu.memory_space<vmem>>) semaphore(%run_scoped3A : memref<!tpu.dma_semaphore, #tpu.memory_space<semaphore_mem>>) {add = true}
        %dma_wait3A_101 = arith.constant 0 : i32
        %dma_wait3A_102 = tpu.memref_slice %arg7[%add3A_77, %dma_wait3A_101] : memref<40x128xi32, #tpu.memory_space<vmem>> -> memref<1x128xi32, #tpu.memory_space<vmem>>
        %dma_wait3A_103 = tpu.memref_squeeze %dma_wait3A_102 : memref<1x128xi32, #tpu.memory_space<vmem>> -> memref<128xi32, #tpu.memory_space<vmem>>
        %dma_wait3A_104 = arith.constant 0 : i32
        %dma_wait3A_105 = arith.constant 0 : i32
        %dma_wait3A_106 = tpu.memref_slice %arg10[%dma_wait3A_104, %dma_wait3A_105] : memref<10240x128xf32, #tpu.memory_space<vmem_shared>> -> memref<10240x128xf32, #tpu.memory_space<vmem_shared>>
        tpu.wait_indirect_dma semaphore(%run_scoped3A : memref<!tpu.dma_semaphore, #tpu.memory_space<semaphore_mem>>) src(%arg8 : memref<128x128xf32, #tpu.memory_space<vmem>>) dst(%dma_wait3A_106 : memref<10240x128xf32, #tpu.memory_space<vmem_shared>>)
        tpu.yield
      }) : () -> ()
      %add3A_88 = arith.constant 1 : i32
      %add3A_89 = arith.addi %add3A_77, %add3A_88 : i32
      %lt3A_90 = arith.constant 40 : i32
      %lt3A_91 = arith.cmpi slt, %add3A_89, %lt3A_90 : i32
      %convert_element_type3A_92 = arith.extui %lt3A_91 : i1 to i32
      %cond3A_93 = arith.constant 0 : i32
      %cond3A_94 = arith.cmpi ne, %convert_element_type3A_92, %cond3A_93 : i32
      scf.if %cond3A_94 {
        %add3A_95 = arith.constant 1 : i32
        %add3A_96 = arith.addi %add3A_77, %add3A_95 : i32
        %dma_wait3A_97 = arith.constant 0 : i32
        %dma_wait3A_98 = tpu.memref_slice %arg6[%add3A_96, %dma_wait3A_97] : memref<40x128xi32, #tpu.memory_space<vmem>> -> memref<1x128xi32, #tpu.memory_space<vmem>>
        %dma_wait3A_99 = tpu.memref_squeeze %dma_wait3A_98 : memref<1x128xi32, #tpu.memory_space<vmem>> -> memref<128xi32, #tpu.memory_space<vmem>>
        %dma_wait3A_100 = arith.constant 0 : i32
        %dma_wait3A_101 = arith.constant 0 : i32
        %dma_wait3A_102 = tpu.memref_slice %arg2[%dma_wait3A_100, %dma_wait3A_101] : memref<10240x128xf32, #tpu.memory_space<hbm>> -> memref<10240x128xf32, #tpu.memory_space<hbm>>
        tpu.wait_indirect_dma semaphore(%arg13 : memref<!tpu.dma_semaphore, #tpu.memory_space<semaphore_mem>>) src(%dma_wait3A_102 : memref<10240x128xf32, #tpu.memory_space<hbm>>) dst(%arg9 : memref<128x128xf32, #tpu.memory_space<vmem>>)
        %add3A_103 = arith.constant 2 : i32
        %add3A_104 = arith.addi %add3A_77, %add3A_103 : i32
        %lt3A_105 = arith.constant 40 : i32
        %lt3A_106 = arith.cmpi slt, %add3A_104, %lt3A_105 : i32
        %convert_element_type3A_107 = arith.extui %lt3A_106 : i1 to i32
        %cond3A_108 = arith.constant 0 : i32
        %cond3A_109 = arith.cmpi ne, %convert_element_type3A_107, %cond3A_108 : i32
        scf.if %cond3A_109 {
          %add3A_112 = arith.constant 2 : i32
          %add3A_113 = arith.addi %add3A_77, %add3A_112 : i32
          %dma_start3A_114 = arith.constant 0 : i32
          %dma_start3A_115 = tpu.memref_slice %arg6[%add3A_113, %dma_start3A_114] : memref<40x128xi32, #tpu.memory_space<vmem>> -> memref<1x128xi32, #tpu.memory_space<vmem>>
          %dma_start3A_116 = tpu.memref_squeeze %dma_start3A_115 : memref<1x128xi32, #tpu.memory_space<vmem>> -> memref<128xi32, #tpu.memory_space<vmem>>
          %dma_start3A_117 = arith.constant 0 : i32
          %dma_start3A_118 = arith.constant 0 : i32
          %dma_start3A_119 = tpu.memref_slice %arg2[%dma_start3A_117, %dma_start3A_118] : memref<10240x128xf32, #tpu.memory_space<hbm>> -> memref<10240x128xf32, #tpu.memory_space<hbm>>
          tpu.enqueue_indirect_dma source(%dma_start3A_119 : memref<10240x128xf32, #tpu.memory_space<hbm>>) target(%arg8 : memref<128x128xf32, #tpu.memory_space<vmem>>) offsets(%dma_start3A_116 : memref<128xi32, #tpu.memory_space<vmem>>) semaphore(%arg12 : memref<!tpu.dma_semaphore, #tpu.memory_space<semaphore_mem>>)
        } else {
        }
        %add3A_110 = arith.constant 1 : i32
        %add3A_111 = arith.addi %add3A_77, %add3A_110 : i32
        "tpu.region"() ({
          %run_scoped3A = tpu.sem_alloc : memref<!tpu.dma_semaphore, #tpu.memory_space<semaphore_mem>>
          %dma_start3A_112 = arith.constant 0 : i32
          %dma_start3A_113 = tpu.memref_slice %arg7[%add3A_111, %dma_start3A_112] : memref<40x128xi32, #tpu.memory_space<vmem>> -> memref<1x128xi32, #tpu.memory_space<vmem>>
          %dma_start3A_114 = tpu.memref_squeeze %dma_start3A_113 : memref<1x128xi32, #tpu.memory_space<vmem>> -> memref<128xi32, #tpu.memory_space<vmem>>
          %dma_start3A_115 = arith.constant 0 : i32
          %dma_start3A_116 = arith.constant 0 : i32
          %dma_start3A_117 = tpu.memref_slice %arg10[%dma_start3A_115, %dma_start3A_116] : memref<10240x128xf32, #tpu.memory_space<vmem_shared>> -> memref<10240x128xf32, #tpu.memory_space<vmem_shared>>
          tpu.enqueue_indirect_dma source(%arg9 : memref<128x128xf32, #tpu.memory_space<vmem>>) target(%dma_start3A_117 : memref<10240x128xf32, #tpu.memory_space<vmem_shared>>) offsets(%dma_start3A_114 : memref<128xi32, #tpu.memory_space<vmem>>) semaphore(%run_scoped3A : memref<!tpu.dma_semaphore, #tpu.memory_space<semaphore_mem>>) {add = true}
          %dma_wait3A_118 = arith.constant 0 : i32
          %dma_wait3A_119 = tpu.memref_slice %arg7[%add3A_111, %dma_wait3A_118] : memref<40x128xi32, #tpu.memory_space<vmem>> -> memref<1x128xi32, #tpu.memory_space<vmem>>
          %dma_wait3A_120 = tpu.memref_squeeze %dma_wait3A_119 : memref<1x128xi32, #tpu.memory_space<vmem>> -> memref<128xi32, #tpu.memory_space<vmem>>
          %dma_wait3A_121 = arith.constant 0 : i32
          %dma_wait3A_122 = arith.constant 0 : i32
          %dma_wait3A_123 = tpu.memref_slice %arg10[%dma_wait3A_121, %dma_wait3A_122] : memref<10240x128xf32, #tpu.memory_space<vmem_shared>> -> memref<10240x128xf32, #tpu.memory_space<vmem_shared>>
          tpu.wait_indirect_dma semaphore(%run_scoped3A : memref<!tpu.dma_semaphore, #tpu.memory_space<semaphore_mem>>) src(%arg9 : memref<128x128xf32, #tpu.memory_space<vmem>>) dst(%dma_wait3A_123 : memref<10240x128xf32, #tpu.memory_space<vmem_shared>>)
          tpu.yield
        }) : () -> ()
      } else {
      }
    }
    %scan3A_56 = arith.constant 20 : i32
    %add3A_57 = arith.constant 40 : i32
    %add3A_58 = arith.addi %multiple_of3A, %add3A_57 : i32
    %multiple_of3A_59 = tpu.assume_multiple %add3A_58, 8 : i32
    "tpu.region"() ({
      %run_scoped3A = tpu.sem_alloc : memref<!tpu.dma_semaphore, #tpu.memory_space<semaphore_mem>>
      %dma_start3A_73 = arith.constant 0 : i32
      %dma_start3A_74 = tpu.memref_slice %arg3[%multiple_of3A_59, %dma_start3A_73] : memref<2560x128xi32, #tpu.memory_space<hbm>> -> memref<40x128xi32, #tpu.memory_space<hbm>>
      %dma_start3A_75 = arith.constant 0 : i32
      %dma_start3A_76 = tpu.memref_slice %arg3[%multiple_of3A_59, %dma_start3A_75] : memref<2560x128xi32, #tpu.memory_space<hbm>> -> memref<40x128xi32, #tpu.memory_space<hbm>>
      tpu.enqueue_dma source(%dma_start3A_76 : memref<40x128xi32, #tpu.memory_space<hbm>>) target(%arg6 : memref<40x128xi32, #tpu.memory_space<vmem>>) target_semaphore(%run_scoped3A : memref<!tpu.dma_semaphore, #tpu.memory_space<semaphore_mem>>)
      %dma_wait3A_77 = arith.constant 0 : i32
      %dma_wait3A_78 = tpu.memref_slice %arg3[%multiple_of3A_59, %dma_wait3A_77] : memref<2560x128xi32, #tpu.memory_space<hbm>> -> memref<40x128xi32, #tpu.memory_space<hbm>>
      %dma_wait3A_79 = arith.constant 0 : i32
      %dma_wait3A_80 = tpu.memref_slice %arg3[%multiple_of3A_59, %dma_wait3A_79] : memref<2560x128xi32, #tpu.memory_space<hbm>> -> memref<40x128xi32, #tpu.memory_space<hbm>>
      tpu.wait_dma2 semaphore(%run_scoped3A : memref<!tpu.dma_semaphore, #tpu.memory_space<semaphore_mem>>) src(%dma_wait3A_80 : memref<40x128xi32, #tpu.memory_space<hbm>>) dst(%arg6 : memref<40x128xi32, #tpu.memory_space<vmem>>)
      tpu.yield
    }) : () -> ()
    "tpu.region"() ({
      %run_scoped3A = tpu.sem_alloc : memref<!tpu.dma_semaphore, #tpu.memory_space<semaphore_mem>>
      %dma_start3A_73 = arith.constant 0 : i32
      %dma_start3A_74 = tpu.memref_slice %arg4[%multiple_of3A_59, %dma_start3A_73] : memref<2560x128xi32, #tpu.memory_space<hbm>> -> memref<40x128xi32, #tpu.memory_space<hbm>>
      %dma_start3A_75 = arith.constant 0 : i32
      %dma_start3A_76 = tpu.memref_slice %arg4[%multiple_of3A_59, %dma_start3A_75] : memref<2560x128xi32, #tpu.memory_space<hbm>> -> memref<40x128xi32, #tpu.memory_space<hbm>>
      tpu.enqueue_dma source(%dma_start3A_76 : memref<40x128xi32, #tpu.memory_space<hbm>>) target(%arg7 : memref<40x128xi32, #tpu.memory_space<vmem>>) target_semaphore(%run_scoped3A : memref<!tpu.dma_semaphore, #tpu.memory_space<semaphore_mem>>)
      %dma_wait3A_77 = arith.constant 0 : i32
      %dma_wait3A_78 = tpu.memref_slice %arg4[%multiple_of3A_59, %dma_wait3A_77] : memref<2560x128xi32, #tpu.memory_space<hbm>> -> memref<40x128xi32, #tpu.memory_space<hbm>>
      %dma_wait3A_79 = arith.constant 0 : i32
      %dma_wait3A_80 = tpu.memref_slice %arg4[%multiple_of3A_59, %dma_wait3A_79] : memref<2560x128xi32, #tpu.memory_space<hbm>> -> memref<40x128xi32, #tpu.memory_space<hbm>>
      tpu.wait_dma2 semaphore(%run_scoped3A : memref<!tpu.dma_semaphore, #tpu.memory_space<semaphore_mem>>) src(%dma_wait3A_80 : memref<40x128xi32, #tpu.memory_space<hbm>>) dst(%arg7 : memref<40x128xi32, #tpu.memory_space<vmem>>)
      tpu.yield
    }) : () -> ()
    %dma_start3A_60 = arith.constant 0 : i32
    %dma_start3A_61 = arith.constant 0 : i32
    %dma_start3A_62 = tpu.memref_slice %arg6[%dma_start3A_60, %dma_start3A_61] : memref<40x128xi32, #tpu.memory_space<vmem>> -> memref<1x128xi32, #tpu.memory_space<vmem>>
    %dma_start3A_63 = tpu.memref_squeeze %dma_start3A_62 : memref<1x128xi32, #tpu.memory_space<vmem>> -> memref<128xi32, #tpu.memory_space<vmem>>
    %dma_start3A_64 = arith.constant 0 : i32
    %dma_start3A_65 = arith.constant 0 : i32
    %dma_start3A_66 = tpu.memref_slice %arg2[%dma_start3A_64, %dma_start3A_65] : memref<10240x128xf32, #tpu.memory_space<hbm>> -> memref<10240x128xf32, #tpu.memory_space<hbm>>
    tpu.enqueue_indirect_dma source(%dma_start3A_66 : memref<10240x128xf32, #tpu.memory_space<hbm>>) target(%arg8 : memref<128x128xf32, #tpu.memory_space<vmem>>) offsets(%dma_start3A_63 : memref<128xi32, #tpu.memory_space<vmem>>) semaphore(%arg12 : memref<!tpu.dma_semaphore, #tpu.memory_space<semaphore_mem>>)
    %scan3A_67 = arith.constant 0 : i32
    %scan3A_68 = arith.constant 20 : i32
    %scan3A_69 = arith.addi %scan3A_67, %scan3A_68 : i32
    %scan3A_70 = arith.constant 1 : i32
    scf.for %scan3A_73 = %scan3A_67 to %scan3A_69 step %scan3A_70  : i32 {
      %mul3A_74 = arith.constant 2 : i32
      %mul3A_75 = arith.muli %scan3A_73, %mul3A_74 : i32
      %add3A_76 = arith.constant 0 : i32
      %add3A_77 = arith.addi %add3A_76, %mul3A_75 : i32
      %dma_wait3A_78 = arith.constant 0 : i32
      %dma_wait3A_79 = tpu.memref_slice %arg6[%add3A_77, %dma_wait3A_78] : memref<40x128xi32, #tpu.memory_space<vmem>> -> memref<1x128xi32, #tpu.memory_space<vmem>>
      %dma_wait3A_80 = tpu.memref_squeeze %dma_wait3A_79 : memref<1x128xi32, #tpu.memory_space<vmem>> -> memref<128xi32, #tpu.memory_space<vmem>>
      %dma_wait3A_81 = arith.constant 0 : i32
      %dma_wait3A_82 = arith.constant 0 : i32
      %dma_wait3A_83 = tpu.memref_slice %arg2[%dma_wait3A_81, %dma_wait3A_82] : memref<10240x128xf32, #tpu.memory_space<hbm>> -> memref<10240x128xf32, #tpu.memory_space<hbm>>
      tpu.wait_indirect_dma semaphore(%arg12 : memref<!tpu.dma_semaphore, #tpu.memory_space<semaphore_mem>>) src(%dma_wait3A_83 : memref<10240x128xf32, #tpu.memory_space<hbm>>) dst(%arg8 : memref<128x128xf32, #tpu.memory_space<vmem>>)
      %add3A_84 = arith.constant 1 : i32
      %add3A_85 = arith.addi %add3A_77, %add3A_84 : i32
      %lt3A = arith.constant 40 : i32
      %lt3A_86 = arith.cmpi slt, %add3A_85, %lt3A : i32
      %convert_element_type3A = arith.extui %lt3A_86 : i1 to i32
      %cond3A = arith.constant 0 : i32
      %cond3A_87 = arith.cmpi ne, %convert_element_type3A, %cond3A : i32
      scf.if %cond3A_87 {
        %add3A_95 = arith.constant 1 : i32
        %add3A_96 = arith.addi %add3A_77, %add3A_95 : i32
        %dma_start3A_97 = arith.constant 0 : i32
        %dma_start3A_98 = tpu.memref_slice %arg6[%add3A_96, %dma_start3A_97] : memref<40x128xi32, #tpu.memory_space<vmem>> -> memref<1x128xi32, #tpu.memory_space<vmem>>
        %dma_start3A_99 = tpu.memref_squeeze %dma_start3A_98 : memref<1x128xi32, #tpu.memory_space<vmem>> -> memref<128xi32, #tpu.memory_space<vmem>>
        %dma_start3A_100 = arith.constant 0 : i32
        %dma_start3A_101 = arith.constant 0 : i32
        %dma_start3A_102 = tpu.memref_slice %arg2[%dma_start3A_100, %dma_start3A_101] : memref<10240x128xf32, #tpu.memory_space<hbm>> -> memref<10240x128xf32, #tpu.memory_space<hbm>>
        tpu.enqueue_indirect_dma source(%dma_start3A_102 : memref<10240x128xf32, #tpu.memory_space<hbm>>) target(%arg9 : memref<128x128xf32, #tpu.memory_space<vmem>>) offsets(%dma_start3A_99 : memref<128xi32, #tpu.memory_space<vmem>>) semaphore(%arg13 : memref<!tpu.dma_semaphore, #tpu.memory_space<semaphore_mem>>)
      } else {
      }
      "tpu.region"() ({
        %run_scoped3A = tpu.sem_alloc : memref<!tpu.dma_semaphore, #tpu.memory_space<semaphore_mem>>
        %dma_start3A_95 = arith.constant 0 : i32
        %dma_start3A_96 = tpu.memref_slice %arg7[%add3A_77, %dma_start3A_95] : memref<40x128xi32, #tpu.memory_space<vmem>> -> memref<1x128xi32, #tpu.memory_space<vmem>>
        %dma_start3A_97 = tpu.memref_squeeze %dma_start3A_96 : memref<1x128xi32, #tpu.memory_space<vmem>> -> memref<128xi32, #tpu.memory_space<vmem>>
        %dma_start3A_98 = arith.constant 0 : i32
        %dma_start3A_99 = arith.constant 0 : i32
        %dma_start3A_100 = tpu.memref_slice %arg10[%dma_start3A_98, %dma_start3A_99] : memref<10240x128xf32, #tpu.memory_space<vmem_shared>> -> memref<10240x128xf32, #tpu.memory_space<vmem_shared>>
        tpu.enqueue_indirect_dma source(%arg8 : memref<128x128xf32, #tpu.memory_space<vmem>>) target(%dma_start3A_100 : memref<10240x128xf32, #tpu.memory_space<vmem_shared>>) offsets(%dma_start3A_97 : memref<128xi32, #tpu.memory_space<vmem>>) semaphore(%run_scoped3A : memref<!tpu.dma_semaphore, #tpu.memory_space<semaphore_mem>>) {add = true}
        %dma_wait3A_101 = arith.constant 0 : i32
        %dma_wait3A_102 = tpu.memref_slice %arg7[%add3A_77, %dma_wait3A_101] : memref<40x128xi32, #tpu.memory_space<vmem>> -> memref<1x128xi32, #tpu.memory_space<vmem>>
        %dma_wait3A_103 = tpu.memref_squeeze %dma_wait3A_102 : memref<1x128xi32, #tpu.memory_space<vmem>> -> memref<128xi32, #tpu.memory_space<vmem>>
        %dma_wait3A_104 = arith.constant 0 : i32
        %dma_wait3A_105 = arith.constant 0 : i32
        %dma_wait3A_106 = tpu.memref_slice %arg10[%dma_wait3A_104, %dma_wait3A_105] : memref<10240x128xf32, #tpu.memory_space<vmem_shared>> -> memref<10240x128xf32, #tpu.memory_space<vmem_shared>>
        tpu.wait_indirect_dma semaphore(%run_scoped3A : memref<!tpu.dma_semaphore, #tpu.memory_space<semaphore_mem>>) src(%arg8 : memref<128x128xf32, #tpu.memory_space<vmem>>) dst(%dma_wait3A_106 : memref<10240x128xf32, #tpu.memory_space<vmem_shared>>)
        tpu.yield
      }) : () -> ()
      %add3A_88 = arith.constant 1 : i32
      %add3A_89 = arith.addi %add3A_77, %add3A_88 : i32
      %lt3A_90 = arith.constant 40 : i32
      %lt3A_91 = arith.cmpi slt, %add3A_89, %lt3A_90 : i32
      %convert_element_type3A_92 = arith.extui %lt3A_91 : i1 to i32
      %cond3A_93 = arith.constant 0 : i32
      %cond3A_94 = arith.cmpi ne, %convert_element_type3A_92, %cond3A_93 : i32
      scf.if %cond3A_94 {
        %add3A_95 = arith.constant 1 : i32
        %add3A_96 = arith.addi %add3A_77, %add3A_95 : i32
        %dma_wait3A_97 = arith.constant 0 : i32
        %dma_wait3A_98 = tpu.memref_slice %arg6[%add3A_96, %dma_wait3A_97] : memref<40x128xi32, #tpu.memory_space<vmem>> -> memref<1x128xi32, #tpu.memory_space<vmem>>
        %dma_wait3A_99 = tpu.memref_squeeze %dma_wait3A_98 : memref<1x128xi32, #tpu.memory_space<vmem>> -> memref<128xi32, #tpu.memory_space<vmem>>
        %dma_wait3A_100 = arith.constant 0 : i32
        %dma_wait3A_101 = arith.constant 0 : i32
        %dma_wait3A_102 = tpu.memref_slice %arg2[%dma_wait3A_100, %dma_wait3A_101] : memref<10240x128xf32, #tpu.memory_space<hbm>> -> memref<10240x128xf32, #tpu.memory_space<hbm>>
        tpu.wait_indirect_dma semaphore(%arg13 : memref<!tpu.dma_semaphore, #tpu.memory_space<semaphore_mem>>) src(%dma_wait3A_102 : memref<10240x128xf32, #tpu.memory_space<hbm>>) dst(%arg9 : memref<128x128xf32, #tpu.memory_space<vmem>>)
        %add3A_103 = arith.constant 2 : i32
        %add3A_104 = arith.addi %add3A_77, %add3A_103 : i32
        %lt3A_105 = arith.constant 40 : i32
        %lt3A_106 = arith.cmpi slt, %add3A_104, %lt3A_105 : i32
        %convert_element_type3A_107 = arith.extui %lt3A_106 : i1 to i32
        %cond3A_108 = arith.constant 0 : i32
        %cond3A_109 = arith.cmpi ne, %convert_element_type3A_107, %cond3A_108 : i32
        scf.if %cond3A_109 {
          %add3A_112 = arith.constant 2 : i32
          %add3A_113 = arith.addi %add3A_77, %add3A_112 : i32
          %dma_start3A_114 = arith.constant 0 : i32
          %dma_start3A_115 = tpu.memref_slice %arg6[%add3A_113, %dma_start3A_114] : memref<40x128xi32, #tpu.memory_space<vmem>> -> memref<1x128xi32, #tpu.memory_space<vmem>>
          %dma_start3A_116 = tpu.memref_squeeze %dma_start3A_115 : memref<1x128xi32, #tpu.memory_space<vmem>> -> memref<128xi32, #tpu.memory_space<vmem>>
          %dma_start3A_117 = arith.constant 0 : i32
          %dma_start3A_118 = arith.constant 0 : i32
          %dma_start3A_119 = tpu.memref_slice %arg2[%dma_start3A_117, %dma_start3A_118] : memref<10240x128xf32, #tpu.memory_space<hbm>> -> memref<10240x128xf32, #tpu.memory_space<hbm>>
          tpu.enqueue_indirect_dma source(%dma_start3A_119 : memref<10240x128xf32, #tpu.memory_space<hbm>>) target(%arg8 : memref<128x128xf32, #tpu.memory_space<vmem>>) offsets(%dma_start3A_116 : memref<128xi32, #tpu.memory_space<vmem>>) semaphore(%arg12 : memref<!tpu.dma_semaphore, #tpu.memory_space<semaphore_mem>>)
        } else {
        }
        %add3A_110 = arith.constant 1 : i32
        %add3A_111 = arith.addi %add3A_77, %add3A_110 : i32
        "tpu.region"() ({
          %run_scoped3A = tpu.sem_alloc : memref<!tpu.dma_semaphore, #tpu.memory_space<semaphore_mem>>
          %dma_start3A_112 = arith.constant 0 : i32
          %dma_start3A_113 = tpu.memref_slice %arg7[%add3A_111, %dma_start3A_112] : memref<40x128xi32, #tpu.memory_space<vmem>> -> memref<1x128xi32, #tpu.memory_space<vmem>>
          %dma_start3A_114 = tpu.memref_squeeze %dma_start3A_113 : memref<1x128xi32, #tpu.memory_space<vmem>> -> memref<128xi32, #tpu.memory_space<vmem>>
          %dma_start3A_115 = arith.constant 0 : i32
          %dma_start3A_116 = arith.constant 0 : i32
          %dma_start3A_117 = tpu.memref_slice %arg10[%dma_start3A_115, %dma_start3A_116] : memref<10240x128xf32, #tpu.memory_space<vmem_shared>> -> memref<10240x128xf32, #tpu.memory_space<vmem_shared>>
          tpu.enqueue_indirect_dma source(%arg9 : memref<128x128xf32, #tpu.memory_space<vmem>>) target(%dma_start3A_117 : memref<10240x128xf32, #tpu.memory_space<vmem_shared>>) offsets(%dma_start3A_114 : memref<128xi32, #tpu.memory_space<vmem>>) semaphore(%run_scoped3A : memref<!tpu.dma_semaphore, #tpu.memory_space<semaphore_mem>>) {add = true}
          %dma_wait3A_118 = arith.constant 0 : i32
          %dma_wait3A_119 = tpu.memref_slice %arg7[%add3A_111, %dma_wait3A_118] : memref<40x128xi32, #tpu.memory_space<vmem>> -> memref<1x128xi32, #tpu.memory_space<vmem>>
          %dma_wait3A_120 = tpu.memref_squeeze %dma_wait3A_119 : memref<1x128xi32, #tpu.memory_space<vmem>> -> memref<128xi32, #tpu.memory_space<vmem>>
          %dma_wait3A_121 = arith.constant 0 : i32
          %dma_wait3A_122 = arith.constant 0 : i32
          %dma_wait3A_123 = tpu.memref_slice %arg10[%dma_wait3A_121, %dma_wait3A_122] : memref<10240x128xf32, #tpu.memory_space<vmem_shared>> -> memref<10240x128xf32, #tpu.memory_space<vmem_shared>>
          tpu.wait_indirect_dma semaphore(%run_scoped3A : memref<!tpu.dma_semaphore, #tpu.memory_space<semaphore_mem>>) src(%arg9 : memref<128x128xf32, #tpu.memory_space<vmem>>) dst(%dma_wait3A_123 : memref<10240x128xf32, #tpu.memory_space<vmem_shared>>)
          tpu.yield
        }) : () -> ()
      } else {
      }
    }
    %scan3A_71 = arith.constant 20 : i32
    %barrier3A_72 = arith.constant 0 : index
    tpu.barrier barrier_id(%barrier3A_72)
    "tpu.region"() ({
      %run_scoped3A = tpu.sem_alloc : memref<!tpu.dma_semaphore, #tpu.memory_space<semaphore_mem>>
      %dma_start3A_73 = arith.constant 0 : i32
      %dma_start3A_74 = tpu.memref_slice %arg5[%arg0, %multiple_of3A_21, %dma_start3A_73] : memref<2x10240x128xf32, #tpu.memory_space<hbm>> -> memref<1x640x128xf32, #tpu.memory_space<hbm>>
      %dma_start3A_75 = tpu.memref_squeeze %dma_start3A_74 : memref<1x640x128xf32, #tpu.memory_space<hbm>> -> memref<640x128xf32, #tpu.memory_space<hbm>>
      %dma_start3A_76 = arith.constant 0 : i32
      %dma_start3A_77 = tpu.memref_slice %arg10[%multiple_of3A_21, %dma_start3A_76] : memref<10240x128xf32, #tpu.memory_space<vmem_shared>> -> memref<640x128xf32, #tpu.memory_space<vmem_shared>>
      tpu.enqueue_dma source(%dma_start3A_77 : memref<640x128xf32, #tpu.memory_space<vmem_shared>>) target(%dma_start3A_75 : memref<640x128xf32, #tpu.memory_space<hbm>>) target_semaphore(%run_scoped3A : memref<!tpu.dma_semaphore, #tpu.memory_space<semaphore_mem>>)
      %dma_wait3A_78 = arith.constant 0 : i32
      %dma_wait3A_79 = tpu.memref_slice %arg5[%arg0, %multiple_of3A_21, %dma_wait3A_78] : memref<2x10240x128xf32, #tpu.memory_space<hbm>> -> memref<1x640x128xf32, #tpu.memory_space<hbm>>
      %dma_wait3A_80 = tpu.memref_squeeze %dma_wait3A_79 : memref<1x640x128xf32, #tpu.memory_space<hbm>> -> memref<640x128xf32, #tpu.memory_space<hbm>>
      %dma_wait3A_81 = arith.constant 0 : i32
      %dma_wait3A_82 = tpu.memref_slice %arg10[%multiple_of3A_21, %dma_wait3A_81] : memref<10240x128xf32, #tpu.memory_space<vmem_shared>> -> memref<640x128xf32, #tpu.memory_space<vmem_shared>>
      tpu.wait_dma2 semaphore(%run_scoped3A : memref<!tpu.dma_semaphore, #tpu.memory_space<semaphore_mem>>) src(%dma_wait3A_82 : memref<640x128xf32, #tpu.memory_space<vmem_shared>>) dst(%dma_wait3A_80 : memref<640x128xf32, #tpu.memory_space<hbm>>)
      tpu.yield
    }) : () -> ()
    return
  }
}

#map = affine_map<(d0, d1) -> (0, 0)>
#map1 = affine_map<(d0, d1) -> (0, 0, 0)>
module attributes {stable_mosaic.version = 14 : i64} {
  func.func @k(%arg0: i32, %arg1: i32, %arg2: memref<10240x128xf32, #tpu.memory_space<hbm>>, %arg3: memref<2560x128xi32, #tpu.memory_space<hbm>>, %arg4: memref<2560x128xi32, #tpu.memory_space<hbm>>, %arg5: memref<2x10240x128xf32, #tpu.memory_space<hbm>>, %arg6: memref<40x128xi32, #tpu.memory_space<vmem>>, %arg7: memref<40x128xi32, #tpu.memory_space<vmem>>, %arg8: memref<128x128xf32, #tpu.memory_space<vmem>>, %arg9: memref<128x128xf32, #tpu.memory_space<vmem>>, %arg10: memref<10240x128xf32, #tpu.memory_space<vmem_shared>>, %arg11: memref<!tpu.dma_semaphore, #tpu.memory_space<semaphore_mem>>, %arg12: memref<!tpu.dma_semaphore, #tpu.memory_space<semaphore_mem>>, %arg13: memref<!tpu.dma_semaphore, #tpu.memory_space<semaphore_mem>>) attributes {dimension_semantics = [#tpu.dimension_semantics<core_parallel>, #tpu.dimension_semantics<subcore_parallel>], iteration_bounds = array<i64: 2, 16>, scalar_prefetch = 0 : i64, scratch_operands = 8 : i64, tpu.core_type = #tpu.core_type<sc_vector_subcore>, window_params = [{transform_indices = #map}, {transform_indices = #map}, {transform_indices = #map}, {transform_indices = #map1}]} {
    %mul3A = arith.constant 163840 : i32
    %mul3A_0 = arith.muli %arg0, %mul3A : i32
    %mul3A_1 = arith.constant 10240 : i32
    %mul3A_2 = arith.muli %arg1, %mul3A_1 : i32
    %add3A = arith.addi %mul3A_0, %mul3A_2 : i32
    %jit3A = arith.constant 128 : i32
    %div3A = arith.divsi %add3A, %jit3A : i32
    %sign3A = arith.constant 0 : i32
    %sign3A_3 = arith.cmpi sgt, %add3A, %sign3A : i32
    %sign3A_4 = arith.extui %sign3A_3 : i1 to i32
    %sign3A_5 = arith.constant 0 : i32
    %sign3A_6 = arith.cmpi slt, %add3A, %sign3A_5 : i32
    %sign3A_7 = arith.extui %sign3A_6 : i1 to i32
    %sign3A_8 = arith.subi %sign3A_4, %sign3A_7 : i32
    %sign3A_9 = arith.constant 0 : i32
    %sign3A_10 = arith.cmpi sgt, %jit3A, %sign3A_9 : i32
    %sign3A_11 = arith.extui %sign3A_10 : i1 to i32
    %sign3A_12 = arith.constant 0 : i32
    %sign3A_13 = arith.cmpi slt, %jit3A, %sign3A_12 : i32
    %sign3A_14 = arith.extui %sign3A_13 : i1 to i32
    %sign3A_15 = arith.subi %sign3A_11, %sign3A_14 : i32
    %ne3A = arith.cmpi ne, %sign3A_8, %sign3A_15 : i32
    %rem3A = arith.remsi %add3A, %jit3A : i32
    %ne3A_16 = arith.constant 0 : i32
    %ne3A_17 = arith.cmpi ne, %rem3A, %ne3A_16 : i32
    %and3A = arith.andi %ne3A, %ne3A_17 : i1
    %sub3A = arith.constant 1 : i32
    %sub3A_18 = arith.subi %div3A, %sub3A : i32
    %select_n3A = arith.select %and3A, %sub3A_18, %div3A : i32
    %multiple_of3A = tpu.assume_multiple %select_n3A, 8 : i32
    %mul3A_19 = arith.constant 640 : i32
    %mul3A_20 = arith.muli %arg1, %mul3A_19 : i32
    %multiple_of3A_21 = tpu.assume_multiple %mul3A_20, 8 : i32
    %dma_start3A = arith.constant 0 : i32
    %dma_start3A_22 = tpu.memref_slice %arg3[%multiple_of3A, %dma_start3A] : memref<2560x128xi32, #tpu.memory_space<hbm>> -> memref<40x128xi32, #tpu.memory_space<hbm>>
    %dma_start3A_23 = arith.constant 0 : i32
    %dma_start3A_24 = tpu.memref_slice %arg3[%multiple_of3A, %dma_start3A_23] : memref<2560x128xi32, #tpu.memory_space<hbm>> -> memref<40x128xi32, #tpu.memory_space<hbm>>
    tpu.enqueue_dma source(%dma_start3A_24 : memref<40x128xi32, #tpu.memory_space<hbm>>) target(%arg6 : memref<40x128xi32, #tpu.memory_space<vmem>>) target_semaphore(%arg11 : memref<!tpu.dma_semaphore, #tpu.memory_space<semaphore_mem>>)
    %dma_start3A_25 = arith.constant 0 : i32
    %dma_start3A_26 = tpu.memref_slice %arg4[%multiple_of3A, %dma_start3A_25] : memref<2560x128xi32, #tpu.memory_space<hbm>> -> memref<40x128xi32, #tpu.memory_space<hbm>>
    %dma_start3A_27 = arith.constant 0 : i32
    %dma_start3A_28 = tpu.memref_slice %arg4[%multiple_of3A, %dma_start3A_27] : memref<2560x128xi32, #tpu.memory_space<hbm>> -> memref<40x128xi32, #tpu.memory_space<hbm>>
    tpu.enqueue_dma source(%dma_start3A_28 : memref<40x128xi32, #tpu.memory_space<hbm>>) target(%arg7 : memref<40x128xi32, #tpu.memory_space<vmem>>) target_semaphore(%arg11 : memref<!tpu.dma_semaphore, #tpu.memory_space<semaphore_mem>>)
    %scan3A = arith.constant 0 : i32
    %scan3A_29 = arith.constant 128 : i32
    %scan3A_30 = arith.addi %scan3A, %scan3A_29 : i32
    %scan3A_31 = arith.constant 1 : i32
    scf.for %scan3A_73 = %scan3A to %scan3A_30 step %scan3A_31  : i32 {
      %mul3A_74 = arith.constant 1 : i32
      %mul3A_75 = arith.muli %scan3A_73, %mul3A_74 : i32
      %add3A_76 = arith.constant 0 : i32
      %add3A_77 = arith.addi %add3A_76, %mul3A_75 : i32
      %scan3A_78 = arith.constant 0 : i32
      %scan3A_79 = arith.constant 8 : i32
      %scan3A_80 = arith.addi %scan3A_78, %scan3A_79 : i32
      %scan3A_81 = arith.constant 1 : i32
      scf.for %scan3A_83 = %scan3A_78 to %scan3A_80 step %scan3A_81  : i32 {
        %mul3A_84 = arith.constant 16 : i32
        %mul3A_85 = arith.muli %scan3A_83, %mul3A_84 : i32
        %add3A_86 = arith.constant 0 : i32
        %add3A_87 = arith.addi %add3A_86, %mul3A_85 : i32
        %broadcast_in_dim3A = arith.constant 0.000000e+00 : f32
        %broadcast_in_dim3A_88 = vector.broadcast %broadcast_in_dim3A : f32 to vector<16xf32>
        %swap3A = arith.index_cast %add3A_77 : i32 to index
        %swap3A_89 = arith.index_cast %add3A_87 : i32 to index
        %swap3A_90 = tpu.vector_load %arg8[%swap3A, %swap3A_89] {strides = array<i32>} : memref<128x128xf32, #tpu.memory_space<vmem>>, vector<1x16xf32>,
        %swap3A_91 = vector.shape_cast %swap3A_90 : vector<1x16xf32> to vector<16xf32>
        %swap3A_92 = vector.shape_cast %broadcast_in_dim3A_88 : vector<16xf32> to vector<1x16xf32>
        tpu.vector_store %arg8[%swap3A, %swap3A_89], %swap3A_92 {strides = array<i32>} : memref<128x128xf32, #tpu.memory_space<vmem>>, vector<1x16xf32>,
      }
      %scan3A_82 = arith.constant 8 : i32
    }
    %scan3A_32 = arith.constant 128 : i32
    %scan3A_33 = arith.constant 0 : i32
    %scan3A_34 = arith.constant 5 : i32
    %scan3A_35 = arith.addi %scan3A_33, %scan3A_34 : i32
    %scan3A_36 = arith.constant 1 : i32
    scf.for %scan3A_73 = %scan3A_33 to %scan3A_35 step %scan3A_36  : i32 {
      %mul3A_74 = arith.constant 128 : i32
      %mul3A_75 = arith.muli %scan3A_73, %mul3A_74 : i32
      %add3A_76 = arith.constant 0 : i32
      %add3A_77 = arith.addi %add3A_76, %mul3A_75 : i32
      %add3A_78 = arith.addi %multiple_of3A_21, %add3A_77 : i32
      "tpu.region"() ({
        %run_scoped3A = tpu.sem_alloc : memref<!tpu.dma_semaphore, #tpu.memory_space<semaphore_mem>>
        %dma_start3A_79 = arith.constant 0 : i32
        %dma_start3A_80 = tpu.memref_slice %arg10[%add3A_78, %dma_start3A_79] : memref<10240x128xf32, #tpu.memory_space<vmem_shared>> -> memref<128x128xf32, #tpu.memory_space<vmem_shared>>
        %dma_start3A_81 = arith.constant 0 : i32
        %dma_start3A_82 = tpu.memref_slice %arg10[%add3A_78, %dma_start3A_81] : memref<10240x128xf32, #tpu.memory_space<vmem_shared>> -> memref<128x128xf32, #tpu.memory_space<vmem_shared>>
        tpu.enqueue_dma source(%arg8 : memref<128x128xf32, #tpu.memory_space<vmem>>) target(%dma_start3A_82 : memref<128x128xf32, #tpu.memory_space<vmem_shared>>) target_semaphore(%run_scoped3A : memref<!tpu.dma_semaphore, #tpu.memory_space<semaphore_mem>>)
        %dma_wait3A_83 = arith.constant 0 : i32
        %dma_wait3A_84 = tpu.memref_slice %arg10[%add3A_78, %dma_wait3A_83] : memref<10240x128xf32, #tpu.memory_space<vmem_shared>> -> memref<128x128xf32, #tpu.memory_space<vmem_shared>>
        %dma_wait3A_85 = arith.constant 0 : i32
        %dma_wait3A_86 = tpu.memref_slice %arg10[%add3A_78, %dma_wait3A_85] : memref<10240x128xf32, #tpu.memory_space<vmem_shared>> -> memref<128x128xf32, #tpu.memory_space<vmem_shared>>
        tpu.wait_dma2 semaphore(%run_scoped3A : memref<!tpu.dma_semaphore, #tpu.memory_space<semaphore_mem>>) src(%arg8 : memref<128x128xf32, #tpu.memory_space<vmem>>) dst(%dma_wait3A_86 : memref<128x128xf32, #tpu.memory_space<vmem_shared>>)
        tpu.yield
      }) : () -> ()
    }
    %scan3A_37 = arith.constant 5 : i32
    %dma_wait3A = arith.constant 0 : i32
    %dma_wait3A_38 = tpu.memref_slice %arg3[%multiple_of3A, %dma_wait3A] : memref<2560x128xi32, #tpu.memory_space<hbm>> -> memref<40x128xi32, #tpu.memory_space<hbm>>
    %dma_wait3A_39 = arith.constant 0 : i32
    %dma_wait3A_40 = tpu.memref_slice %arg3[%multiple_of3A, %dma_wait3A_39] : memref<2560x128xi32, #tpu.memory_space<hbm>> -> memref<40x128xi32, #tpu.memory_space<hbm>>
    tpu.wait_dma2 semaphore(%arg11 : memref<!tpu.dma_semaphore, #tpu.memory_space<semaphore_mem>>) src(%dma_wait3A_40 : memref<40x128xi32, #tpu.memory_space<hbm>>) dst(%arg6 : memref<40x128xi32, #tpu.memory_space<vmem>>)
    %dma_wait3A_41 = arith.constant 0 : i32
    %dma_wait3A_42 = tpu.memref_slice %arg4[%multiple_of3A, %dma_wait3A_41] : memref<2560x128xi32, #tpu.memory_space<hbm>> -> memref<40x128xi32, #tpu.memory_space<hbm>>
    %dma_wait3A_43 = arith.constant 0 : i32
    %dma_wait3A_44 = tpu.memref_slice %arg4[%multiple_of3A, %dma_wait3A_43] : memref<2560x128xi32, #tpu.memory_space<hbm>> -> memref<40x128xi32, #tpu.memory_space<hbm>>
    tpu.wait_dma2 semaphore(%arg11 : memref<!tpu.dma_semaphore, #tpu.memory_space<semaphore_mem>>) src(%dma_wait3A_44 : memref<40x128xi32, #tpu.memory_space<hbm>>) dst(%arg7 : memref<40x128xi32, #tpu.memory_space<vmem>>)
    %barrier3A = arith.constant 0 : index
    tpu.barrier barrier_id(%barrier3A)
    %dma_start3A_45 = arith.constant 0 : i32
    %dma_start3A_46 = arith.constant 0 : i32
    %dma_start3A_47 = tpu.memref_slice %arg6[%dma_start3A_45, %dma_start3A_46] : memref<40x128xi32, #tpu.memory_space<vmem>> -> memref<1x128xi32, #tpu.memory_space<vmem>>
    %dma_start3A_48 = tpu.memref_squeeze %dma_start3A_47 : memref<1x128xi32, #tpu.memory_space<vmem>> -> memref<128xi32, #tpu.memory_space<vmem>>
    %dma_start3A_49 = arith.constant 0 : i32
    %dma_start3A_50 = arith.constant 0 : i32
    %dma_start3A_51 = tpu.memref_slice %arg2[%dma_start3A_49, %dma_start3A_50] : memref<10240x128xf32, #tpu.memory_space<hbm>> -> memref<10240x128xf32, #tpu.memory_space<hbm>>
    tpu.enqueue_indirect_dma source(%dma_start3A_51 : memref<10240x128xf32, #tpu.memory_space<hbm>>) target(%arg8 : memref<128x128xf32, #tpu.memory_space<vmem>>) offsets(%dma_start3A_48 : memref<128xi32, #tpu.memory_space<vmem>>) semaphore(%arg12 : memref<!tpu.dma_semaphore, #tpu.memory_space<semaphore_mem>>)
    %scan3A_52 = arith.constant 0 : i32
    %scan3A_53 = arith.constant 20 : i32
    %scan3A_54 = arith.addi %scan3A_52, %scan3A_53 : i32
    %scan3A_55 = arith.constant 1 : i32
    scf.for %scan3A_73 = %scan3A_52 to %scan3A_54 step %scan3A_55  : i32 {
      %mul3A_74 = arith.constant 2 : i32
      %mul3A_75 = arith.muli %scan3A_73, %mul3A_74 : i32
      %add3A_76 = arith.constant 0 : i32
      %add3A_77 = arith.addi %add3A_76, %mul3A_75 : i32
      %dma_wait3A_78 = arith.constant 0 : i32
      %dma_wait3A_79 = tpu.memref_slice %arg6[%add3A_77, %dma_wait3A_78] : memref<40x128xi32, #tpu.memory_space<vmem>> -> memref<1x128xi32, #tpu.memory_space<vmem>>
      %dma_wait3A_80 = tpu.memref_squeeze %dma_wait3A_79 : memref<1x128xi32, #tpu.memory_space<vmem>> -> memref<128xi32, #tpu.memory_space<vmem>>
      %dma_wait3A_81 = arith.constant 0 : i32
      %dma_wait3A_82 = arith.constant 0 : i32
      %dma_wait3A_83 = tpu.memref_slice %arg2[%dma_wait3A_81, %dma_wait3A_82] : memref<10240x128xf32, #tpu.memory_space<hbm>> -> memref<10240x128xf32, #tpu.memory_space<hbm>>
      tpu.wait_indirect_dma semaphore(%arg12 : memref<!tpu.dma_semaphore, #tpu.memory_space<semaphore_mem>>) src(%dma_wait3A_83 : memref<10240x128xf32, #tpu.memory_space<hbm>>) dst(%arg8 : memref<128x128xf32, #tpu.memory_space<vmem>>)
      %add3A_84 = arith.constant 1 : i32
      %add3A_85 = arith.addi %add3A_77, %add3A_84 : i32
      %lt3A = arith.constant 40 : i32
      %lt3A_86 = arith.cmpi slt, %add3A_85, %lt3A : i32
      %convert_element_type3A = arith.extui %lt3A_86 : i1 to i32
      %cond3A = arith.constant 0 : i32
      %cond3A_87 = arith.cmpi ne, %convert_element_type3A, %cond3A : i32
      scf.if %cond3A_87 {
        %add3A_95 = arith.constant 1 : i32
        %add3A_96 = arith.addi %add3A_77, %add3A_95 : i32
        %dma_start3A_97 = arith.constant 0 : i32
        %dma_start3A_98 = tpu.memref_slice %arg6[%add3A_96, %dma_start3A_97] : memref<40x128xi32, #tpu.memory_space<vmem>> -> memref<1x128xi32, #tpu.memory_space<vmem>>
        %dma_start3A_99 = tpu.memref_squeeze %dma_start3A_98 : memref<1x128xi32, #tpu.memory_space<vmem>> -> memref<128xi32, #tpu.memory_space<vmem>>
        %dma_start3A_100 = arith.constant 0 : i32
        %dma_start3A_101 = arith.constant 0 : i32
        %dma_start3A_102 = tpu.memref_slice %arg2[%dma_start3A_100, %dma_start3A_101] : memref<10240x128xf32, #tpu.memory_space<hbm>> -> memref<10240x128xf32, #tpu.memory_space<hbm>>
        tpu.enqueue_indirect_dma source(%dma_start3A_102 : memref<10240x128xf32, #tpu.memory_space<hbm>>) target(%arg9 : memref<128x128xf32, #tpu.memory_space<vmem>>) offsets(%dma_start3A_99 : memref<128xi32, #tpu.memory_space<vmem>>) semaphore(%arg13 : memref<!tpu.dma_semaphore, #tpu.memory_space<semaphore_mem>>)
      } else {
      }
      "tpu.region"() ({
        %run_scoped3A = tpu.sem_alloc : memref<!tpu.dma_semaphore, #tpu.memory_space<semaphore_mem>>
        %dma_start3A_95 = arith.constant 0 : i32
        %dma_start3A_96 = tpu.memref_slice %arg7[%add3A_77, %dma_start3A_95] : memref<40x128xi32, #tpu.memory_space<vmem>> -> memref<1x128xi32, #tpu.memory_space<vmem>>
        %dma_start3A_97 = tpu.memref_squeeze %dma_start3A_96 : memref<1x128xi32, #tpu.memory_space<vmem>> -> memref<128xi32, #tpu.memory_space<vmem>>
        %dma_start3A_98 = arith.constant 0 : i32
        %dma_start3A_99 = arith.constant 0 : i32
        %dma_start3A_100 = tpu.memref_slice %arg10[%dma_start3A_98, %dma_start3A_99] : memref<10240x128xf32, #tpu.memory_space<vmem_shared>> -> memref<10240x128xf32, #tpu.memory_space<vmem_shared>>
        tpu.enqueue_indirect_dma source(%arg8 : memref<128x128xf32, #tpu.memory_space<vmem>>) target(%dma_start3A_100 : memref<10240x128xf32, #tpu.memory_space<vmem_shared>>) offsets(%dma_start3A_97 : memref<128xi32, #tpu.memory_space<vmem>>) semaphore(%run_scoped3A : memref<!tpu.dma_semaphore, #tpu.memory_space<semaphore_mem>>) {add = true}
        %dma_wait3A_101 = arith.constant 0 : i32
        %dma_wait3A_102 = tpu.memref_slice %arg7[%add3A_77, %dma_wait3A_101] : memref<40x128xi32, #tpu.memory_space<vmem>> -> memref<1x128xi32, #tpu.memory_space<vmem>>
        %dma_wait3A_103 = tpu.memref_squeeze %dma_wait3A_102 : memref<1x128xi32, #tpu.memory_space<vmem>> -> memref<128xi32, #tpu.memory_space<vmem>>
        %dma_wait3A_104 = arith.constant 0 : i32
        %dma_wait3A_105 = arith.constant 0 : i32
        %dma_wait3A_106 = tpu.memref_slice %arg10[%dma_wait3A_104, %dma_wait3A_105] : memref<10240x128xf32, #tpu.memory_space<vmem_shared>> -> memref<10240x128xf32, #tpu.memory_space<vmem_shared>>
        tpu.wait_indirect_dma semaphore(%run_scoped3A : memref<!tpu.dma_semaphore, #tpu.memory_space<semaphore_mem>>) src(%arg8 : memref<128x128xf32, #tpu.memory_space<vmem>>) dst(%dma_wait3A_106 : memref<10240x128xf32, #tpu.memory_space<vmem_shared>>)
        tpu.yield
      }) : () -> ()
      %add3A_88 = arith.constant 1 : i32
      %add3A_89 = arith.addi %add3A_77, %add3A_88 : i32
      %lt3A_90 = arith.constant 40 : i32
      %lt3A_91 = arith.cmpi slt, %add3A_89, %lt3A_90 : i32
      %convert_element_type3A_92 = arith.extui %lt3A_91 : i1 to i32
      %cond3A_93 = arith.constant 0 : i32
      %cond3A_94 = arith.cmpi ne, %convert_element_type3A_92, %cond3A_93 : i32
      scf.if %cond3A_94 {
        %add3A_95 = arith.constant 1 : i32
        %add3A_96 = arith.addi %add3A_77, %add3A_95 : i32
        %dma_wait3A_97 = arith.constant 0 : i32
        %dma_wait3A_98 = tpu.memref_slice %arg6[%add3A_96, %dma_wait3A_97] : memref<40x128xi32, #tpu.memory_space<vmem>> -> memref<1x128xi32, #tpu.memory_space<vmem>>
        %dma_wait3A_99 = tpu.memref_squeeze %dma_wait3A_98 : memref<1x128xi32, #tpu.memory_space<vmem>> -> memref<128xi32, #tpu.memory_space<vmem>>
        %dma_wait3A_100 = arith.constant 0 : i32
        %dma_wait3A_101 = arith.constant 0 : i32
        %dma_wait3A_102 = tpu.memref_slice %arg2[%dma_wait3A_100, %dma_wait3A_101] : memref<10240x128xf32, #tpu.memory_space<hbm>> -> memref<10240x128xf32, #tpu.memory_space<hbm>>
        tpu.wait_indirect_dma semaphore(%arg13 : memref<!tpu.dma_semaphore, #tpu.memory_space<semaphore_mem>>) src(%dma_wait3A_102 : memref<10240x128xf32, #tpu.memory_space<hbm>>) dst(%arg9 : memref<128x128xf32, #tpu.memory_space<vmem>>)
        %add3A_103 = arith.constant 2 : i32
        %add3A_104 = arith.addi %add3A_77, %add3A_103 : i32
        %lt3A_105 = arith.constant 40 : i32
        %lt3A_106 = arith.cmpi slt, %add3A_104, %lt3A_105 : i32
        %convert_element_type3A_107 = arith.extui %lt3A_106 : i1 to i32
        %cond3A_108 = arith.constant 0 : i32
        %cond3A_109 = arith.cmpi ne, %convert_element_type3A_107, %cond3A_108 : i32
        scf.if %cond3A_109 {
          %add3A_112 = arith.constant 2 : i32
          %add3A_113 = arith.addi %add3A_77, %add3A_112 : i32
          %dma_start3A_114 = arith.constant 0 : i32
          %dma_start3A_115 = tpu.memref_slice %arg6[%add3A_113, %dma_start3A_114] : memref<40x128xi32, #tpu.memory_space<vmem>> -> memref<1x128xi32, #tpu.memory_space<vmem>>
          %dma_start3A_116 = tpu.memref_squeeze %dma_start3A_115 : memref<1x128xi32, #tpu.memory_space<vmem>> -> memref<128xi32, #tpu.memory_space<vmem>>
          %dma_start3A_117 = arith.constant 0 : i32
          %dma_start3A_118 = arith.constant 0 : i32
          %dma_start3A_119 = tpu.memref_slice %arg2[%dma_start3A_117, %dma_start3A_118] : memref<10240x128xf32, #tpu.memory_space<hbm>> -> memref<10240x128xf32, #tpu.memory_space<hbm>>
          tpu.enqueue_indirect_dma source(%dma_start3A_119 : memref<10240x128xf32, #tpu.memory_space<hbm>>) target(%arg8 : memref<128x128xf32, #tpu.memory_space<vmem>>) offsets(%dma_start3A_116 : memref<128xi32, #tpu.memory_space<vmem>>) semaphore(%arg12 : memref<!tpu.dma_semaphore, #tpu.memory_space<semaphore_mem>>)
        } else {
        }
        %add3A_110 = arith.constant 1 : i32
        %add3A_111 = arith.addi %add3A_77, %add3A_110 : i32
        "tpu.region"() ({
          %run_scoped3A = tpu.sem_alloc : memref<!tpu.dma_semaphore, #tpu.memory_space<semaphore_mem>>
          %dma_start3A_112 = arith.constant 0 : i32
          %dma_start3A_113 = tpu.memref_slice %arg7[%add3A_111, %dma_start3A_112] : memref<40x128xi32, #tpu.memory_space<vmem>> -> memref<1x128xi32, #tpu.memory_space<vmem>>
          %dma_start3A_114 = tpu.memref_squeeze %dma_start3A_113 : memref<1x128xi32, #tpu.memory_space<vmem>> -> memref<128xi32, #tpu.memory_space<vmem>>
          %dma_start3A_115 = arith.constant 0 : i32
          %dma_start3A_116 = arith.constant 0 : i32
          %dma_start3A_117 = tpu.memref_slice %arg10[%dma_start3A_115, %dma_start3A_116] : memref<10240x128xf32, #tpu.memory_space<vmem_shared>> -> memref<10240x128xf32, #tpu.memory_space<vmem_shared>>
          tpu.enqueue_indirect_dma source(%arg9 : memref<128x128xf32, #tpu.memory_space<vmem>>) target(%dma_start3A_117 : memref<10240x128xf32, #tpu.memory_space<vmem_shared>>) offsets(%dma_start3A_114 : memref<128xi32, #tpu.memory_space<vmem>>) semaphore(%run_scoped3A : memref<!tpu.dma_semaphore, #tpu.memory_space<semaphore_mem>>) {add = true}
          %dma_wait3A_118 = arith.constant 0 : i32
          %dma_wait3A_119 = tpu.memref_slice %arg7[%add3A_111, %dma_wait3A_118] : memref<40x128xi32, #tpu.memory_space<vmem>> -> memref<1x128xi32, #tpu.memory_space<vmem>>
          %dma_wait3A_120 = tpu.memref_squeeze %dma_wait3A_119 : memref<1x128xi32, #tpu.memory_space<vmem>> -> memref<128xi32, #tpu.memory_space<vmem>>
          %dma_wait3A_121 = arith.constant 0 : i32
          %dma_wait3A_122 = arith.constant 0 : i32
          %dma_wait3A_123 = tpu.memref_slice %arg10[%dma_wait3A_121, %dma_wait3A_122] : memref<10240x128xf32, #tpu.memory_space<vmem_shared>> -> memref<10240x128xf32, #tpu.memory_space<vmem_shared>>
          tpu.wait_indirect_dma semaphore(%run_scoped3A : memref<!tpu.dma_semaphore, #tpu.memory_space<semaphore_mem>>) src(%arg9 : memref<128x128xf32, #tpu.memory_space<vmem>>) dst(%dma_wait3A_123 : memref<10240x128xf32, #tpu.memory_space<vmem_shared>>)
          tpu.yield
        }) : () -> ()
      } else {
      }
    }
    %scan3A_56 = arith.constant 20 : i32
    %add3A_57 = arith.constant 40 : i32
    %add3A_58 = arith.addi %multiple_of3A, %add3A_57 : i32
    %multiple_of3A_59 = tpu.assume_multiple %add3A_58, 8 : i32
    "tpu.region"() ({
      %run_scoped3A = tpu.sem_alloc : memref<!tpu.dma_semaphore, #tpu.memory_space<semaphore_mem>>
      %dma_start3A_73 = arith.constant 0 : i32
      %dma_start3A_74 = tpu.memref_slice %arg3[%multiple_of3A_59, %dma_start3A_73] : memref<2560x128xi32, #tpu.memory_space<hbm>> -> memref<40x128xi32, #tpu.memory_space<hbm>>
      %dma_start3A_75 = arith.constant 0 : i32
      %dma_start3A_76 = tpu.memref_slice %arg3[%multiple_of3A_59, %dma_start3A_75] : memref<2560x128xi32, #tpu.memory_space<hbm>> -> memref<40x128xi32, #tpu.memory_space<hbm>>
      tpu.enqueue_dma source(%dma_start3A_76 : memref<40x128xi32, #tpu.memory_space<hbm>>) target(%arg6 : memref<40x128xi32, #tpu.memory_space<vmem>>) target_semaphore(%run_scoped3A : memref<!tpu.dma_semaphore, #tpu.memory_space<semaphore_mem>>)
      %dma_wait3A_77 = arith.constant 0 : i32
      %dma_wait3A_78 = tpu.memref_slice %arg3[%multiple_of3A_59, %dma_wait3A_77] : memref<2560x128xi32, #tpu.memory_space<hbm>> -> memref<40x128xi32, #tpu.memory_space<hbm>>
      %dma_wait3A_79 = arith.constant 0 : i32
      %dma_wait3A_80 = tpu.memref_slice %arg3[%multiple_of3A_59, %dma_wait3A_79] : memref<2560x128xi32, #tpu.memory_space<hbm>> -> memref<40x128xi32, #tpu.memory_space<hbm>>
      tpu.wait_dma2 semaphore(%run_scoped3A : memref<!tpu.dma_semaphore, #tpu.memory_space<semaphore_mem>>) src(%dma_wait3A_80 : memref<40x128xi32, #tpu.memory_space<hbm>>) dst(%arg6 : memref<40x128xi32, #tpu.memory_space<vmem>>)
      tpu.yield
    }) : () -> ()
    "tpu.region"() ({
      %run_scoped3A = tpu.sem_alloc : memref<!tpu.dma_semaphore, #tpu.memory_space<semaphore_mem>>
      %dma_start3A_73 = arith.constant 0 : i32
      %dma_start3A_74 = tpu.memref_slice %arg4[%multiple_of3A_59, %dma_start3A_73] : memref<2560x128xi32, #tpu.memory_space<hbm>> -> memref<40x128xi32, #tpu.memory_space<hbm>>
      %dma_start3A_75 = arith.constant 0 : i32
      %dma_start3A_76 = tpu.memref_slice %arg4[%multiple_of3A_59, %dma_start3A_75] : memref<2560x128xi32, #tpu.memory_space<hbm>> -> memref<40x128xi32, #tpu.memory_space<hbm>>
      tpu.enqueue_dma source(%dma_start3A_76 : memref<40x128xi32, #tpu.memory_space<hbm>>) target(%arg7 : memref<40x128xi32, #tpu.memory_space<vmem>>) target_semaphore(%run_scoped3A : memref<!tpu.dma_semaphore, #tpu.memory_space<semaphore_mem>>)
      %dma_wait3A_77 = arith.constant 0 : i32
      %dma_wait3A_78 = tpu.memref_slice %arg4[%multiple_of3A_59, %dma_wait3A_77] : memref<2560x128xi32, #tpu.memory_space<hbm>> -> memref<40x128xi32, #tpu.memory_space<hbm>>
      %dma_wait3A_79 = arith.constant 0 : i32
      %dma_wait3A_80 = tpu.memref_slice %arg4[%multiple_of3A_59, %dma_wait3A_79] : memref<2560x128xi32, #tpu.memory_space<hbm>> -> memref<40x128xi32, #tpu.memory_space<hbm>>
      tpu.wait_dma2 semaphore(%run_scoped3A : memref<!tpu.dma_semaphore, #tpu.memory_space<semaphore_mem>>) src(%dma_wait3A_80 : memref<40x128xi32, #tpu.memory_space<hbm>>) dst(%arg7 : memref<40x128xi32, #tpu.memory_space<vmem>>)
      tpu.yield
    }) : () -> ()
    %dma_start3A_60 = arith.constant 0 : i32
    %dma_start3A_61 = arith.constant 0 : i32
    %dma_start3A_62 = tpu.memref_slice %arg6[%dma_start3A_60, %dma_start3A_61] : memref<40x128xi32, #tpu.memory_space<vmem>> -> memref<1x128xi32, #tpu.memory_space<vmem>>
    %dma_start3A_63 = tpu.memref_squeeze %dma_start3A_62 : memref<1x128xi32, #tpu.memory_space<vmem>> -> memref<128xi32, #tpu.memory_space<vmem>>
    %dma_start3A_64 = arith.constant 0 : i32
    %dma_start3A_65 = arith.constant 0 : i32
    %dma_start3A_66 = tpu.memref_slice %arg2[%dma_start3A_64, %dma_start3A_65] : memref<10240x128xf32, #tpu.memory_space<hbm>> -> memref<10240x128xf32, #tpu.memory_space<hbm>>
    tpu.enqueue_indirect_dma source(%dma_start3A_66 : memref<10240x128xf32, #tpu.memory_space<hbm>>) target(%arg8 : memref<128x128xf32, #tpu.memory_space<vmem>>) offsets(%dma_start3A_63 : memref<128xi32, #tpu.memory_space<vmem>>) semaphore(%arg12 : memref<!tpu.dma_semaphore, #tpu.memory_space<semaphore_mem>>)
    %scan3A_67 = arith.constant 0 : i32
    %scan3A_68 = arith.constant 20 : i32
    %scan3A_69 = arith.addi %scan3A_67, %scan3A_68 : i32
    %scan3A_70 = arith.constant 1 : i32
    scf.for %scan3A_73 = %scan3A_67 to %scan3A_69 step %scan3A_70  : i32 {
      %mul3A_74 = arith.constant 2 : i32
      %mul3A_75 = arith.muli %scan3A_73, %mul3A_74 : i32
      %add3A_76 = arith.constant 0 : i32
      %add3A_77 = arith.addi %add3A_76, %mul3A_75 : i32
      %dma_wait3A_78 = arith.constant 0 : i32
      %dma_wait3A_79 = tpu.memref_slice %arg6[%add3A_77, %dma_wait3A_78] : memref<40x128xi32, #tpu.memory_space<vmem>> -> memref<1x128xi32, #tpu.memory_space<vmem>>
      %dma_wait3A_80 = tpu.memref_squeeze %dma_wait3A_79 : memref<1x128xi32, #tpu.memory_space<vmem>> -> memref<128xi32, #tpu.memory_space<vmem>>
      %dma_wait3A_81 = arith.constant 0 : i32
      %dma_wait3A_82 = arith.constant 0 : i32
      %dma_wait3A_83 = tpu.memref_slice %arg2[%dma_wait3A_81, %dma_wait3A_82] : memref<10240x128xf32, #tpu.memory_space<hbm>> -> memref<10240x128xf32, #tpu.memory_space<hbm>>
      tpu.wait_indirect_dma semaphore(%arg12 : memref<!tpu.dma_semaphore, #tpu.memory_space<semaphore_mem>>) src(%dma_wait3A_83 : memref<10240x128xf32, #tpu.memory_space<hbm>>) dst(%arg8 : memref<128x128xf32, #tpu.memory_space<vmem>>)
      %add3A_84 = arith.constant 1 : i32
      %add3A_85 = arith.addi %add3A_77, %add3A_84 : i32
      %lt3A = arith.constant 40 : i32
      %lt3A_86 = arith.cmpi slt, %add3A_85, %lt3A : i32
      %convert_element_type3A = arith.extui %lt3A_86 : i1 to i32
      %cond3A = arith.constant 0 : i32
      %cond3A_87 = arith.cmpi ne, %convert_element_type3A, %cond3A : i32
      scf.if %cond3A_87 {
        %add3A_95 = arith.constant 1 : i32
        %add3A_96 = arith.addi %add3A_77, %add3A_95 : i32
        %dma_start3A_97 = arith.constant 0 : i32
        %dma_start3A_98 = tpu.memref_slice %arg6[%add3A_96, %dma_start3A_97] : memref<40x128xi32, #tpu.memory_space<vmem>> -> memref<1x128xi32, #tpu.memory_space<vmem>>
        %dma_start3A_99 = tpu.memref_squeeze %dma_start3A_98 : memref<1x128xi32, #tpu.memory_space<vmem>> -> memref<128xi32, #tpu.memory_space<vmem>>
        %dma_start3A_100 = arith.constant 0 : i32
        %dma_start3A_101 = arith.constant 0 : i32
        %dma_start3A_102 = tpu.memref_slice %arg2[%dma_start3A_100, %dma_start3A_101] : memref<10240x128xf32, #tpu.memory_space<hbm>> -> memref<10240x128xf32, #tpu.memory_space<hbm>>
        tpu.enqueue_indirect_dma source(%dma_start3A_102 : memref<10240x128xf32, #tpu.memory_space<hbm>>) target(%arg9 : memref<128x128xf32, #tpu.memory_space<vmem>>) offsets(%dma_start3A_99 : memref<128xi32, #tpu.memory_space<vmem>>) semaphore(%arg13 : memref<!tpu.dma_semaphore, #tpu.memory_space<semaphore_mem>>)
      } else {
      }
      "tpu.region"() ({
        %run_scoped3A = tpu.sem_alloc : memref<!tpu.dma_semaphore, #tpu.memory_space<semaphore_mem>>
        %dma_start3A_95 = arith.constant 0 : i32
        %dma_start3A_96 = tpu.memref_slice %arg7[%add3A_77, %dma_start3A_95] : memref<40x128xi32, #tpu.memory_space<vmem>> -> memref<1x128xi32, #tpu.memory_space<vmem>>
        %dma_start3A_97 = tpu.memref_squeeze %dma_start3A_96 : memref<1x128xi32, #tpu.memory_space<vmem>> -> memref<128xi32, #tpu.memory_space<vmem>>
        %dma_start3A_98 = arith.constant 0 : i32
        %dma_start3A_99 = arith.constant 0 : i32
        %dma_start3A_100 = tpu.memref_slice %arg10[%dma_start3A_98, %dma_start3A_99] : memref<10240x128xf32, #tpu.memory_space<vmem_shared>> -> memref<10240x128xf32, #tpu.memory_space<vmem_shared>>
        tpu.enqueue_indirect_dma source(%arg8 : memref<128x128xf32, #tpu.memory_space<vmem>>) target(%dma_start3A_100 : memref<10240x128xf32, #tpu.memory_space<vmem_shared>>) offsets(%dma_start3A_97 : memref<128xi32, #tpu.memory_space<vmem>>) semaphore(%run_scoped3A : memref<!tpu.dma_semaphore, #tpu.memory_space<semaphore_mem>>) {add = true}
        %dma_wait3A_101 = arith.constant 0 : i32
        %dma_wait3A_102 = tpu.memref_slice %arg7[%add3A_77, %dma_wait3A_101] : memref<40x128xi32, #tpu.memory_space<vmem>> -> memref<1x128xi32, #tpu.memory_space<vmem>>
        %dma_wait3A_103 = tpu.memref_squeeze %dma_wait3A_102 : memref<1x128xi32, #tpu.memory_space<vmem>> -> memref<128xi32, #tpu.memory_space<vmem>>
        %dma_wait3A_104 = arith.constant 0 : i32
        %dma_wait3A_105 = arith.constant 0 : i32
        %dma_wait3A_106 = tpu.memref_slice %arg10[%dma_wait3A_104, %dma_wait3A_105] : memref<10240x128xf32, #tpu.memory_space<vmem_shared>> -> memref<10240x128xf32, #tpu.memory_space<vmem_shared>>
        tpu.wait_indirect_dma semaphore(%run_scoped3A : memref<!tpu.dma_semaphore, #tpu.memory_space<semaphore_mem>>) src(%arg8 : memref<128x128xf32, #tpu.memory_space<vmem>>) dst(%dma_wait3A_106 : memref<10240x128xf32, #tpu.memory_space<vmem_shared>>)
        tpu.yield
      }) : () -> ()
      %add3A_88 = arith.constant 1 : i32
      %add3A_89 = arith.addi %add3A_77, %add3A_88 : i32
      %lt3A_90 = arith.constant 40 : i32
      %lt3A_91 = arith.cmpi slt, %add3A_89, %lt3A_90 : i32
      %convert_element_type3A_92 = arith.extui %lt3A_91 : i1 to i32
      %cond3A_93 = arith.constant 0 : i32
      %cond3A_94 = arith.cmpi ne, %convert_element_type3A_92, %cond3A_93 : i32
      scf.if %cond3A_94 {
        %add3A_95 = arith.constant 1 : i32
        %add3A_96 = arith.addi %add3A_77, %add3A_95 : i32
        %dma_wait3A_97 = arith.constant 0 : i32
        %dma_wait3A_98 = tpu.memref_slice %arg6[%add3A_96, %dma_wait3A_97] : memref<40x128xi32, #tpu.memory_space<vmem>> -> memref<1x128xi32, #tpu.memory_space<vmem>>
        %dma_wait3A_99 = tpu.memref_squeeze %dma_wait3A_98 : memref<1x128xi32, #tpu.memory_space<vmem>> -> memref<128xi32, #tpu.memory_space<vmem>>
        %dma_wait3A_100 = arith.constant 0 : i32
        %dma_wait3A_101 = arith.constant 0 : i32
        %dma_wait3A_102 = tpu.memref_slice %arg2[%dma_wait3A_100, %dma_wait3A_101] : memref<10240x128xf32, #tpu.memory_space<hbm>> -> memref<10240x128xf32, #tpu.memory_space<hbm>>
        tpu.wait_indirect_dma semaphore(%arg13 : memref<!tpu.dma_semaphore, #tpu.memory_space<semaphore_mem>>) src(%dma_wait3A_102 : memref<10240x128xf32, #tpu.memory_space<hbm>>) dst(%arg9 : memref<128x128xf32, #tpu.memory_space<vmem>>)
        %add3A_103 = arith.constant 2 : i32
        %add3A_104 = arith.addi %add3A_77, %add3A_103 : i32
        %lt3A_105 = arith.constant 40 : i32
        %lt3A_106 = arith.cmpi slt, %add3A_104, %lt3A_105 : i32
        %convert_element_type3A_107 = arith.extui %lt3A_106 : i1 to i32
        %cond3A_108 = arith.constant 0 : i32
        %cond3A_109 = arith.cmpi ne, %convert_element_type3A_107, %cond3A_108 : i32
        scf.if %cond3A_109 {
          %add3A_112 = arith.constant 2 : i32
          %add3A_113 = arith.addi %add3A_77, %add3A_112 : i32
          %dma_start3A_114 = arith.constant 0 : i32
          %dma_start3A_115 = tpu.memref_slice %arg6[%add3A_113, %dma_start3A_114] : memref<40x128xi32, #tpu.memory_space<vmem>> -> memref<1x128xi32, #tpu.memory_space<vmem>>
          %dma_start3A_116 = tpu.memref_squeeze %dma_start3A_115 : memref<1x128xi32, #tpu.memory_space<vmem>> -> memref<128xi32, #tpu.memory_space<vmem>>
          %dma_start3A_117 = arith.constant 0 : i32
          %dma_start3A_118 = arith.constant 0 : i32
          %dma_start3A_119 = tpu.memref_slice %arg2[%dma_start3A_117, %dma_start3A_118] : memref<10240x128xf32, #tpu.memory_space<hbm>> -> memref<10240x128xf32, #tpu.memory_space<hbm>>
          tpu.enqueue_indirect_dma source(%dma_start3A_119 : memref<10240x128xf32, #tpu.memory_space<hbm>>) target(%arg8 : memref<128x128xf32, #tpu.memory_space<vmem>>) offsets(%dma_start3A_116 : memref<128xi32, #tpu.memory_space<vmem>>) semaphore(%arg12 : memref<!tpu.dma_semaphore, #tpu.memory_space<semaphore_mem>>)
        } else {
        }
        %add3A_110 = arith.constant 1 : i32
        %add3A_111 = arith.addi %add3A_77, %add3A_110 : i32
        "tpu.region"() ({
          %run_scoped3A = tpu.sem_alloc : memref<!tpu.dma_semaphore, #tpu.memory_space<semaphore_mem>>
          %dma_start3A_112 = arith.constant 0 : i32
          %dma_start3A_113 = tpu.memref_slice %arg7[%add3A_111, %dma_start3A_112] : memref<40x128xi32, #tpu.memory_space<vmem>> -> memref<1x128xi32, #tpu.memory_space<vmem>>
          %dma_start3A_114 = tpu.memref_squeeze %dma_start3A_113 : memref<1x128xi32, #tpu.memory_space<vmem>> -> memref<128xi32, #tpu.memory_space<vmem>>
          %dma_start3A_115 = arith.constant 0 : i32
          %dma_start3A_116 = arith.constant 0 : i32
          %dma_start3A_117 = tpu.memref_slice %arg10[%dma_start3A_115, %dma_start3A_116] : memref<10240x128xf32, #tpu.memory_space<vmem_shared>> -> memref<10240x128xf32, #tpu.memory_space<vmem_shared>>
          tpu.enqueue_indirect_dma source(%arg9 : memref<128x128xf32, #tpu.memory_space<vmem>>) target(%dma_start3A_117 : memref<10240x128xf32, #tpu.memory_space<vmem_shared>>) offsets(%dma_start3A_114 : memref<128xi32, #tpu.memory_space<vmem>>) semaphore(%run_scoped3A : memref<!tpu.dma_semaphore, #tpu.memory_space<semaphore_mem>>) {add = true}
          %dma_wait3A_118 = arith.constant 0 : i32
          %dma_wait3A_119 = tpu.memref_slice %arg7[%add3A_111, %dma_wait3A_118] : memref<40x128xi32, #tpu.memory_space<vmem>> -> memref<1x128xi32, #tpu.memory_space<vmem>>
          %dma_wait3A_120 = tpu.memref_squeeze %dma_wait3A_119 : memref<1x128xi32, #tpu.memory_space<vmem>> -> memref<128xi32, #tpu.memory_space<vmem>>
          %dma_wait3A_121 = arith.constant 0 : i32
          %dma_wait3A_122 = arith.constant 0 : i32
          %dma_wait3A_123 = tpu.memref_slice %arg10[%dma_wait3A_121, %dma_wait3A_122] : memref<10240x128xf32, #tpu.memory_space<vmem_shared>> -> memref<10240x128xf32, #tpu.memory_space<vmem_shared>>
          tpu.wait_indirect_dma semaphore(%run_scoped3A : memref<!tpu.dma_semaphore, #tpu.memory_space<semaphore_mem>>) src(%arg9 : memref<128x128xf32, #tpu.memory_space<vmem>>) dst(%dma_wait3A_123 : memref<10240x128xf32, #tpu.memory_space<vmem_shared>>)
          tpu.yield
        }) : () -> ()
      } else {
      }
    }
    %scan3A_71 = arith.constant 20 : i32
    %barrier3A_72 = arith.constant 0 : index
    tpu.barrier barrier_id(%barrier3A_72)
    "tpu.region"() ({
      %run_scoped3A = tpu.sem_alloc : memref<!tpu.dma_semaphore, #tpu.memory_space<semaphore_mem>>
      %dma_start3A_73 = arith.constant 0 : i32
      %dma_start3A_74 = tpu.memref_slice %arg5[%arg0, %multiple_of3A_21, %dma_start3A_73] : memref<2x10240x128xf32, #tpu.memory_space<hbm>> -> memref<1x640x128xf32, #tpu.memory_space<hbm>>
      %dma_start3A_75 = tpu.memref_squeeze %dma_start3A_74 : memref<1x640x128xf32, #tpu.memory_space<hbm>> -> memref<640x128xf32, #tpu.memory_space<hbm>>
      %dma_start3A_76 = arith.constant 0 : i32
      %dma_start3A_77 = tpu.memref_slice %arg10[%multiple_of3A_21, %dma_start3A_76] : memref<10240x128xf32, #tpu.memory_space<vmem_shared>> -> memref<640x128xf32, #tpu.memory_space<vmem_shared>>
      tpu.enqueue_dma source(%dma_start3A_77 : memref<640x128xf32, #tpu.memory_space<vmem_shared>>) target(%dma_start3A_75 : memref<640x128xf32, #tpu.memory_space<hbm>>) target_semaphore(%run_scoped3A : memref<!tpu.dma_semaphore, #tpu.memory_space<semaphore_mem>>)
      %dma_wait3A_78 = arith.constant 0 : i32
      %dma_wait3A_79 = tpu.memref_slice %arg5[%arg0, %multiple_of3A_21, %dma_wait3A_78] : memref<2x10240x128xf32, #tpu.memory_space<hbm>> -> memref<1x640x128xf32, #tpu.memory_space<hbm>>
      %dma_wait3A_80 = tpu.memref_squeeze %dma_wait3A_79 : memref<1x640x128xf32, #tpu.memory_space<hbm>> -> memref<640x128xf32, #tpu.memory_space<hbm>>
      %dma_wait3A_81 = arith.constant 0 : i32
      %dma_wait3A_82 = tpu.memref_slice %arg10[%multiple_of3A_21, %dma_wait3A_81] : memref<10240x128xf32, #tpu.memory_space<vmem_shared>> -> memref<640x128xf32, #tpu.memory_space<vmem_shared>>
      tpu.wait_dma2 semaphore(%run_scoped3A : memref<!tpu.dma_semaphore, #tpu.memory_space<semaphore_mem>>) src(%dma_wait3A_82 : memref<640x128xf32, #tpu.memory_space<vmem_shared>>) dst(%dma_wait3A_80 : memref<640x128xf32, #tpu.memory_space<hbm>>)
      tpu.yield
    }) : () -> ()
    return
  }
}

#map = affine_map<(d0, d1) -> (0, 0)>
#map1 = affine_map<(d0, d1) -> (0, 0, 0)>
module attributes {stable_mosaic.version = 14 : i64} {
  func.func @k(%arg0: i32, %arg1: i32, %arg2: memref<10240x128xf32, #tpu.memory_space<hbm>>, %arg3: memref<2560x128xi32, #tpu.memory_space<hbm>>, %arg4: memref<2560x128xi32, #tpu.memory_space<hbm>>, %arg5: memref<2x10240x128xf32, #tpu.memory_space<hbm>>, %arg6: memref<40x128xi32, #tpu.memory_space<vmem>>, %arg7: memref<40x128xi32, #tpu.memory_space<vmem>>, %arg8: memref<128x128xf32, #tpu.memory_space<vmem>>, %arg9: memref<128x128xf32, #tpu.memory_space<vmem>>, %arg10: memref<10240x128xf32, #tpu.memory_space<vmem_shared>>, %arg11: memref<!tpu.dma_semaphore, #tpu.memory_space<semaphore_mem>>, %arg12: memref<!tpu.dma_semaphore, #tpu.memory_space<semaphore_mem>>, %arg13: memref<!tpu.dma_semaphore, #tpu.memory_space<semaphore_mem>>) attributes {dimension_semantics = [#tpu.dimension_semantics<core_parallel>, #tpu.dimension_semantics<subcore_parallel>], iteration_bounds = array<i64: 2, 16>, scalar_prefetch = 0 : i64, scratch_operands = 8 : i64, tpu.core_type = #tpu.core_type<sc_vector_subcore>, window_params = [{transform_indices = #map}, {transform_indices = #map}, {transform_indices = #map}, {transform_indices = #map1}]} {
    %mul3A = arith.constant 163840 : i32
    %mul3A_0 = arith.muli %arg0, %mul3A : i32
    %mul3A_1 = arith.constant 10240 : i32
    %mul3A_2 = arith.muli %arg1, %mul3A_1 : i32
    %add3A = arith.addi %mul3A_0, %mul3A_2 : i32
    %jit3A = arith.constant 128 : i32
    %div3A = arith.divsi %add3A, %jit3A : i32
    %sign3A = arith.constant 0 : i32
    %sign3A_3 = arith.cmpi sgt, %add3A, %sign3A : i32
    %sign3A_4 = arith.extui %sign3A_3 : i1 to i32
    %sign3A_5 = arith.constant 0 : i32
    %sign3A_6 = arith.cmpi slt, %add3A, %sign3A_5 : i32
    %sign3A_7 = arith.extui %sign3A_6 : i1 to i32
    %sign3A_8 = arith.subi %sign3A_4, %sign3A_7 : i32
    %sign3A_9 = arith.constant 0 : i32
    %sign3A_10 = arith.cmpi sgt, %jit3A, %sign3A_9 : i32
    %sign3A_11 = arith.extui %sign3A_10 : i1 to i32
    %sign3A_12 = arith.constant 0 : i32
    %sign3A_13 = arith.cmpi slt, %jit3A, %sign3A_12 : i32
    %sign3A_14 = arith.extui %sign3A_13 : i1 to i32
    %sign3A_15 = arith.subi %sign3A_11, %sign3A_14 : i32
    %ne3A = arith.cmpi ne, %sign3A_8, %sign3A_15 : i32
    %rem3A = arith.remsi %add3A, %jit3A : i32
    %ne3A_16 = arith.constant 0 : i32
    %ne3A_17 = arith.cmpi ne, %rem3A, %ne3A_16 : i32
    %and3A = arith.andi %ne3A, %ne3A_17 : i1
    %sub3A = arith.constant 1 : i32
    %sub3A_18 = arith.subi %div3A, %sub3A : i32
    %select_n3A = arith.select %and3A, %sub3A_18, %div3A : i32
    %multiple_of3A = tpu.assume_multiple %select_n3A, 8 : i32
    %mul3A_19 = arith.constant 640 : i32
    %mul3A_20 = arith.muli %arg1, %mul3A_19 : i32
    %multiple_of3A_21 = tpu.assume_multiple %mul3A_20, 8 : i32
    %dma_start3A = arith.constant 0 : i32
    %dma_start3A_22 = tpu.memref_slice %arg3[%multiple_of3A, %dma_start3A] : memref<2560x128xi32, #tpu.memory_space<hbm>> -> memref<40x128xi32, #tpu.memory_space<hbm>>
    %dma_start3A_23 = arith.constant 0 : i32
    %dma_start3A_24 = tpu.memref_slice %arg3[%multiple_of3A, %dma_start3A_23] : memref<2560x128xi32, #tpu.memory_space<hbm>> -> memref<40x128xi32, #tpu.memory_space<hbm>>
    tpu.enqueue_dma source(%dma_start3A_24 : memref<40x128xi32, #tpu.memory_space<hbm>>) target(%arg6 : memref<40x128xi32, #tpu.memory_space<vmem>>) target_semaphore(%arg11 : memref<!tpu.dma_semaphore, #tpu.memory_space<semaphore_mem>>)
    %dma_start3A_25 = arith.constant 0 : i32
    %dma_start3A_26 = tpu.memref_slice %arg4[%multiple_of3A, %dma_start3A_25] : memref<2560x128xi32, #tpu.memory_space<hbm>> -> memref<40x128xi32, #tpu.memory_space<hbm>>
    %dma_start3A_27 = arith.constant 0 : i32
    %dma_start3A_28 = tpu.memref_slice %arg4[%multiple_of3A, %dma_start3A_27] : memref<2560x128xi32, #tpu.memory_space<hbm>> -> memref<40x128xi32, #tpu.memory_space<hbm>>
    tpu.enqueue_dma source(%dma_start3A_28 : memref<40x128xi32, #tpu.memory_space<hbm>>) target(%arg7 : memref<40x128xi32, #tpu.memory_space<vmem>>) target_semaphore(%arg11 : memref<!tpu.dma_semaphore, #tpu.memory_space<semaphore_mem>>)
    %scan3A = arith.constant 0 : i32
    %scan3A_29 = arith.constant 128 : i32
    %scan3A_30 = arith.addi %scan3A, %scan3A_29 : i32
    %scan3A_31 = arith.constant 1 : i32
    scf.for %scan3A_73 = %scan3A to %scan3A_30 step %scan3A_31  : i32 {
      %mul3A_74 = arith.constant 1 : i32
      %mul3A_75 = arith.muli %scan3A_73, %mul3A_74 : i32
      %add3A_76 = arith.constant 0 : i32
      %add3A_77 = arith.addi %add3A_76, %mul3A_75 : i32
      %scan3A_78 = arith.constant 0 : i32
      %scan3A_79 = arith.constant 8 : i32
      %scan3A_80 = arith.addi %scan3A_78, %scan3A_79 : i32
      %scan3A_81 = arith.constant 1 : i32
      scf.for %scan3A_83 = %scan3A_78 to %scan3A_80 step %scan3A_81  : i32 {
        %mul3A_84 = arith.constant 16 : i32
        %mul3A_85 = arith.muli %scan3A_83, %mul3A_84 : i32
        %add3A_86 = arith.constant 0 : i32
        %add3A_87 = arith.addi %add3A_86, %mul3A_85 : i32
        %broadcast_in_dim3A = arith.constant 0.000000e+00 : f32
        %broadcast_in_dim3A_88 = vector.broadcast %broadcast_in_dim3A : f32 to vector<16xf32>
        %swap3A = arith.index_cast %add3A_77 : i32 to index
        %swap3A_89 = arith.index_cast %add3A_87 : i32 to index
        %swap3A_90 = tpu.vector_load %arg8[%swap3A, %swap3A_89] {strides = array<i32>} : memref<128x128xf32, #tpu.memory_space<vmem>>, vector<1x16xf32>,
        %swap3A_91 = vector.shape_cast %swap3A_90 : vector<1x16xf32> to vector<16xf32>
        %swap3A_92 = vector.shape_cast %broadcast_in_dim3A_88 : vector<16xf32> to vector<1x16xf32>
        tpu.vector_store %arg8[%swap3A, %swap3A_89], %swap3A_92 {strides = array<i32>} : memref<128x128xf32, #tpu.memory_space<vmem>>, vector<1x16xf32>,
      }
      %scan3A_82 = arith.constant 8 : i32
    }
    %scan3A_32 = arith.constant 128 : i32
    %scan3A_33 = arith.constant 0 : i32
    %scan3A_34 = arith.constant 5 : i32
    %scan3A_35 = arith.addi %scan3A_33, %scan3A_34 : i32
    %scan3A_36 = arith.constant 1 : i32
    scf.for %scan3A_73 = %scan3A_33 to %scan3A_35 step %scan3A_36  : i32 {
      %mul3A_74 = arith.constant 128 : i32
      %mul3A_75 = arith.muli %scan3A_73, %mul3A_74 : i32
      %add3A_76 = arith.constant 0 : i32
      %add3A_77 = arith.addi %add3A_76, %mul3A_75 : i32
      %add3A_78 = arith.addi %multiple_of3A_21, %add3A_77 : i32
      "tpu.region"() ({
        %run_scoped3A = tpu.sem_alloc : memref<!tpu.dma_semaphore, #tpu.memory_space<semaphore_mem>>
        %dma_start3A_79 = arith.constant 0 : i32
        %dma_start3A_80 = tpu.memref_slice %arg10[%add3A_78, %dma_start3A_79] : memref<10240x128xf32, #tpu.memory_space<vmem_shared>> -> memref<128x128xf32, #tpu.memory_space<vmem_shared>>
        %dma_start3A_81 = arith.constant 0 : i32
        %dma_start3A_82 = tpu.memref_slice %arg10[%add3A_78, %dma_start3A_81] : memref<10240x128xf32, #tpu.memory_space<vmem_shared>> -> memref<128x128xf32, #tpu.memory_space<vmem_shared>>
        tpu.enqueue_dma source(%arg8 : memref<128x128xf32, #tpu.memory_space<vmem>>) target(%dma_start3A_82 : memref<128x128xf32, #tpu.memory_space<vmem_shared>>) target_semaphore(%run_scoped3A : memref<!tpu.dma_semaphore, #tpu.memory_space<semaphore_mem>>)
        %dma_wait3A_83 = arith.constant 0 : i32
        %dma_wait3A_84 = tpu.memref_slice %arg10[%add3A_78, %dma_wait3A_83] : memref<10240x128xf32, #tpu.memory_space<vmem_shared>> -> memref<128x128xf32, #tpu.memory_space<vmem_shared>>
        %dma_wait3A_85 = arith.constant 0 : i32
        %dma_wait3A_86 = tpu.memref_slice %arg10[%add3A_78, %dma_wait3A_85] : memref<10240x128xf32, #tpu.memory_space<vmem_shared>> -> memref<128x128xf32, #tpu.memory_space<vmem_shared>>
        tpu.wait_dma2 semaphore(%run_scoped3A : memref<!tpu.dma_semaphore, #tpu.memory_space<semaphore_mem>>) src(%arg8 : memref<128x128xf32, #tpu.memory_space<vmem>>) dst(%dma_wait3A_86 : memref<128x128xf32, #tpu.memory_space<vmem_shared>>)
        tpu.yield
      }) : () -> ()
    }
    %scan3A_37 = arith.constant 5 : i32
    %dma_wait3A = arith.constant 0 : i32
    %dma_wait3A_38 = tpu.memref_slice %arg3[%multiple_of3A, %dma_wait3A] : memref<2560x128xi32, #tpu.memory_space<hbm>> -> memref<40x128xi32, #tpu.memory_space<hbm>>
    %dma_wait3A_39 = arith.constant 0 : i32
    %dma_wait3A_40 = tpu.memref_slice %arg3[%multiple_of3A, %dma_wait3A_39] : memref<2560x128xi32, #tpu.memory_space<hbm>> -> memref<40x128xi32, #tpu.memory_space<hbm>>
    tpu.wait_dma2 semaphore(%arg11 : memref<!tpu.dma_semaphore, #tpu.memory_space<semaphore_mem>>) src(%dma_wait3A_40 : memref<40x128xi32, #tpu.memory_space<hbm>>) dst(%arg6 : memref<40x128xi32, #tpu.memory_space<vmem>>)
    %dma_wait3A_41 = arith.constant 0 : i32
    %dma_wait3A_42 = tpu.memref_slice %arg4[%multiple_of3A, %dma_wait3A_41] : memref<2560x128xi32, #tpu.memory_space<hbm>> -> memref<40x128xi32, #tpu.memory_space<hbm>>
    %dma_wait3A_43 = arith.constant 0 : i32
    %dma_wait3A_44 = tpu.memref_slice %arg4[%multiple_of3A, %dma_wait3A_43] : memref<2560x128xi32, #tpu.memory_space<hbm>> -> memref<40x128xi32, #tpu.memory_space<hbm>>
    tpu.wait_dma2 semaphore(%arg11 : memref<!tpu.dma_semaphore, #tpu.memory_space<semaphore_mem>>) src(%dma_wait3A_44 : memref<40x128xi32, #tpu.memory_space<hbm>>) dst(%arg7 : memref<40x128xi32, #tpu.memory_space<vmem>>)
    %barrier3A = arith.constant 0 : index
    tpu.barrier barrier_id(%barrier3A)
    %dma_start3A_45 = arith.constant 0 : i32
    %dma_start3A_46 = arith.constant 0 : i32
    %dma_start3A_47 = tpu.memref_slice %arg6[%dma_start3A_45, %dma_start3A_46] : memref<40x128xi32, #tpu.memory_space<vmem>> -> memref<1x128xi32, #tpu.memory_space<vmem>>
    %dma_start3A_48 = tpu.memref_squeeze %dma_start3A_47 : memref<1x128xi32, #tpu.memory_space<vmem>> -> memref<128xi32, #tpu.memory_space<vmem>>
    %dma_start3A_49 = arith.constant 0 : i32
    %dma_start3A_50 = arith.constant 0 : i32
    %dma_start3A_51 = tpu.memref_slice %arg2[%dma_start3A_49, %dma_start3A_50] : memref<10240x128xf32, #tpu.memory_space<hbm>> -> memref<10240x128xf32, #tpu.memory_space<hbm>>
    tpu.enqueue_indirect_dma source(%dma_start3A_51 : memref<10240x128xf32, #tpu.memory_space<hbm>>) target(%arg8 : memref<128x128xf32, #tpu.memory_space<vmem>>) offsets(%dma_start3A_48 : memref<128xi32, #tpu.memory_space<vmem>>) semaphore(%arg12 : memref<!tpu.dma_semaphore, #tpu.memory_space<semaphore_mem>>)
    %scan3A_52 = arith.constant 0 : i32
    %scan3A_53 = arith.constant 20 : i32
    %scan3A_54 = arith.addi %scan3A_52, %scan3A_53 : i32
    %scan3A_55 = arith.constant 1 : i32
    scf.for %scan3A_73 = %scan3A_52 to %scan3A_54 step %scan3A_55  : i32 {
      %mul3A_74 = arith.constant 2 : i32
      %mul3A_75 = arith.muli %scan3A_73, %mul3A_74 : i32
      %add3A_76 = arith.constant 0 : i32
      %add3A_77 = arith.addi %add3A_76, %mul3A_75 : i32
      %dma_wait3A_78 = arith.constant 0 : i32
      %dma_wait3A_79 = tpu.memref_slice %arg6[%add3A_77, %dma_wait3A_78] : memref<40x128xi32, #tpu.memory_space<vmem>> -> memref<1x128xi32, #tpu.memory_space<vmem>>
      %dma_wait3A_80 = tpu.memref_squeeze %dma_wait3A_79 : memref<1x128xi32, #tpu.memory_space<vmem>> -> memref<128xi32, #tpu.memory_space<vmem>>
      %dma_wait3A_81 = arith.constant 0 : i32
      %dma_wait3A_82 = arith.constant 0 : i32
      %dma_wait3A_83 = tpu.memref_slice %arg2[%dma_wait3A_81, %dma_wait3A_82] : memref<10240x128xf32, #tpu.memory_space<hbm>> -> memref<10240x128xf32, #tpu.memory_space<hbm>>
      tpu.wait_indirect_dma semaphore(%arg12 : memref<!tpu.dma_semaphore, #tpu.memory_space<semaphore_mem>>) src(%dma_wait3A_83 : memref<10240x128xf32, #tpu.memory_space<hbm>>) dst(%arg8 : memref<128x128xf32, #tpu.memory_space<vmem>>)
      %add3A_84 = arith.constant 1 : i32
      %add3A_85 = arith.addi %add3A_77, %add3A_84 : i32
      %lt3A = arith.constant 40 : i32
      %lt3A_86 = arith.cmpi slt, %add3A_85, %lt3A : i32
      %convert_element_type3A = arith.extui %lt3A_86 : i1 to i32
      %cond3A = arith.constant 0 : i32
      %cond3A_87 = arith.cmpi ne, %convert_element_type3A, %cond3A : i32
      scf.if %cond3A_87 {
        %add3A_95 = arith.constant 1 : i32
        %add3A_96 = arith.addi %add3A_77, %add3A_95 : i32
        %dma_start3A_97 = arith.constant 0 : i32
        %dma_start3A_98 = tpu.memref_slice %arg6[%add3A_96, %dma_start3A_97] : memref<40x128xi32, #tpu.memory_space<vmem>> -> memref<1x128xi32, #tpu.memory_space<vmem>>
        %dma_start3A_99 = tpu.memref_squeeze %dma_start3A_98 : memref<1x128xi32, #tpu.memory_space<vmem>> -> memref<128xi32, #tpu.memory_space<vmem>>
        %dma_start3A_100 = arith.constant 0 : i32
        %dma_start3A_101 = arith.constant 0 : i32
        %dma_start3A_102 = tpu.memref_slice %arg2[%dma_start3A_100, %dma_start3A_101] : memref<10240x128xf32, #tpu.memory_space<hbm>> -> memref<10240x128xf32, #tpu.memory_space<hbm>>
        tpu.enqueue_indirect_dma source(%dma_start3A_102 : memref<10240x128xf32, #tpu.memory_space<hbm>>) target(%arg9 : memref<128x128xf32, #tpu.memory_space<vmem>>) offsets(%dma_start3A_99 : memref<128xi32, #tpu.memory_space<vmem>>) semaphore(%arg13 : memref<!tpu.dma_semaphore, #tpu.memory_space<semaphore_mem>>)
      } else {
      }
      "tpu.region"() ({
        %run_scoped3A = tpu.sem_alloc : memref<!tpu.dma_semaphore, #tpu.memory_space<semaphore_mem>>
        %dma_start3A_95 = arith.constant 0 : i32
        %dma_start3A_96 = tpu.memref_slice %arg7[%add3A_77, %dma_start3A_95] : memref<40x128xi32, #tpu.memory_space<vmem>> -> memref<1x128xi32, #tpu.memory_space<vmem>>
        %dma_start3A_97 = tpu.memref_squeeze %dma_start3A_96 : memref<1x128xi32, #tpu.memory_space<vmem>> -> memref<128xi32, #tpu.memory_space<vmem>>
        %dma_start3A_98 = arith.constant 0 : i32
        %dma_start3A_99 = arith.constant 0 : i32
        %dma_start3A_100 = tpu.memref_slice %arg10[%dma_start3A_98, %dma_start3A_99] : memref<10240x128xf32, #tpu.memory_space<vmem_shared>> -> memref<10240x128xf32, #tpu.memory_space<vmem_shared>>
        tpu.enqueue_indirect_dma source(%arg8 : memref<128x128xf32, #tpu.memory_space<vmem>>) target(%dma_start3A_100 : memref<10240x128xf32, #tpu.memory_space<vmem_shared>>) offsets(%dma_start3A_97 : memref<128xi32, #tpu.memory_space<vmem>>) semaphore(%run_scoped3A : memref<!tpu.dma_semaphore, #tpu.memory_space<semaphore_mem>>) {add = true}
        %dma_wait3A_101 = arith.constant 0 : i32
        %dma_wait3A_102 = tpu.memref_slice %arg7[%add3A_77, %dma_wait3A_101] : memref<40x128xi32, #tpu.memory_space<vmem>> -> memref<1x128xi32, #tpu.memory_space<vmem>>
        %dma_wait3A_103 = tpu.memref_squeeze %dma_wait3A_102 : memref<1x128xi32, #tpu.memory_space<vmem>> -> memref<128xi32, #tpu.memory_space<vmem>>
        %dma_wait3A_104 = arith.constant 0 : i32
        %dma_wait3A_105 = arith.constant 0 : i32
        %dma_wait3A_106 = tpu.memref_slice %arg10[%dma_wait3A_104, %dma_wait3A_105] : memref<10240x128xf32, #tpu.memory_space<vmem_shared>> -> memref<10240x128xf32, #tpu.memory_space<vmem_shared>>
        tpu.wait_indirect_dma semaphore(%run_scoped3A : memref<!tpu.dma_semaphore, #tpu.memory_space<semaphore_mem>>) src(%arg8 : memref<128x128xf32, #tpu.memory_space<vmem>>) dst(%dma_wait3A_106 : memref<10240x128xf32, #tpu.memory_space<vmem_shared>>)
        tpu.yield
      }) : () -> ()
      %add3A_88 = arith.constant 1 : i32
      %add3A_89 = arith.addi %add3A_77, %add3A_88 : i32
      %lt3A_90 = arith.constant 40 : i32
      %lt3A_91 = arith.cmpi slt, %add3A_89, %lt3A_90 : i32
      %convert_element_type3A_92 = arith.extui %lt3A_91 : i1 to i32
      %cond3A_93 = arith.constant 0 : i32
      %cond3A_94 = arith.cmpi ne, %convert_element_type3A_92, %cond3A_93 : i32
      scf.if %cond3A_94 {
        %add3A_95 = arith.constant 1 : i32
        %add3A_96 = arith.addi %add3A_77, %add3A_95 : i32
        %dma_wait3A_97 = arith.constant 0 : i32
        %dma_wait3A_98 = tpu.memref_slice %arg6[%add3A_96, %dma_wait3A_97] : memref<40x128xi32, #tpu.memory_space<vmem>> -> memref<1x128xi32, #tpu.memory_space<vmem>>
        %dma_wait3A_99 = tpu.memref_squeeze %dma_wait3A_98 : memref<1x128xi32, #tpu.memory_space<vmem>> -> memref<128xi32, #tpu.memory_space<vmem>>
        %dma_wait3A_100 = arith.constant 0 : i32
        %dma_wait3A_101 = arith.constant 0 : i32
        %dma_wait3A_102 = tpu.memref_slice %arg2[%dma_wait3A_100, %dma_wait3A_101] : memref<10240x128xf32, #tpu.memory_space<hbm>> -> memref<10240x128xf32, #tpu.memory_space<hbm>>
        tpu.wait_indirect_dma semaphore(%arg13 : memref<!tpu.dma_semaphore, #tpu.memory_space<semaphore_mem>>) src(%dma_wait3A_102 : memref<10240x128xf32, #tpu.memory_space<hbm>>) dst(%arg9 : memref<128x128xf32, #tpu.memory_space<vmem>>)
        %add3A_103 = arith.constant 2 : i32
        %add3A_104 = arith.addi %add3A_77, %add3A_103 : i32
        %lt3A_105 = arith.constant 40 : i32
        %lt3A_106 = arith.cmpi slt, %add3A_104, %lt3A_105 : i32
        %convert_element_type3A_107 = arith.extui %lt3A_106 : i1 to i32
        %cond3A_108 = arith.constant 0 : i32
        %cond3A_109 = arith.cmpi ne, %convert_element_type3A_107, %cond3A_108 : i32
        scf.if %cond3A_109 {
          %add3A_112 = arith.constant 2 : i32
          %add3A_113 = arith.addi %add3A_77, %add3A_112 : i32
          %dma_start3A_114 = arith.constant 0 : i32
          %dma_start3A_115 = tpu.memref_slice %arg6[%add3A_113, %dma_start3A_114] : memref<40x128xi32, #tpu.memory_space<vmem>> -> memref<1x128xi32, #tpu.memory_space<vmem>>
          %dma_start3A_116 = tpu.memref_squeeze %dma_start3A_115 : memref<1x128xi32, #tpu.memory_space<vmem>> -> memref<128xi32, #tpu.memory_space<vmem>>
          %dma_start3A_117 = arith.constant 0 : i32
          %dma_start3A_118 = arith.constant 0 : i32
          %dma_start3A_119 = tpu.memref_slice %arg2[%dma_start3A_117, %dma_start3A_118] : memref<10240x128xf32, #tpu.memory_space<hbm>> -> memref<10240x128xf32, #tpu.memory_space<hbm>>
          tpu.enqueue_indirect_dma source(%dma_start3A_119 : memref<10240x128xf32, #tpu.memory_space<hbm>>) target(%arg8 : memref<128x128xf32, #tpu.memory_space<vmem>>) offsets(%dma_start3A_116 : memref<128xi32, #tpu.memory_space<vmem>>) semaphore(%arg12 : memref<!tpu.dma_semaphore, #tpu.memory_space<semaphore_mem>>)
        } else {
        }
        %add3A_110 = arith.constant 1 : i32
        %add3A_111 = arith.addi %add3A_77, %add3A_110 : i32
        "tpu.region"() ({
          %run_scoped3A = tpu.sem_alloc : memref<!tpu.dma_semaphore, #tpu.memory_space<semaphore_mem>>
          %dma_start3A_112 = arith.constant 0 : i32
          %dma_start3A_113 = tpu.memref_slice %arg7[%add3A_111, %dma_start3A_112] : memref<40x128xi32, #tpu.memory_space<vmem>> -> memref<1x128xi32, #tpu.memory_space<vmem>>
          %dma_start3A_114 = tpu.memref_squeeze %dma_start3A_113 : memref<1x128xi32, #tpu.memory_space<vmem>> -> memref<128xi32, #tpu.memory_space<vmem>>
          %dma_start3A_115 = arith.constant 0 : i32
          %dma_start3A_116 = arith.constant 0 : i32
          %dma_start3A_117 = tpu.memref_slice %arg10[%dma_start3A_115, %dma_start3A_116] : memref<10240x128xf32, #tpu.memory_space<vmem_shared>> -> memref<10240x128xf32, #tpu.memory_space<vmem_shared>>
          tpu.enqueue_indirect_dma source(%arg9 : memref<128x128xf32, #tpu.memory_space<vmem>>) target(%dma_start3A_117 : memref<10240x128xf32, #tpu.memory_space<vmem_shared>>) offsets(%dma_start3A_114 : memref<128xi32, #tpu.memory_space<vmem>>) semaphore(%run_scoped3A : memref<!tpu.dma_semaphore, #tpu.memory_space<semaphore_mem>>) {add = true}
          %dma_wait3A_118 = arith.constant 0 : i32
          %dma_wait3A_119 = tpu.memref_slice %arg7[%add3A_111, %dma_wait3A_118] : memref<40x128xi32, #tpu.memory_space<vmem>> -> memref<1x128xi32, #tpu.memory_space<vmem>>
          %dma_wait3A_120 = tpu.memref_squeeze %dma_wait3A_119 : memref<1x128xi32, #tpu.memory_space<vmem>> -> memref<128xi32, #tpu.memory_space<vmem>>
          %dma_wait3A_121 = arith.constant 0 : i32
          %dma_wait3A_122 = arith.constant 0 : i32
          %dma_wait3A_123 = tpu.memref_slice %arg10[%dma_wait3A_121, %dma_wait3A_122] : memref<10240x128xf32, #tpu.memory_space<vmem_shared>> -> memref<10240x128xf32, #tpu.memory_space<vmem_shared>>
          tpu.wait_indirect_dma semaphore(%run_scoped3A : memref<!tpu.dma_semaphore, #tpu.memory_space<semaphore_mem>>) src(%arg9 : memref<128x128xf32, #tpu.memory_space<vmem>>) dst(%dma_wait3A_123 : memref<10240x128xf32, #tpu.memory_space<vmem_shared>>)
          tpu.yield
        }) : () -> ()
      } else {
      }
    }
    %scan3A_56 = arith.constant 20 : i32
    %add3A_57 = arith.constant 40 : i32
    %add3A_58 = arith.addi %multiple_of3A, %add3A_57 : i32
    %multiple_of3A_59 = tpu.assume_multiple %add3A_58, 8 : i32
    "tpu.region"() ({
      %run_scoped3A = tpu.sem_alloc : memref<!tpu.dma_semaphore, #tpu.memory_space<semaphore_mem>>
      %dma_start3A_73 = arith.constant 0 : i32
      %dma_start3A_74 = tpu.memref_slice %arg3[%multiple_of3A_59, %dma_start3A_73] : memref<2560x128xi32, #tpu.memory_space<hbm>> -> memref<40x128xi32, #tpu.memory_space<hbm>>
      %dma_start3A_75 = arith.constant 0 : i32
      %dma_start3A_76 = tpu.memref_slice %arg3[%multiple_of3A_59, %dma_start3A_75] : memref<2560x128xi32, #tpu.memory_space<hbm>> -> memref<40x128xi32, #tpu.memory_space<hbm>>
      tpu.enqueue_dma source(%dma_start3A_76 : memref<40x128xi32, #tpu.memory_space<hbm>>) target(%arg6 : memref<40x128xi32, #tpu.memory_space<vmem>>) target_semaphore(%run_scoped3A : memref<!tpu.dma_semaphore, #tpu.memory_space<semaphore_mem>>)
      %dma_wait3A_77 = arith.constant 0 : i32
      %dma_wait3A_78 = tpu.memref_slice %arg3[%multiple_of3A_59, %dma_wait3A_77] : memref<2560x128xi32, #tpu.memory_space<hbm>> -> memref<40x128xi32, #tpu.memory_space<hbm>>
      %dma_wait3A_79 = arith.constant 0 : i32
      %dma_wait3A_80 = tpu.memref_slice %arg3[%multiple_of3A_59, %dma_wait3A_79] : memref<2560x128xi32, #tpu.memory_space<hbm>> -> memref<40x128xi32, #tpu.memory_space<hbm>>
      tpu.wait_dma2 semaphore(%run_scoped3A : memref<!tpu.dma_semaphore, #tpu.memory_space<semaphore_mem>>) src(%dma_wait3A_80 : memref<40x128xi32, #tpu.memory_space<hbm>>) dst(%arg6 : memref<40x128xi32, #tpu.memory_space<vmem>>)
      tpu.yield
    }) : () -> ()
    "tpu.region"() ({
      %run_scoped3A = tpu.sem_alloc : memref<!tpu.dma_semaphore, #tpu.memory_space<semaphore_mem>>
      %dma_start3A_73 = arith.constant 0 : i32
      %dma_start3A_74 = tpu.memref_slice %arg4[%multiple_of3A_59, %dma_start3A_73] : memref<2560x128xi32, #tpu.memory_space<hbm>> -> memref<40x128xi32, #tpu.memory_space<hbm>>
      %dma_start3A_75 = arith.constant 0 : i32
      %dma_start3A_76 = tpu.memref_slice %arg4[%multiple_of3A_59, %dma_start3A_75] : memref<2560x128xi32, #tpu.memory_space<hbm>> -> memref<40x128xi32, #tpu.memory_space<hbm>>
      tpu.enqueue_dma source(%dma_start3A_76 : memref<40x128xi32, #tpu.memory_space<hbm>>) target(%arg7 : memref<40x128xi32, #tpu.memory_space<vmem>>) target_semaphore(%run_scoped3A : memref<!tpu.dma_semaphore, #tpu.memory_space<semaphore_mem>>)
      %dma_wait3A_77 = arith.constant 0 : i32
      %dma_wait3A_78 = tpu.memref_slice %arg4[%multiple_of3A_59, %dma_wait3A_77] : memref<2560x128xi32, #tpu.memory_space<hbm>> -> memref<40x128xi32, #tpu.memory_space<hbm>>
      %dma_wait3A_79 = arith.constant 0 : i32
      %dma_wait3A_80 = tpu.memref_slice %arg4[%multiple_of3A_59, %dma_wait3A_79] : memref<2560x128xi32, #tpu.memory_space<hbm>> -> memref<40x128xi32, #tpu.memory_space<hbm>>
      tpu.wait_dma2 semaphore(%run_scoped3A : memref<!tpu.dma_semaphore, #tpu.memory_space<semaphore_mem>>) src(%dma_wait3A_80 : memref<40x128xi32, #tpu.memory_space<hbm>>) dst(%arg7 : memref<40x128xi32, #tpu.memory_space<vmem>>)
      tpu.yield
    }) : () -> ()
    %dma_start3A_60 = arith.constant 0 : i32
    %dma_start3A_61 = arith.constant 0 : i32
    %dma_start3A_62 = tpu.memref_slice %arg6[%dma_start3A_60, %dma_start3A_61] : memref<40x128xi32, #tpu.memory_space<vmem>> -> memref<1x128xi32, #tpu.memory_space<vmem>>
    %dma_start3A_63 = tpu.memref_squeeze %dma_start3A_62 : memref<1x128xi32, #tpu.memory_space<vmem>> -> memref<128xi32, #tpu.memory_space<vmem>>
    %dma_start3A_64 = arith.constant 0 : i32
    %dma_start3A_65 = arith.constant 0 : i32
    %dma_start3A_66 = tpu.memref_slice %arg2[%dma_start3A_64, %dma_start3A_65] : memref<10240x128xf32, #tpu.memory_space<hbm>> -> memref<10240x128xf32, #tpu.memory_space<hbm>>
    tpu.enqueue_indirect_dma source(%dma_start3A_66 : memref<10240x128xf32, #tpu.memory_space<hbm>>) target(%arg8 : memref<128x128xf32, #tpu.memory_space<vmem>>) offsets(%dma_start3A_63 : memref<128xi32, #tpu.memory_space<vmem>>) semaphore(%arg12 : memref<!tpu.dma_semaphore, #tpu.memory_space<semaphore_mem>>)
    %scan3A_67 = arith.constant 0 : i32
    %scan3A_68 = arith.constant 20 : i32
    %scan3A_69 = arith.addi %scan3A_67, %scan3A_68 : i32
    %scan3A_70 = arith.constant 1 : i32
    scf.for %scan3A_73 = %scan3A_67 to %scan3A_69 step %scan3A_70  : i32 {
      %mul3A_74 = arith.constant 2 : i32
      %mul3A_75 = arith.muli %scan3A_73, %mul3A_74 : i32
      %add3A_76 = arith.constant 0 : i32
      %add3A_77 = arith.addi %add3A_76, %mul3A_75 : i32
      %dma_wait3A_78 = arith.constant 0 : i32
      %dma_wait3A_79 = tpu.memref_slice %arg6[%add3A_77, %dma_wait3A_78] : memref<40x128xi32, #tpu.memory_space<vmem>> -> memref<1x128xi32, #tpu.memory_space<vmem>>
      %dma_wait3A_80 = tpu.memref_squeeze %dma_wait3A_79 : memref<1x128xi32, #tpu.memory_space<vmem>> -> memref<128xi32, #tpu.memory_space<vmem>>
      %dma_wait3A_81 = arith.constant 0 : i32
      %dma_wait3A_82 = arith.constant 0 : i32
      %dma_wait3A_83 = tpu.memref_slice %arg2[%dma_wait3A_81, %dma_wait3A_82] : memref<10240x128xf32, #tpu.memory_space<hbm>> -> memref<10240x128xf32, #tpu.memory_space<hbm>>
      tpu.wait_indirect_dma semaphore(%arg12 : memref<!tpu.dma_semaphore, #tpu.memory_space<semaphore_mem>>) src(%dma_wait3A_83 : memref<10240x128xf32, #tpu.memory_space<hbm>>) dst(%arg8 : memref<128x128xf32, #tpu.memory_space<vmem>>)
      %add3A_84 = arith.constant 1 : i32
      %add3A_85 = arith.addi %add3A_77, %add3A_84 : i32
      %lt3A = arith.constant 40 : i32
      %lt3A_86 = arith.cmpi slt, %add3A_85, %lt3A : i32
      %convert_element_type3A = arith.extui %lt3A_86 : i1 to i32
      %cond3A = arith.constant 0 : i32
      %cond3A_87 = arith.cmpi ne, %convert_element_type3A, %cond3A : i32
      scf.if %cond3A_87 {
        %add3A_95 = arith.constant 1 : i32
        %add3A_96 = arith.addi %add3A_77, %add3A_95 : i32
        %dma_start3A_97 = arith.constant 0 : i32
        %dma_start3A_98 = tpu.memref_slice %arg6[%add3A_96, %dma_start3A_97] : memref<40x128xi32, #tpu.memory_space<vmem>> -> memref<1x128xi32, #tpu.memory_space<vmem>>
        %dma_start3A_99 = tpu.memref_squeeze %dma_start3A_98 : memref<1x128xi32, #tpu.memory_space<vmem>> -> memref<128xi32, #tpu.memory_space<vmem>>
        %dma_start3A_100 = arith.constant 0 : i32
        %dma_start3A_101 = arith.constant 0 : i32
        %dma_start3A_102 = tpu.memref_slice %arg2[%dma_start3A_100, %dma_start3A_101] : memref<10240x128xf32, #tpu.memory_space<hbm>> -> memref<10240x128xf32, #tpu.memory_space<hbm>>
        tpu.enqueue_indirect_dma source(%dma_start3A_102 : memref<10240x128xf32, #tpu.memory_space<hbm>>) target(%arg9 : memref<128x128xf32, #tpu.memory_space<vmem>>) offsets(%dma_start3A_99 : memref<128xi32, #tpu.memory_space<vmem>>) semaphore(%arg13 : memref<!tpu.dma_semaphore, #tpu.memory_space<semaphore_mem>>)
      } else {
      }
      "tpu.region"() ({
        %run_scoped3A = tpu.sem_alloc : memref<!tpu.dma_semaphore, #tpu.memory_space<semaphore_mem>>
        %dma_start3A_95 = arith.constant 0 : i32
        %dma_start3A_96 = tpu.memref_slice %arg7[%add3A_77, %dma_start3A_95] : memref<40x128xi32, #tpu.memory_space<vmem>> -> memref<1x128xi32, #tpu.memory_space<vmem>>
        %dma_start3A_97 = tpu.memref_squeeze %dma_start3A_96 : memref<1x128xi32, #tpu.memory_space<vmem>> -> memref<128xi32, #tpu.memory_space<vmem>>
        %dma_start3A_98 = arith.constant 0 : i32
        %dma_start3A_99 = arith.constant 0 : i32
        %dma_start3A_100 = tpu.memref_slice %arg10[%dma_start3A_98, %dma_start3A_99] : memref<10240x128xf32, #tpu.memory_space<vmem_shared>> -> memref<10240x128xf32, #tpu.memory_space<vmem_shared>>
        tpu.enqueue_indirect_dma source(%arg8 : memref<128x128xf32, #tpu.memory_space<vmem>>) target(%dma_start3A_100 : memref<10240x128xf32, #tpu.memory_space<vmem_shared>>) offsets(%dma_start3A_97 : memref<128xi32, #tpu.memory_space<vmem>>) semaphore(%run_scoped3A : memref<!tpu.dma_semaphore, #tpu.memory_space<semaphore_mem>>) {add = true}
        %dma_wait3A_101 = arith.constant 0 : i32
        %dma_wait3A_102 = tpu.memref_slice %arg7[%add3A_77, %dma_wait3A_101] : memref<40x128xi32, #tpu.memory_space<vmem>> -> memref<1x128xi32, #tpu.memory_space<vmem>>
        %dma_wait3A_103 = tpu.memref_squeeze %dma_wait3A_102 : memref<1x128xi32, #tpu.memory_space<vmem>> -> memref<128xi32, #tpu.memory_space<vmem>>
        %dma_wait3A_104 = arith.constant 0 : i32
        %dma_wait3A_105 = arith.constant 0 : i32
        %dma_wait3A_106 = tpu.memref_slice %arg10[%dma_wait3A_104, %dma_wait3A_105] : memref<10240x128xf32, #tpu.memory_space<vmem_shared>> -> memref<10240x128xf32, #tpu.memory_space<vmem_shared>>
        tpu.wait_indirect_dma semaphore(%run_scoped3A : memref<!tpu.dma_semaphore, #tpu.memory_space<semaphore_mem>>) src(%arg8 : memref<128x128xf32, #tpu.memory_space<vmem>>) dst(%dma_wait3A_106 : memref<10240x128xf32, #tpu.memory_space<vmem_shared>>)
        tpu.yield
      }) : () -> ()
      %add3A_88 = arith.constant 1 : i32
      %add3A_89 = arith.addi %add3A_77, %add3A_88 : i32
      %lt3A_90 = arith.constant 40 : i32
      %lt3A_91 = arith.cmpi slt, %add3A_89, %lt3A_90 : i32
      %convert_element_type3A_92 = arith.extui %lt3A_91 : i1 to i32
      %cond3A_93 = arith.constant 0 : i32
      %cond3A_94 = arith.cmpi ne, %convert_element_type3A_92, %cond3A_93 : i32
      scf.if %cond3A_94 {
        %add3A_95 = arith.constant 1 : i32
        %add3A_96 = arith.addi %add3A_77, %add3A_95 : i32
        %dma_wait3A_97 = arith.constant 0 : i32
        %dma_wait3A_98 = tpu.memref_slice %arg6[%add3A_96, %dma_wait3A_97] : memref<40x128xi32, #tpu.memory_space<vmem>> -> memref<1x128xi32, #tpu.memory_space<vmem>>
        %dma_wait3A_99 = tpu.memref_squeeze %dma_wait3A_98 : memref<1x128xi32, #tpu.memory_space<vmem>> -> memref<128xi32, #tpu.memory_space<vmem>>
        %dma_wait3A_100 = arith.constant 0 : i32
        %dma_wait3A_101 = arith.constant 0 : i32
        %dma_wait3A_102 = tpu.memref_slice %arg2[%dma_wait3A_100, %dma_wait3A_101] : memref<10240x128xf32, #tpu.memory_space<hbm>> -> memref<10240x128xf32, #tpu.memory_space<hbm>>
        tpu.wait_indirect_dma semaphore(%arg13 : memref<!tpu.dma_semaphore, #tpu.memory_space<semaphore_mem>>) src(%dma_wait3A_102 : memref<10240x128xf32, #tpu.memory_space<hbm>>) dst(%arg9 : memref<128x128xf32, #tpu.memory_space<vmem>>)
        %add3A_103 = arith.constant 2 : i32
        %add3A_104 = arith.addi %add3A_77, %add3A_103 : i32
        %lt3A_105 = arith.constant 40 : i32
        %lt3A_106 = arith.cmpi slt, %add3A_104, %lt3A_105 : i32
        %convert_element_type3A_107 = arith.extui %lt3A_106 : i1 to i32
        %cond3A_108 = arith.constant 0 : i32
        %cond3A_109 = arith.cmpi ne, %convert_element_type3A_107, %cond3A_108 : i32
        scf.if %cond3A_109 {
          %add3A_112 = arith.constant 2 : i32
          %add3A_113 = arith.addi %add3A_77, %add3A_112 : i32
          %dma_start3A_114 = arith.constant 0 : i32
          %dma_start3A_115 = tpu.memref_slice %arg6[%add3A_113, %dma_start3A_114] : memref<40x128xi32, #tpu.memory_space<vmem>> -> memref<1x128xi32, #tpu.memory_space<vmem>>
          %dma_start3A_116 = tpu.memref_squeeze %dma_start3A_115 : memref<1x128xi32, #tpu.memory_space<vmem>> -> memref<128xi32, #tpu.memory_space<vmem>>
          %dma_start3A_117 = arith.constant 0 : i32
          %dma_start3A_118 = arith.constant 0 : i32
          %dma_start3A_119 = tpu.memref_slice %arg2[%dma_start3A_117, %dma_start3A_118] : memref<10240x128xf32, #tpu.memory_space<hbm>> -> memref<10240x128xf32, #tpu.memory_space<hbm>>
          tpu.enqueue_indirect_dma source(%dma_start3A_119 : memref<10240x128xf32, #tpu.memory_space<hbm>>) target(%arg8 : memref<128x128xf32, #tpu.memory_space<vmem>>) offsets(%dma_start3A_116 : memref<128xi32, #tpu.memory_space<vmem>>) semaphore(%arg12 : memref<!tpu.dma_semaphore, #tpu.memory_space<semaphore_mem>>)
        } else {
        }
        %add3A_110 = arith.constant 1 : i32
        %add3A_111 = arith.addi %add3A_77, %add3A_110 : i32
        "tpu.region"() ({
          %run_scoped3A = tpu.sem_alloc : memref<!tpu.dma_semaphore, #tpu.memory_space<semaphore_mem>>
          %dma_start3A_112 = arith.constant 0 : i32
          %dma_start3A_113 = tpu.memref_slice %arg7[%add3A_111, %dma_start3A_112] : memref<40x128xi32, #tpu.memory_space<vmem>> -> memref<1x128xi32, #tpu.memory_space<vmem>>
          %dma_start3A_114 = tpu.memref_squeeze %dma_start3A_113 : memref<1x128xi32, #tpu.memory_space<vmem>> -> memref<128xi32, #tpu.memory_space<vmem>>
          %dma_start3A_115 = arith.constant 0 : i32
          %dma_start3A_116 = arith.constant 0 : i32
          %dma_start3A_117 = tpu.memref_slice %arg10[%dma_start3A_115, %dma_start3A_116] : memref<10240x128xf32, #tpu.memory_space<vmem_shared>> -> memref<10240x128xf32, #tpu.memory_space<vmem_shared>>
          tpu.enqueue_indirect_dma source(%arg9 : memref<128x128xf32, #tpu.memory_space<vmem>>) target(%dma_start3A_117 : memref<10240x128xf32, #tpu.memory_space<vmem_shared>>) offsets(%dma_start3A_114 : memref<128xi32, #tpu.memory_space<vmem>>) semaphore(%run_scoped3A : memref<!tpu.dma_semaphore, #tpu.memory_space<semaphore_mem>>) {add = true}
          %dma_wait3A_118 = arith.constant 0 : i32
          %dma_wait3A_119 = tpu.memref_slice %arg7[%add3A_111, %dma_wait3A_118] : memref<40x128xi32, #tpu.memory_space<vmem>> -> memref<1x128xi32, #tpu.memory_space<vmem>>
          %dma_wait3A_120 = tpu.memref_squeeze %dma_wait3A_119 : memref<1x128xi32, #tpu.memory_space<vmem>> -> memref<128xi32, #tpu.memory_space<vmem>>
          %dma_wait3A_121 = arith.constant 0 : i32
          %dma_wait3A_122 = arith.constant 0 : i32
          %dma_wait3A_123 = tpu.memref_slice %arg10[%dma_wait3A_121, %dma_wait3A_122] : memref<10240x128xf32, #tpu.memory_space<vmem_shared>> -> memref<10240x128xf32, #tpu.memory_space<vmem_shared>>
          tpu.wait_indirect_dma semaphore(%run_scoped3A : memref<!tpu.dma_semaphore, #tpu.memory_space<semaphore_mem>>) src(%arg9 : memref<128x128xf32, #tpu.memory_space<vmem>>) dst(%dma_wait3A_123 : memref<10240x128xf32, #tpu.memory_space<vmem_shared>>)
          tpu.yield
        }) : () -> ()
      } else {
      }
    }
    %scan3A_71 = arith.constant 20 : i32
    %barrier3A_72 = arith.constant 0 : index
    tpu.barrier barrier_id(%barrier3A_72)
    "tpu.region"() ({
      %run_scoped3A = tpu.sem_alloc : memref<!tpu.dma_semaphore, #tpu.memory_space<semaphore_mem>>
      %dma_start3A_73 = arith.constant 0 : i32
      %dma_start3A_74 = tpu.memref_slice %arg5[%arg0, %multiple_of3A_21, %dma_start3A_73] : memref<2x10240x128xf32, #tpu.memory_space<hbm>> -> memref<1x640x128xf32, #tpu.memory_space<hbm>>
      %dma_start3A_75 = tpu.memref_squeeze %dma_start3A_74 : memref<1x640x128xf32, #tpu.memory_space<hbm>> -> memref<640x128xf32, #tpu.memory_space<hbm>>
      %dma_start3A_76 = arith.constant 0 : i32
      %dma_start3A_77 = tpu.memref_slice %arg10[%multiple_of3A_21, %dma_start3A_76] : memref<10240x128xf32, #tpu.memory_space<vmem_shared>> -> memref<640x128xf32, #tpu.memory_space<vmem_shared>>
      tpu.enqueue_dma source(%dma_start3A_77 : memref<640x128xf32, #tpu.memory_space<vmem_shared>>) target(%dma_start3A_75 : memref<640x128xf32, #tpu.memory_space<hbm>>) target_semaphore(%run_scoped3A : memref<!tpu.dma_semaphore, #tpu.memory_space<semaphore_mem>>)
      %dma_wait3A_78 = arith.constant 0 : i32
      %dma_wait3A_79 = tpu.memref_slice %arg5[%arg0, %multiple_of3A_21, %dma_wait3A_78] : memref<2x10240x128xf32, #tpu.memory_space<hbm>> -> memref<1x640x128xf32, #tpu.memory_space<hbm>>
      %dma_wait3A_80 = tpu.memref_squeeze %dma_wait3A_79 : memref<1x640x128xf32, #tpu.memory_space<hbm>> -> memref<640x128xf32, #tpu.memory_space<hbm>>
      %dma_wait3A_81 = arith.constant 0 : i32
      %dma_wait3A_82 = tpu.memref_slice %arg10[%multiple_of3A_21, %dma_wait3A_81] : memref<10240x128xf32, #tpu.memory_space<vmem_shared>> -> memref<640x128xf32, #tpu.memory_space<vmem_shared>>
      tpu.wait_dma2 semaphore(%run_scoped3A : memref<!tpu.dma_semaphore, #tpu.memory_space<semaphore_mem>>) src(%dma_wait3A_82 : memref<640x128xf32, #tpu.memory_space<vmem_shared>>) dst(%dma_wait3A_80 : memref<640x128xf32, #tpu.memory_space<hbm>>)
      tpu.yield
    }) : () -> ()
    return
  }
}

module attributes {stable_mosaic.version = 14 : i64} {
  func.func @body(%arg0: i32, %arg1: memref<512x128xf32, #tpu.memory_space<vmem>>, %arg2: memref<512x1xf32, #tpu.memory_space<vmem>>, %arg3: memref<2x128xf32, #tpu.memory_space<vmem>>, %arg4: memref<256x128xf32, #tpu.memory_space<vmem>>, %arg5: memref<512x128xf32, #tpu.memory_space<vmem>>) attributes {dimension_semantics = [#tpu.dimension_semantics<arbitrary>], iteration_bounds = array<i64: 20>, scalar_prefetch = 0 : i64, scratch_operands = 0 : i64, tpu.core_type = #tpu.core_type<tc>, window_params = [{transform_indices = @transform_0, window_bounds = array<i64: 512, 128>}, {transform_indices = @transform_1, window_bounds = array<i64: 512, 1>}, {pipeline_mode = #tpu.pipeline_mode<synchronous>, transform_indices = @transform_2, window_bounds = array<i64: 2, 128>}, {pipeline_mode = #tpu.pipeline_mode<synchronous>, transform_indices = @transform_3, window_bounds = array<i64: 256, 128>}, {transform_indices = @transform_4, window_bounds = array<i64: 512, 128>}]} {
    %get3A = arith.constant 0 : index
    %get3A_0 = arith.constant 0 : index
    %get3A_1 = vector.load %arg4[%get3A, %get3A_0] : memref<256x128xf32, #tpu.memory_space<vmem>>, vector<256x128xf32>
    %get3A_2 = arith.constant 0 : index
    %get3A_3 = arith.constant 0 : index
    %get3A_4 = vector.load %arg3[%get3A_2, %get3A_3] : memref<2x128xf32, #tpu.memory_space<vmem>>, vector<2x128xf32>
    %slice3A = vector.extract_strided_slice %get3A_1 {offsets = [128, 0], sizes = [128, 128], strides = [1, 1]} : vector<256x128xf32> to vector<128x128xf32>
    %dot_general3A = arith.constant dense<0.000000e+00> : vector<2x128xf32>
    %dot_general3A_5 = tpu.matmul %get3A_4, %slice3A, %dot_general3A {dimension_numbers = #tpu.dot_dimension_numbers<[1], [0], [0], [1], [0, 0, 1, 1], [], []>, precision = #tpu.contract_precision<fp32>, transpose_lhs_hint = false} : vector<2x128xf32>, vector<128x128xf32>, vector<2x128xf32> -> vector<2x128xf32>
    %get3A_6 = arith.constant 0 : index
    %get3A_7 = arith.constant 0 : index
    %get3A_8 = vector.load %arg1[%get3A_6, %get3A_7] : memref<512x128xf32, #tpu.memory_space<vmem>>, vector<512x128xf32>
    %slice3A_9 = vector.extract_strided_slice %get3A_1 {offsets = [0, 0], sizes = [128, 128], strides = [1, 1]} : vector<256x128xf32> to vector<128x128xf32>
    %dot_general3A_10 = arith.constant dense<0.000000e+00> : vector<512x128xf32>
    %dot_general3A_11 = tpu.matmul %get3A_8, %slice3A_9, %dot_general3A_10 {dimension_numbers = #tpu.dot_dimension_numbers<[1], [0], [0], [1], [0, 0, 1, 1], [], []>, precision = #tpu.contract_precision<fp32>, transpose_lhs_hint = false} : vector<512x128xf32>, vector<128x128xf32>, vector<512x128xf32> -> vector<512x128xf32>
    %get3A_12 = arith.constant 0 : index
    %get3A_13 = arith.constant 0 : index
    %get3A_14 = vector.load %arg2[%get3A_12, %get3A_13] : memref<512x1xf32, #tpu.memory_space<vmem>>, vector<512x1xf32>
    %slice3A_15 = vector.extract_strided_slice %dot_general3A_5 {offsets = [0, 0], sizes = [1, 128], strides = [1, 1]} : vector<2x128xf32> to vector<1x128xf32>
    %add3A = vector.broadcast %slice3A_15 : vector<1x128xf32> to vector<512x128xf32>
    %add3A_16 = arith.addf %dot_general3A_11, %add3A : vector<512x128xf32>
    %slice3A_17 = vector.extract_strided_slice %dot_general3A_5 {offsets = [1, 0], sizes = [1, 128], strides = [1, 1]} : vector<2x128xf32> to vector<1x128xf32>
    %slice3A_18 = vector.extract_strided_slice %dot_general3A_5 {offsets = [0, 0], sizes = [1, 128], strides = [1, 1]} : vector<2x128xf32> to vector<1x128xf32>
    %sub3A = arith.subf %slice3A_17, %slice3A_18 : vector<1x128xf32>
    %mul3A = vector.broadcast %get3A_14 : vector<512x1xf32> to vector<512x128xf32>
    %mul3A_19 = vector.broadcast %sub3A : vector<1x128xf32> to vector<512x128xf32>
    %mul3A_20 = arith.mulf %mul3A, %mul3A_19 : vector<512x128xf32>
    %add3A_21 = arith.addf %add3A_16, %mul3A_20 : vector<512x128xf32>
    %swap3A = arith.constant 0 : index
    %swap3A_22 = arith.constant 0 : index
    %swap3A_23 = vector.load %arg5[%swap3A, %swap3A_22] : memref<512x128xf32, #tpu.memory_space<vmem>>, vector<512x128xf32>
    tpu.vector_store %arg5[%swap3A, %swap3A_22], %add3A_21 {strides = array<i32>} : memref<512x128xf32, #tpu.memory_space<vmem>>, vector<512x128xf32>,
    return
  }
  func.func @transform_0(%arg0: i32) -> (i32, i32) {
    %c0_i32 = arith.constant 0 : i32
    %c0_i32_0 = arith.constant 0 : i32
    return %arg0, %c0_i32 : i32, i32
  }
  func.func @transform_1(%arg0: i32) -> (i32, i32) {
    %c0_i32 = arith.constant 0 : i32
    %c0_i32_0 = arith.constant 0 : i32
    return %arg0, %c0_i32 : i32, i32
  }
  func.func @transform_2(%arg0: i32) -> (i32, i32) {
    %c0_i32 = arith.constant 0 : i32
    %c0_i32_0 = arith.constant 0 : i32
    %c0_i32_1 = arith.constant 0 : i32
    return %c0_i32, %c0_i32_0 : i32, i32
  }
  func.func @transform_3(%arg0: i32) -> (i32, i32) {
    %c0_i32 = arith.constant 0 : i32
    %c0_i32_0 = arith.constant 0 : i32
    %c0_i32_1 = arith.constant 0 : i32
    return %c0_i32, %c0_i32_0 : i32, i32
  }
  func.func @transform_4(%arg0: i32) -> (i32, i32) {
    %c0_i32 = arith.constant 0 : i32
    %c0_i32_0 = arith.constant 0 : i32
    return %arg0, %c0_i32 : i32, i32
  }
}

module attributes {stable_mosaic.version = 14 : i64} {
  func.func @body(%arg0: i32, %arg1: memref<2x512x128xf32, #tpu.memory_space<vmem>>, %arg2: memref<512x128xf32, #tpu.memory_space<vmem>>, %arg3: memref<512x1xf32, #tpu.memory_space<vmem>>, %arg4: memref<1x128xf32, #tpu.memory_space<vmem>>, %arg5: memref<1x128xf32, #tpu.memory_space<vmem>>, %arg6: memref<1x128xf32, #tpu.memory_space<vmem>>, %arg7: memref<128x128xf32, #tpu.memory_space<vmem>>, %arg8: memref<512x128xf32, #tpu.memory_space<vmem>>) attributes {dimension_semantics = [#tpu.dimension_semantics<arbitrary>], iteration_bounds = array<i64: 20>, scalar_prefetch = 0 : i64, scratch_operands = 0 : i64, tpu.core_type = #tpu.core_type<tc>, window_params = [{transform_indices = @transform_0, window_bounds = array<i64: 2, 512, 128>}, {transform_indices = @transform_1, window_bounds = array<i64: 512, 128>}, {transform_indices = @transform_2, window_bounds = array<i64: 512, 1>}, {pipeline_mode = #tpu.pipeline_mode<synchronous>, transform_indices = @transform_3, window_bounds = array<i64: 1, 128>}, {pipeline_mode = #tpu.pipeline_mode<synchronous>, transform_indices = @transform_4, window_bounds = array<i64: 1, 128>}, {pipeline_mode = #tpu.pipeline_mode<synchronous>, transform_indices = @transform_5, window_bounds = array<i64: 1, 128>}, {pipeline_mode = #tpu.pipeline_mode<synchronous>, transform_indices = @transform_6, window_bounds = array<i64: 128, 128>}, {transform_indices = @transform_7, window_bounds = array<i64: 512, 128>}]} {
    %get3A = arith.constant 0 : index
    %get3A_0 = arith.constant 0 : index
    %get3A_1 = vector.load %arg3[%get3A, %get3A_0] : memref<512x1xf32, #tpu.memory_space<vmem>>, vector<512x1xf32>
    %get3A_2 = arith.constant 0 : index
    %get3A_3 = arith.constant 0 : index
    %get3A_4 = arith.constant 0 : index
    %get3A_5 = vector.load %arg1[%get3A_2, %get3A_3, %get3A_4] : memref<2x512x128xf32, #tpu.memory_space<vmem>>, vector<1x512x128xf32>
    %get3A_6 = vector.shape_cast %get3A_5 : vector<1x512x128xf32> to vector<512x128xf32>
    %get3A_7 = arith.constant 1 : index
    %get3A_8 = arith.constant 0 : index
    %get3A_9 = arith.constant 0 : index
    %get3A_10 = vector.load %arg1[%get3A_7, %get3A_8, %get3A_9] : memref<2x512x128xf32, #tpu.memory_space<vmem>>, vector<1x512x128xf32>
    %get3A_11 = vector.shape_cast %get3A_10 : vector<1x512x128xf32> to vector<512x128xf32>
    %add3A = arith.addf %get3A_6, %get3A_11 : vector<512x128xf32>
    %get3A_12 = arith.constant 0 : index
    %get3A_13 = arith.constant 0 : index
    %get3A_14 = vector.load %arg2[%get3A_12, %get3A_13] : memref<512x128xf32, #tpu.memory_space<vmem>>, vector<512x128xf32>
    %add3A_15 = arith.addf %add3A, %get3A_14 : vector<512x128xf32>
    %mul3A = vector.broadcast %get3A_1 : vector<512x1xf32> to vector<512x128xf32>
    %mul3A_16 = arith.mulf %mul3A, %add3A_15 : vector<512x128xf32>
    %get3A_17 = arith.constant 0 : index
    %get3A_18 = arith.constant 0 : index
    %get3A_19 = vector.load %arg4[%get3A_17, %get3A_18] : memref<1x128xf32, #tpu.memory_space<vmem>>, vector<1x128xf32>
    %add3A_20 = vector.broadcast %get3A_19 : vector<1x128xf32> to vector<512x128xf32>
    %add3A_21 = arith.addf %mul3A_16, %add3A_20 : vector<512x128xf32>
    %reduce_sum3A = arith.constant dense<0.000000e+00> : vector<512xf32>
    %reduce_sum3A_22 = vector.multi_reduction <add>, %add3A_21, %reduce_sum3A [1] : vector<512x128xf32> to vector<512xf32>
    %broadcast_in_dim3A = vector.shape_cast %reduce_sum3A_22 : vector<512xf32> to vector<512x1xf32>
    %div3A = arith.constant 1.280000e+02 : f32
    %div3A_23 = vector.broadcast %div3A : f32 to vector<512x1xf32>
    %div3A_24 = arith.divf %broadcast_in_dim3A, %div3A_23 : vector<512x1xf32>
    %sub3A = vector.broadcast %div3A_24 : vector<512x1xf32> to vector<512x128xf32>
    %sub3A_25 = arith.subf %add3A_21, %sub3A : vector<512x128xf32>
    %mul3A_26 = arith.mulf %sub3A_25, %sub3A_25 : vector<512x128xf32>
    %reduce_sum3A_27 = arith.constant dense<0.000000e+00> : vector<512xf32>
    %reduce_sum3A_28 = vector.multi_reduction <add>, %mul3A_26, %reduce_sum3A_27 [1] : vector<512x128xf32> to vector<512xf32>
    %broadcast_in_dim3A_29 = vector.shape_cast %reduce_sum3A_28 : vector<512xf32> to vector<512x1xf32>
    %div3A_30 = arith.constant 1.280000e+02 : f32
    %div3A_31 = vector.broadcast %div3A_30 : f32 to vector<512x1xf32>
    %div3A_32 = arith.divf %broadcast_in_dim3A_29, %div3A_31 : vector<512x1xf32>
    %add3A_33 = arith.constant 9.99999974E-6 : f32
    %add3A_34 = vector.broadcast %add3A_33 : f32 to vector<512x1xf32>
    %add3A_35 = arith.addf %div3A_32, %add3A_34 : vector<512x1xf32>
    %rsqrt3A = math.rsqrt %add3A_35 : vector<512x1xf32>
    %mul3A_36 = vector.broadcast %rsqrt3A : vector<512x1xf32> to vector<512x128xf32>
    %mul3A_37 = arith.mulf %sub3A_25, %mul3A_36 : vector<512x128xf32>
    %get3A_38 = arith.constant 0 : index
    %get3A_39 = arith.constant 0 : index
    %get3A_40 = vector.load %arg5[%get3A_38, %get3A_39] : memref<1x128xf32, #tpu.memory_space<vmem>>, vector<1x128xf32>
    %mul3A_41 = vector.broadcast %get3A_40 : vector<1x128xf32> to vector<512x128xf32>
    %mul3A_42 = arith.mulf %mul3A_37, %mul3A_41 : vector<512x128xf32>
    %get3A_43 = arith.constant 0 : index
    %get3A_44 = arith.constant 0 : index
    %get3A_45 = vector.load %arg6[%get3A_43, %get3A_44] : memref<1x128xf32, #tpu.memory_space<vmem>>, vector<1x128xf32>
    %add3A_46 = vector.broadcast %get3A_45 : vector<1x128xf32> to vector<512x128xf32>
    %add3A_47 = arith.addf %mul3A_42, %add3A_46 : vector<512x128xf32>
    %max3A = arith.constant 0.000000e+00 : f32
    %max3A_48 = vector.broadcast %max3A : f32 to vector<512x128xf32>
    %max3A_49 = arith.maximumf %add3A_47, %max3A_48 : vector<512x128xf32>
    %get3A_50 = arith.constant 0 : index
    %get3A_51 = arith.constant 0 : index
    %get3A_52 = vector.load %arg7[%get3A_50, %get3A_51] : memref<128x128xf32, #tpu.memory_space<vmem>>, vector<128x128xf32>
    %dot_general3A = arith.constant dense<0.000000e+00> : vector<512x128xf32>
    %dot_general3A_53 = tpu.matmul %max3A_49, %get3A_52, %dot_general3A {dimension_numbers = #tpu.dot_dimension_numbers<[1], [0], [0], [1], [0, 0, 1, 1], [], []>, precision = #tpu.contract_precision<fp32>, transpose_lhs_hint = false} : vector<512x128xf32>, vector<128x128xf32>, vector<512x128xf32> -> vector<512x128xf32>
    %mul3A_54 = vector.broadcast %get3A_1 : vector<512x1xf32> to vector<512x128xf32>
    %mul3A_55 = arith.mulf %mul3A_54, %dot_general3A_53 : vector<512x128xf32>
    %swap3A = arith.constant 0 : index
    %swap3A_56 = arith.constant 0 : index
    %swap3A_57 = vector.load %arg8[%swap3A, %swap3A_56] : memref<512x128xf32, #tpu.memory_space<vmem>>, vector<512x128xf32>
    tpu.vector_store %arg8[%swap3A, %swap3A_56], %mul3A_55 {strides = array<i32>} : memref<512x128xf32, #tpu.memory_space<vmem>>, vector<512x128xf32>,
    return
  }
  func.func @transform_0(%arg0: i32) -> (i32, i32, i32) {
    %c0_i32 = arith.constant 0 : i32
    %c0_i32_0 = arith.constant 0 : i32
    %c0_i32_1 = arith.constant 0 : i32
    return %c0_i32, %arg0, %c0_i32_0 : i32, i32, i32
  }
  func.func @transform_1(%arg0: i32) -> (i32, i32) {
    %c0_i32 = arith.constant 0 : i32
    %c0_i32_0 = arith.constant 0 : i32
    return %arg0, %c0_i32 : i32, i32
  }
  func.func @transform_2(%arg0: i32) -> (i32, i32) {
    %c0_i32 = arith.constant 0 : i32
    %c0_i32_0 = arith.constant 0 : i32
    return %arg0, %c0_i32 : i32, i32
  }
  func.func @transform_3(%arg0: i32) -> (i32, i32) {
    %c0_i32 = arith.constant 0 : i32
    %c0_i32_0 = arith.constant 0 : i32
    %c0_i32_1 = arith.constant 0 : i32
    return %c0_i32, %c0_i32_0 : i32, i32
  }
  func.func @transform_4(%arg0: i32) -> (i32, i32) {
    %c0_i32 = arith.constant 0 : i32
    %c0_i32_0 = arith.constant 0 : i32
    %c0_i32_1 = arith.constant 0 : i32
    return %c0_i32, %c0_i32_0 : i32, i32
  }
  func.func @transform_5(%arg0: i32) -> (i32, i32) {
    %c0_i32 = arith.constant 0 : i32
    %c0_i32_0 = arith.constant 0 : i32
    %c0_i32_1 = arith.constant 0 : i32
    return %c0_i32, %c0_i32_0 : i32, i32
  }
  func.func @transform_6(%arg0: i32) -> (i32, i32) {
    %c0_i32 = arith.constant 0 : i32
    %c0_i32_0 = arith.constant 0 : i32
    %c0_i32_1 = arith.constant 0 : i32
    return %c0_i32, %c0_i32_0 : i32, i32
  }
  func.func @transform_7(%arg0: i32) -> (i32, i32) {
    %c0_i32 = arith.constant 0 : i32
    %c0_i32_0 = arith.constant 0 : i32
    return %arg0, %c0_i32 : i32, i32
  }
}

module attributes {stable_mosaic.version = 14 : i64} {
  func.func @body(%arg0: i32, %arg1: memref<2x512x16xf32, #tpu.memory_space<vmem>>, %arg2: memref<512x128xf32, #tpu.memory_space<vmem>>, %arg3: memref<512x1xf32, #tpu.memory_space<vmem>>, %arg4: memref<512x128xf32, #tpu.memory_space<vmem>>) attributes {dimension_semantics = [#tpu.dimension_semantics<arbitrary>], iteration_bounds = array<i64: 20>, scalar_prefetch = 0 : i64, scratch_operands = 0 : i64, tpu.core_type = #tpu.core_type<tc>, window_params = [{transform_indices = @transform_0, window_bounds = array<i64: 2, 512, 16>}, {transform_indices = @transform_1, window_bounds = array<i64: 512, 128>}, {transform_indices = @transform_2, window_bounds = array<i64: 512, 1>}, {transform_indices = @transform_3, window_bounds = array<i64: 512, 128>}]} {
    %get3A = arith.constant 0 : index
    %get3A_0 = arith.constant 0 : index
    %get3A_1 = arith.constant 0 : index
    %get3A_2 = vector.load %arg1[%get3A, %get3A_0, %get3A_1] : memref<2x512x16xf32, #tpu.memory_space<vmem>>, vector<1x512x16xf32>
    %get3A_3 = vector.shape_cast %get3A_2 : vector<1x512x16xf32> to vector<512x16xf32>
    %get3A_4 = arith.constant 1 : index
    %get3A_5 = arith.constant 0 : index
    %get3A_6 = arith.constant 0 : index
    %get3A_7 = vector.load %arg1[%get3A_4, %get3A_5, %get3A_6] : memref<2x512x16xf32, #tpu.memory_space<vmem>>, vector<1x512x16xf32>
    %get3A_8 = vector.shape_cast %get3A_7 : vector<1x512x16xf32> to vector<512x16xf32>
    %add3A = arith.addf %get3A_3, %get3A_8 : vector<512x16xf32>
    %slice3A = vector.extract_strided_slice %add3A {offsets = [0, 0], sizes = [512, 1], strides = [1, 1]} : vector<512x16xf32> to vector<512x1xf32>
    %add3A_9 = arith.constant 1.000000e+00 : f32
    %add3A_10 = vector.broadcast %add3A_9 : f32 to vector<512x1xf32>
    %add3A_11 = arith.addf %slice3A, %add3A_10 : vector<512x1xf32>
    %rsqrt3A = math.rsqrt %add3A_11 : vector<512x1xf32>
    %swap3A = arith.constant 0 : index
    %swap3A_12 = arith.constant 0 : index
    %swap3A_13 = vector.load %arg3[%swap3A, %swap3A_12] : memref<512x1xf32, #tpu.memory_space<vmem>>, vector<512x1xf32>
    tpu.vector_store %arg3[%swap3A, %swap3A_12], %rsqrt3A {strides = array<i32>} : memref<512x1xf32, #tpu.memory_space<vmem>>, vector<512x1xf32>,
    %get3A_14 = arith.constant 0 : index
    %get3A_15 = arith.constant 0 : index
    %get3A_16 = vector.load %arg2[%get3A_14, %get3A_15] : memref<512x128xf32, #tpu.memory_space<vmem>>, vector<512x128xf32>
    %mul3A = vector.broadcast %rsqrt3A : vector<512x1xf32> to vector<512x128xf32>
    %mul3A_17 = arith.mulf %mul3A, %get3A_16 : vector<512x128xf32>
    %swap3A_18 = arith.constant 0 : index
    %swap3A_19 = arith.constant 0 : index
    %swap3A_20 = vector.load %arg4[%swap3A_18, %swap3A_19] : memref<512x128xf32, #tpu.memory_space<vmem>>, vector<512x128xf32>
    tpu.vector_store %arg4[%swap3A_18, %swap3A_19], %mul3A_17 {strides = array<i32>} : memref<512x128xf32, #tpu.memory_space<vmem>>, vector<512x128xf32>,
    return
  }
  func.func @transform_0(%arg0: i32) -> (i32, i32, i32) {
    %c0_i32 = arith.constant 0 : i32
    %c0_i32_0 = arith.constant 0 : i32
    %c0_i32_1 = arith.constant 0 : i32
    return %c0_i32, %arg0, %c0_i32_0 : i32, i32, i32
  }
  func.func @transform_1(%arg0: i32) -> (i32, i32) {
    %c0_i32 = arith.constant 0 : i32
    %c0_i32_0 = arith.constant 0 : i32
    return %arg0, %c0_i32 : i32, i32
  }
  func.func @transform_2(%arg0: i32) -> (i32, i32) {
    %c0_i32 = arith.constant 0 : i32
    %c0_i32_0 = arith.constant 0 : i32
    return %arg0, %c0_i32 : i32, i32
  }
  func.func @transform_3(%arg0: i32) -> (i32, i32) {
    %c0_i32 = arith.constant 0 : i32
    %c0_i32_0 = arith.constant 0 : i32
    return %arg0, %c0_i32 : i32, i32
  }
}

module attributes {stable_mosaic.version = 14 : i64} {
  func.func @body(%arg0: i32, %arg1: memref<2x512x128xf32, #tpu.memory_space<vmem>>, %arg2: memref<512x128xf32, #tpu.memory_space<vmem>>, %arg3: memref<512x1xf32, #tpu.memory_space<vmem>>, %arg4: memref<1x128xf32, #tpu.memory_space<vmem>>, %arg5: memref<128x128xf32, #tpu.memory_space<vmem>>, %arg6: memref<512x128xf32, #tpu.memory_space<vmem>>) attributes {dimension_semantics = [#tpu.dimension_semantics<arbitrary>], iteration_bounds = array<i64: 20>, scalar_prefetch = 0 : i64, scratch_operands = 0 : i64, tpu.core_type = #tpu.core_type<tc>, window_params = [{transform_indices = @transform_0, window_bounds = array<i64: 2, 512, 128>}, {transform_indices = @transform_1, window_bounds = array<i64: 512, 128>}, {transform_indices = @transform_2, window_bounds = array<i64: 512, 1>}, {pipeline_mode = #tpu.pipeline_mode<synchronous>, transform_indices = @transform_3, window_bounds = array<i64: 1, 128>}, {pipeline_mode = #tpu.pipeline_mode<synchronous>, transform_indices = @transform_4, window_bounds = array<i64: 128, 128>}, {transform_indices = @transform_5, window_bounds = array<i64: 512, 128>}]} {
    %get3A = arith.constant 0 : index
    %get3A_0 = arith.constant 0 : index
    %get3A_1 = vector.load %arg3[%get3A, %get3A_0] : memref<512x1xf32, #tpu.memory_space<vmem>>, vector<512x1xf32>
    %get3A_2 = arith.constant 0 : index
    %get3A_3 = arith.constant 0 : index
    %get3A_4 = arith.constant 0 : index
    %get3A_5 = vector.load %arg1[%get3A_2, %get3A_3, %get3A_4] : memref<2x512x128xf32, #tpu.memory_space<vmem>>, vector<1x512x128xf32>
    %get3A_6 = vector.shape_cast %get3A_5 : vector<1x512x128xf32> to vector<512x128xf32>
    %get3A_7 = arith.constant 1 : index
    %get3A_8 = arith.constant 0 : index
    %get3A_9 = arith.constant 0 : index
    %get3A_10 = vector.load %arg1[%get3A_7, %get3A_8, %get3A_9] : memref<2x512x128xf32, #tpu.memory_space<vmem>>, vector<1x512x128xf32>
    %get3A_11 = vector.shape_cast %get3A_10 : vector<1x512x128xf32> to vector<512x128xf32>
    %add3A = arith.addf %get3A_6, %get3A_11 : vector<512x128xf32>
    %get3A_12 = arith.constant 0 : index
    %get3A_13 = arith.constant 0 : index
    %get3A_14 = vector.load %arg2[%get3A_12, %get3A_13] : memref<512x128xf32, #tpu.memory_space<vmem>>, vector<512x128xf32>
    %add3A_15 = arith.addf %add3A, %get3A_14 : vector<512x128xf32>
    %mul3A = vector.broadcast %get3A_1 : vector<512x1xf32> to vector<512x128xf32>
    %mul3A_16 = arith.mulf %mul3A, %add3A_15 : vector<512x128xf32>
    %get3A_17 = arith.constant 0 : index
    %get3A_18 = arith.constant 0 : index
    %get3A_19 = vector.load %arg4[%get3A_17, %get3A_18] : memref<1x128xf32, #tpu.memory_space<vmem>>, vector<1x128xf32>
    %add3A_20 = vector.broadcast %get3A_19 : vector<1x128xf32> to vector<512x128xf32>
    %add3A_21 = arith.addf %mul3A_16, %add3A_20 : vector<512x128xf32>
    %max3A = arith.constant 0.000000e+00 : f32
    %max3A_22 = vector.broadcast %max3A : f32 to vector<512x128xf32>
    %max3A_23 = arith.maximumf %add3A_21, %max3A_22 : vector<512x128xf32>
    %get3A_24 = arith.constant 0 : index
    %get3A_25 = arith.constant 0 : index
    %get3A_26 = vector.load %arg5[%get3A_24, %get3A_25] : memref<128x128xf32, #tpu.memory_space<vmem>>, vector<128x128xf32>
    %dot_general3A = arith.constant dense<0.000000e+00> : vector<512x128xf32>
    %dot_general3A_27 = tpu.matmul %max3A_23, %get3A_26, %dot_general3A {dimension_numbers = #tpu.dot_dimension_numbers<[1], [0], [0], [1], [0, 0, 1, 1], [], []>, precision = #tpu.contract_precision<fp32>, transpose_lhs_hint = false} : vector<512x128xf32>, vector<128x128xf32>, vector<512x128xf32> -> vector<512x128xf32>
    %mul3A_28 = vector.broadcast %get3A_1 : vector<512x1xf32> to vector<512x128xf32>
    %mul3A_29 = arith.mulf %mul3A_28, %dot_general3A_27 : vector<512x128xf32>
    %swap3A = arith.constant 0 : index
    %swap3A_30 = arith.constant 0 : index
    %swap3A_31 = vector.load %arg6[%swap3A, %swap3A_30] : memref<512x128xf32, #tpu.memory_space<vmem>>, vector<512x128xf32>
    tpu.vector_store %arg6[%swap3A, %swap3A_30], %mul3A_29 {strides = array<i32>} : memref<512x128xf32, #tpu.memory_space<vmem>>, vector<512x128xf32>,
    return
  }
  func.func @transform_0(%arg0: i32) -> (i32, i32, i32) {
    %c0_i32 = arith.constant 0 : i32
    %c0_i32_0 = arith.constant 0 : i32
    %c0_i32_1 = arith.constant 0 : i32
    return %c0_i32, %arg0, %c0_i32_0 : i32, i32, i32
  }
  func.func @transform_1(%arg0: i32) -> (i32, i32) {
    %c0_i32 = arith.constant 0 : i32
    %c0_i32_0 = arith.constant 0 : i32
    return %arg0, %c0_i32 : i32, i32
  }
  func.func @transform_2(%arg0: i32) -> (i32, i32) {
    %c0_i32 = arith.constant 0 : i32
    %c0_i32_0 = arith.constant 0 : i32
    return %arg0, %c0_i32 : i32, i32
  }
  func.func @transform_3(%arg0: i32) -> (i32, i32) {
    %c0_i32 = arith.constant 0 : i32
    %c0_i32_0 = arith.constant 0 : i32
    %c0_i32_1 = arith.constant 0 : i32
    return %c0_i32, %c0_i32_0 : i32, i32
  }
  func.func @transform_4(%arg0: i32) -> (i32, i32) {
    %c0_i32 = arith.constant 0 : i32
    %c0_i32_0 = arith.constant 0 : i32
    %c0_i32_1 = arith.constant 0 : i32
    return %c0_i32, %c0_i32_0 : i32, i32
  }
  func.func @transform_5(%arg0: i32) -> (i32, i32) {
    %c0_i32 = arith.constant 0 : i32
    %c0_i32_0 = arith.constant 0 : i32
    return %arg0, %c0_i32 : i32, i32
  }
}

module attributes {stable_mosaic.version = 14 : i64} {
  func.func @body(%arg0: i32, %arg1: memref<2x512x128xf32, #tpu.memory_space<vmem>>, %arg2: memref<512x128xf32, #tpu.memory_space<vmem>>, %arg3: memref<512x1xf32, #tpu.memory_space<vmem>>, %arg4: memref<1x64xf32, #tpu.memory_space<vmem>>, %arg5: memref<512x64xf32, #tpu.memory_space<vmem>>) attributes {dimension_semantics = [#tpu.dimension_semantics<arbitrary>], iteration_bounds = array<i64: 20>, scalar_prefetch = 0 : i64, scratch_operands = 0 : i64, tpu.core_type = #tpu.core_type<tc>, window_params = [{transform_indices = @transform_0, window_bounds = array<i64: 2, 512, 128>}, {transform_indices = @transform_1, window_bounds = array<i64: 512, 128>}, {transform_indices = @transform_2, window_bounds = array<i64: 512, 1>}, {pipeline_mode = #tpu.pipeline_mode<synchronous>, transform_indices = @transform_3, window_bounds = array<i64: 1, 64>}, {transform_indices = @transform_4, window_bounds = array<i64: 512, 64>}]} {
    %get3A = arith.constant 0 : index
    %get3A_0 = arith.constant 0 : index
    %get3A_1 = vector.load %arg3[%get3A, %get3A_0] : memref<512x1xf32, #tpu.memory_space<vmem>>, vector<512x1xf32>
    %get3A_2 = arith.constant 0 : index
    %get3A_3 = arith.constant 0 : index
    %get3A_4 = arith.constant 0 : index
    %get3A_5 = vector.load %arg1[%get3A_2, %get3A_3, %get3A_4] : memref<2x512x128xf32, #tpu.memory_space<vmem>>, vector<1x512x128xf32>
    %get3A_6 = vector.shape_cast %get3A_5 : vector<1x512x128xf32> to vector<512x128xf32>
    %get3A_7 = arith.constant 1 : index
    %get3A_8 = arith.constant 0 : index
    %get3A_9 = arith.constant 0 : index
    %get3A_10 = vector.load %arg1[%get3A_7, %get3A_8, %get3A_9] : memref<2x512x128xf32, #tpu.memory_space<vmem>>, vector<1x512x128xf32>
    %get3A_11 = vector.shape_cast %get3A_10 : vector<1x512x128xf32> to vector<512x128xf32>
    %add3A = arith.addf %get3A_6, %get3A_11 : vector<512x128xf32>
    %get3A_12 = arith.constant 0 : index
    %get3A_13 = arith.constant 0 : index
    %get3A_14 = vector.load %arg2[%get3A_12, %get3A_13] : memref<512x128xf32, #tpu.memory_space<vmem>>, vector<512x128xf32>
    %add3A_15 = arith.addf %add3A, %get3A_14 : vector<512x128xf32>
    %mul3A = vector.broadcast %get3A_1 : vector<512x1xf32> to vector<512x128xf32>
    %mul3A_16 = arith.mulf %mul3A, %add3A_15 : vector<512x128xf32>
    %slice3A = vector.extract_strided_slice %mul3A_16 {offsets = [0, 0], sizes = [512, 64], strides = [1, 1]} : vector<512x128xf32> to vector<512x64xf32>
    %get3A_17 = arith.constant 0 : index
    %get3A_18 = arith.constant 0 : index
    %get3A_19 = vector.load %arg4[%get3A_17, %get3A_18] : memref<1x64xf32, #tpu.memory_space<vmem>>, vector<1x64xf32>
    %add3A_20 = vector.broadcast %get3A_19 : vector<1x64xf32> to vector<512x64xf32>
    %add3A_21 = arith.addf %slice3A, %add3A_20 : vector<512x64xf32>
    %swap3A = arith.constant 0 : index
    %swap3A_22 = arith.constant 0 : index
    %swap3A_23 = vector.load %arg5[%swap3A, %swap3A_22] : memref<512x64xf32, #tpu.memory_space<vmem>>, vector<512x64xf32>
    tpu.vector_store %arg5[%swap3A, %swap3A_22], %add3A_21 {strides = array<i32>} : memref<512x64xf32, #tpu.memory_space<vmem>>, vector<512x64xf32>,
    return
  }
  func.func @transform_0(%arg0: i32) -> (i32, i32, i32) {
    %c0_i32 = arith.constant 0 : i32
    %c0_i32_0 = arith.constant 0 : i32
    %c0_i32_1 = arith.constant 0 : i32
    return %c0_i32, %arg0, %c0_i32_0 : i32, i32, i32
  }
  func.func @transform_1(%arg0: i32) -> (i32, i32) {
    %c0_i32 = arith.constant 0 : i32
    %c0_i32_0 = arith.constant 0 : i32
    return %arg0, %c0_i32 : i32, i32
  }
  func.func @transform_2(%arg0: i32) -> (i32, i32) {
    %c0_i32 = arith.constant 0 : i32
    %c0_i32_0 = arith.constant 0 : i32
    return %arg0, %c0_i32 : i32, i32
  }
  func.func @transform_3(%arg0: i32) -> (i32, i32) {
    %c0_i32 = arith.constant 0 : i32
    %c0_i32_0 = arith.constant 0 : i32
    %c0_i32_1 = arith.constant 0 : i32
    return %c0_i32, %c0_i32_0 : i32, i32
  }
  func.func @transform_4(%arg0: i32) -> (i32, i32) {
    %c0_i32 = arith.constant 0 : i32
    %c0_i32_0 = arith.constant 0 : i32
    return %arg0, %c0_i32 : i32, i32
  }
}

</mosaic_0001>

<sc_bundles>
// kernel: kernel.11.cloned.1.call-start
scs
__scs_entry_jumppad:
0x0: {  	(pc) =	sbr.rel $0x88, $3  }
0x1: {  	(tag) =	ssettag $0x0;
	lr =	simm.s32 $0x1  }
0x2: {  	[smem:$0x3F95] =	sst lr;
	_ =	strace $0xD0000000  }
0x3: {  	_ = 	snop  }
0x4: {  	_ = 	snop  }
0x5: {  	_ = 	snop  }
0x6: {  	_ = 	snop  }
0x7: {  	_ = 	snop  }
__scs_overlays_trampoline_lowered:
0x8: {  	[smem:$0x3FA4] =	sst s0  }
0x9: {  	[smem:$0x3FA5] =	sst s1  }
0xa: {  	[smem:$0x3FA6] =	sst s2  }
0xb: {  	[smem:$0x3FA7] =	sst s3  }
0xc: {  	[smem:$0x3FA8] =	sst s4  }
0xd: {  	[smem:$0x3FA9] =	sst s5  }
0xe: {  	[smem:$0x3FAA] =	sst s6  }
0xf: {  	[smem:$0x3FAB] =	sst s7  }
0x10: {  	[smem:$0x3FAC] =	sst s8  }
0x11: {  	[smem:$0x3FAD] =	sst s9;
	s0 =	simm.s32 @!p0 $0x0  }
0x12: {  	s1 =	sld [smem:$0x3F93];
	s0 =	simm.s32 @p0 $0x1  }
0x13: {  	[smem:$0x3FAE] =	sst s0;
	s0 =	simm.s32 @!p1 $0x0  }
0x14: {  	s2 =	sld [smem:$0x3F92];
	s0 =	simm.s32 @p1 $0x1  }
0x15: {  	[smem:$0x3FAF] =	sst s0;
	s0 =	simm.s32 @!p2 $0x0  }
0x16: {  	s3 =	sld [smem:$0x3FDB];
	s0 =	simm.s32 @p2 $0x1  }
0x17: {  	s4 =	simm.s32 $0x1BF5;
	[smem:$0x3FB1] =	sst s0  }
0x18: {  	s0 =	sld [smem:$0x3F94];
	_ =	swait.ge [sflag:s4], $0x0  }
0x19: {  	s7 =	sld [smem:$0x3F95]  }
0x1a: {  	s8 =	sadd.s32 $0xFFFFE003, lr  }
0x1b: {  	s9 =	sadd.s32 $0xFFFFFEF7, lr;
	s5 =	simm.s32 $0xFFFFFFFF;
	p2 =	slt.u32 s8, $0xFFFFF086  }
0x1c: {  	p1 =	slt.u32 s9, $0xF7A;
	s5 =	simm.s32 @!p2 $0x0  }
0x1d: {  	s5 =	simm.s32 @p1 $0x1;
	p0 =	seq.s32 s7, s2  }
0x1e: {  	s7 =	smul.u32 @!p0 $0xF7A, s2;
	p2 =	seq.s32 @!p0 s5, $0x0  }
0x1f: {  	s9 =	smul.u32 $0xF7A, s1;
	s8 =	simm.s32 @!p0 $0x1BF5;
	p2 =	por !p2, p0  }
0x20: {  	[sflag:s8] =	ssyncset.s32 @!p0 $0xFFFFF086;
	s6 =	sadd.s32 @!p0 s3, s7;
	s7 =	simm.s32 @!p0 $0x108  }
0x21: {  	s3 =	sadd.s32 s3, s9;
	s6 =	sadd.s32 @!p0 $0x88, s6;
	s7 =	simm.s32 @p2 $0x1082  }
0x22: {  	[simem:s7], [sflag:s8] =	dma.local @!p0 [hbm:s6], $0xF7A  }
0x23: {  	s9 =	sor.u32 $0xD0000000, s2;
	s6 =	simm.s32 $0x108;
	_ =	swait.ge @!p0 [sflag:s8], $0x0  }
0x24: {  	s3 =	sadd.s32 $0x88, s3;
	s6 =	simm.s32 @!p1 $0x1082;
	[sflag:s4] =	ssyncset.s32 $0xFFFFF086  }
0x25: {  	[simem:s6], [sflag:s4] =	dma.local [hbm:s3], $0xF7A  }
0x26: {  	[smem:$0x3F95] =	sst s1;
	(tag) =	ssettag s2;
	_ =	strace s9  }
0x27: {  	s1 =	sld [smem:$0x3FA5]  }
0x28: {  	s2 =	sld [smem:$0x3FA6]  }
0x29: {  	s4 =	sld [smem:$0x3FA8]  }
0x2a: {  	p0 =	seq.s32 s5, $0x0;
	s5 =	sld [smem:$0x3FA9]  }
0x2b: {  	s6 =	sld [smem:$0x3FAA]  }
0x2c: {  	s7 =	sld [smem:$0x3FAB]  }
0x2d: {  	s3 =	simm.s32 $0x108;
	s8 =	sld [smem:$0x3FAC]  }
0x2e: {  	s3 =	simm.s32 @!p0 $0x1082;
	s9 =	sld [smem:$0x3FAD]  }
0x2f: {  	lr =	sadd.s32 s0, s3;
	s0 =	sld [smem:$0x3FA4]  }
0x30: {  	s3 =	sld [smem:$0x3FA7]  }
0x31: {  	[smem:$0x3FB0] =	sst s10  }
0x32: {  	s10 =	sld [smem:$0x3FAE];
	_ =	sdelay $0x3  }
0x33: {  	p0 =	seq.s32 s10, $0x1;
	s10 =	sld [smem:$0x3FB0];
	_ =	sdelay $0x3  }
0x34: {  	[smem:$0x3FB0] =	sst s10  }
0x35: {  	s10 =	sld [smem:$0x3FAF];
	_ =	sdelay $0x3  }
0x36: {  	p1 =	seq.s32 s10, $0x1;
	s10 =	sld [smem:$0x3FB0];
	_ =	sdelay $0x3  }
0x37: {  	[smem:$0x3FB0] =	sst s10  }
0x38: {  	s10 =	sld [smem:$0x3FB1]  }
0x39: {  	_ = 	snop;
	(pc) =	sbr.ind lr, $3  }
0x3a: {  	_ = 	snop  }
0x3b: {  	_ = 	snop  }
0x3c: {  	p2 =	seq.s32 s10, $0x1;
	s10 =	sld [smem:$0x3FB0]  }
0x3d: {  	_ =	shalt  }
0x3e: {  	_ =	shalt  }
0x3f: {  	_ =	shalt  }
0x40: {  	_ =	shalt  }
0x41: {  	_ =	shalt  }
0x42: {  	_ =	shalt  }
0x43: {  	_ =	shalt  }
0x44: {  	_ =	shalt  }
0x45: {  	_ =	shalt  }
0x46: {  	_ =	shalt  }
0x47: {  	_ =	shalt  }
0x48: {  	_ =	shalt  }
0x49: {  	_ =	shalt  }
0x4a: {  	_ =	shalt  }
0x4b: {  	_ =	shalt  }
0x4c: {  	_ =	shalt  }
0x4d: {  	_ =	shalt  }
0x4e: {  	_ =	shalt  }
0x4f: {  	_ =	shalt  }
0x50: {  	_ =	shalt  }
0x51: {  	_ =	shalt  }
0x52: {  	_ =	shalt  }
0x53: {  	_ =	shalt  }
0x54: {  	_ =	shalt  }
0x55: {  	_ =	shalt  }
0x56: {  	_ =	shalt  }
0x57: {  	_ =	shalt  }
0x58: {  	_ =	shalt  }
0x59: {  	_ =	shalt  }
0x5a: {  	_ =	shalt  }
0x5b: {  	_ =	shalt  }
0x5c: {  	_ =	shalt  }
0x5d: {  	_ =	shalt  }
0x5e: {  	_ =	shalt  }
0x5f: {  	_ =	shalt  }
0x60: {  	_ =	shalt  }
0x61: {  	_ =	shalt  }
0x62: {  	_ =	shalt  }
0x63: {  	_ =	shalt  }
0x64: {  	_ =	shalt  }
0x65: {  	_ =	shalt  }
0x66: {  	_ =	shalt  }
0x67: {  	_ =	shalt  }
0x68: {  	_ =	shalt  }
0x69: {  	_ =	shalt  }
0x6a: {  	_ =	shalt  }
0x6b: {  	_ =	shalt  }
0x6c: {  	_ =	shalt  }
0x6d: {  	_ =	shalt  }
0x6e: {  	_ =	shalt  }
0x6f: {  	_ =	shalt  }
0x70: {  	_ =	shalt  }
0x71: {  	_ =	shalt  }
0x72: {  	_ =	shalt  }
0x73: {  	_ =	shalt  }
0x74: {  	_ =	shalt  }
0x75: {  	_ =	shalt  }
0x76: {  	_ =	shalt  }
0x77: {  	_ =	shalt  }
0x78: {  	_ =	shalt  }
0x79: {  	_ =	shalt  }
0x7a: {  	_ =	shalt  }
0x7b: {  	_ =	shalt  }
0x7c: {  	_ =	shalt  }
0x7d: {  	_ =	shalt  }
0x7e: {  	_ =	shalt  }
0x7f: {  	_ =	shalt  }
0x80: {  	_ =	shalt  }
0x81: {  	_ =	shalt  }
0x82: {  	_ =	shalt  }
0x83: {  	_ =	shalt  }
0x84: {  	_ =	shalt  }
0x85: {  	_ =	shalt  }
0x86: {  	_ =	shalt  }
0x87: {  	_ =	shalt  }
.Lfunc_end0:
.L_simem_size_0:
called_computation_lowered:
.L_overlay_start_0:
0x88: {  	s2 =	sld [smem:$0x3FD9]  }
0x89: {  	s3 =	sld [smem:$0x3FFE];
	_ =	sdelay $0x1  }
0x8a: {  	s1 =	srdreg.scid  }
0x8b: {  	s0 =	sand.u32 $0x1, s1  }
0x8c: {  	s16 =	sshll.u32 s0, $0xA;
	s2 =	sadd.s32 s3, s2  }
0x8d: {  	s2 =	sadd.s32 s2, s16  }
0x8e: {  	[smem:$0x3FBC] =	sst s2  }
0x8f: {  	_ = 	snop  }
0x90: {  	(tm) =	ssettm $0x1  }
0x91: {  	s17 =	sld [smem:$0x3FFB];
	_ =	sdelay $0x3  }
0x92: {  	_ =	strace s17  }
0x93: {  	s2 =	sld [smem:$0x3FFC];
	_ =	sdelay $0x3  }
0x94: {  	_ =	strace s2  }
0x95: {  	s2 =	sld [smem:$0x3FFD];
	_ =	sdelay $0x3  }
0x96: {  	_ =	strace s2  }
0x97: {  	_ =	strace $0x8FFFFFFF  }
0x98: {  	s18 =	sld [smem:$0x3FDB];
	_ =	sdelay $0x1  }
0x99: {  	s19 =	simm.s32 $_scs_section_size  }
0x9a: {  	s4 =	simm.s32 $_size__tile_overlayer_lowered;
	s5 =	simm.s32 $_tile_overlayer_lowered  }
0x9b: {  	s22 =	simm.s32 $0x1BFF;
	s21 =	sshll.u32 s5, $0x1;
	s2 =	sadd.s32 s19, s18  }
0x9c: {  	s6 =	simm.s32 $0x0;
	s20 =	sshll.u32 s4, $0x1;
	s4 =	sadd.s32 s21, s2  }
0x9d: {  	[timem:s6], [sflag:s22] =	dma.local [hbm:s4], s20  }
0x9e: {  	_ =	swait.ge [sflag:s22], s20  }
0x9f: {  	s3 =	ssub.s32 $0x0, s20;
	[sflag:s22] =	ssyncset.done $0x0  }
0xa0: {  	[sflag:s22] =	ssyncadd.s32 s3;
	_ =	sdelay $0x1  }
0xa1: {  	s23 =	simm.s32 $0x1B8B  }
0xa2: {  	_ =	swait.ge [sflag:s23], $0x1  }
0xa3: {  	[sflag:s23] =	ssyncset.done $0x0  }
0xa4: {  	s25 =	simm.s32 $0x1B8E;
	s24 =	sld [smem:$0x3FFE];
	[sflag:s23] =	ssyncadd.s32 $0xFFFFFFFF  }
0xa5: {  	s26 =	simm.s32 $execute0_lowered;
	[smem:$0x3FD2] =	sst s25  }
0xa6: {  	s4 =	sshll.u32 s26, $0x1;
	_ =	strace $0x80000046;
	[dreg:$0x1] =	wrdreg $0xFFFFFFFF  }
0xa7: {  	s28 =	simm.s32 $_size_execute0_lowered;
	s2 =	sadd.s32 s2, s4;
	[dreg:$0x0] =	wrdreg $0x0  }
0xa8: {  	s4 =	sshll.u32 s28, $0x1;
	[dreg:$0x2] =	wrdreg s2  }
0xa9: {  	[dreg:$0x3] =	wrdreg s4  }
0xaa: {  	[dreg:$0x4] =	wrdreg $0xC0  }
0xab: {  	_ =	task [dreg:s6], $0x5FFFF  }
0xac: {  	[dreg:$0x1] =	wrdreg $0xFFFFFFFF  }
0xad: {  	[dreg:$0x0] =	wrdreg $0x60  }
0xae: {  	[dreg:$0x2] =	wrdreg s24  }
0xaf: {  	[dreg:$0x3] =	wrdreg $0x68000  }
0xb0: {  	[dreg:$0x4] =	wrdreg $0x9  }
0xb1: {  	_ =	task.clear_ibuf [dreg:s6], $0x5FFFF;
	_ =	strace $0x90000046  }
0xb2: {  	s29 =	simm.s32 $0x9;
	_ =	strace $0x80000048  }
0xb3: {  	_ =	swait.ge [sflag:s29], $0x1  }
0xb4: {  	[sflag:s29] =	ssyncadd.s32 $0xFFFFFFFF  }
0xb5: {  	_ =	strace $0x90000048  }
0xb6: {  	_ =	sfence  }
0xb7: {  	s30 =	sld [smem:$0x0];
	_ =	sdelay $0x2  }
0xb8: {  	s31 =	sshll.u32 s1, $0xD;
	s1 =	sshrl.u32 s1, $0x2  }
0xb9: {  	s3 =	sand.u32 $0x4000, s31;
	s1 =	sadd.s32 s1, s30  }
0xba: {  	s0 =	sor.u32 s3, s0;
	s1 =	sshll.u32 s1, $0x11  }
0xbb: {  	s0 =	sor.u32 s1, s0  }
0xbc: {  	s0 =	sadd.s32 $0x8F2B, s0  }
0xbd: {  	[sflag:s0] =	ssyncadd.remote.s32 $0x1  }
0xbe: {  	_ =	sfence.sel $0xFFFF  }
0xbf: {  	[dreg:$0x0] =	wrdreg $0xFFFFFFFF;
	(pc) =	sbr.abs _section_cstart, $3  }
0xc0: {  	[dreg:$0x1] =	wrdreg $0xFFFFFFFF  }
0xc1: {  	_ =	task.clear_ibuf [dreg:s6], $0x2FFFF;
	_ =	strace $0x9FFFFFFF  }
0xc2: {  	(tm) =	ssettm $0x7FFFFFFF  }
0xc3: {  	_ =	shalt  }
tec
execute0_lowered:
.L_overlay_start_1:
0x0: {  	(tag) =	ssettag $0x1  }
0x1: {  	s6 =	rddreg [dreg:$0x0]  }
0x2: {  	s2 =	rddreg [dreg:$0x1]  }
0x3: {  	s0 =	srdreg.scid;
	s1 =	rddreg [dreg:$0x2]  }
0x4: {  	s3 =	simm.s32 $0x0;
	s12 =	simm.s32 $0x2800;
	s4 =	sand.u32 $0x1, s0  }
0x5: {  	s13 =	simm.s32 $0x2;
	s0 =	stileid.u32;
	s5 =	smul.u32 $0x28000, s4  }
0x6: {  	s14 =	simm.s32 $0x1;
	s15 =	simm.s32 $0x80;
	s7 =	smul.u32 $0x2800, s0  }
0x7: {  	s18 =	simm.s32 $0x0;
	[smem:$0x7FF] =	sst s3;
	s8 =	smul.u32 $0x140000, s4  }
0x8: {  	s9 =	smul.u32 $0x14000, s0;
	_ =	strace $0x80000047;
	s4 =	ssub.s32 $0x2, s4  }
0x9: {  	s29 =	smul.u32 $0x50000, s0;
	s16 =	sshll.u32 s0, $0x6;
	s30 =	sshrl.u32 s4, $0x1  }
0xa: {  	s16 =	sor.u32 $0x1C02, s16;
	s5 =	sadd.s32 s7, s5;
	s28 =	sadd.s32 s9, s8  }
0xb: {  	s31 =	sshrl.u32 s29, $0x2;
	s5 =	sshrl.u32 s5, $0x3;
	s7 =	sshrl.u32 s28, $0x3  }
0xc: {  	s5 =	sadd.s32 s5, s6;
	s6 =	sadd.s32 s7, s6;
	s7 =	ssub.s32 s4, s30  }
0xd: {  	s4 =	sadd.s32 $0x3A00, s5;
	s5 =	sadd.s32 s31, s2;
	s6 =	sadd.s32 $0xDA00, s6  }
0xe: {  	s7 =	smax.u32 s7, $0x1;
	s8 =	sadd.s32 $0x4000, s5;
	s9 =	sadd.s32 $0x8000, s5  }
0xf: {  	v0 =	vimm.f32 $0.0e+00;
	v1 =	vimm.f32 $1.000000000e+00;
	s10 =	sadd.s32 $0xC000, s5;
	s11 =	sadd.s32 $0x10000, s5;
	s17 =	sshrl.u32 s5, $0x3  }
.LBB2_1:
0x10: {  	[tilespmem:s3], [sflag:$0x1] =	stream.linear.gather [hbm4b:s4+s3], $0x2800, $0x38;
	[tilespmem:$0x9000] =	vst v63  }
0x11: {  	s19 =	simm.s32 $0x200;
	s20 =	simm.s32 $0x0  }
.LBB2_2:
0x12: {  	p0 =	sne.s32 s19, $0xFE00;
	[tilespmem:s20+$0x2800] =	vst v0;
	s20 =	smov.u32 s19;
	s19 =	sadd.s32 $0x200, s19  }
.Ltmp0:
0x13: {  	(pc) =	sbr.rel @p0 .LBB2_2-.Ltmp0, $2  }
0x14: {  	_ =	sdelay $0x2  }
0x15: {  	s20 =	sshra.s32 s20, $0x2  }
0x16: {  	[tilespmem:s20+$0x2800] =	vst v0  }
0x17: {  	[spmem:s5] =	stream.linear.scatter [tilespmem:s12], [sflag:$0x2], $0x4000, $0x38;
	[tilespmem:$0x9000] =	vst v63  }
0x18: {  	_ =	swait.ge [sflag:s13], $0x4000  }
0x19: {  	[sflag:s13] =	ssyncset.done $0x0  }
0x1a: {  	[sflag:s13] =	ssyncadd.s32 $0xFFFFC000  }
0x1b: {  	[spmem:s8] =	stream.linear.scatter [tilespmem:s12], [sflag:$0x2], $0x4000, $0x38;
	[tilespmem:$0x9000] =	vst v63  }
0x1c: {  	_ =	swait.ge [sflag:s13], $0x4000  }
0x1d: {  	[sflag:s13] =	ssyncset.done $0x0  }
0x1e: {  	[sflag:s13] =	ssyncadd.s32 $0xFFFFC000  }
0x1f: {  	[spmem:s9] =	stream.linear.scatter [tilespmem:s12], [sflag:$0x2], $0x4000, $0x38;
	[tilespmem:$0x9000] =	vst v63  }
0x20: {  	_ =	swait.ge [sflag:s13], $0x4000  }
0x21: {  	[sflag:s13] =	ssyncset.done $0x0  }
0x22: {  	[sflag:s13] =	ssyncadd.s32 $0xFFFFC000  }
0x23: {  	[spmem:s10] =	stream.linear.scatter [tilespmem:s12], [sflag:$0x2], $0x4000, $0x38;
	[tilespmem:$0x9000] =	vst v63  }
0x24: {  	_ =	swait.ge [sflag:s13], $0x4000  }
0x25: {  	[sflag:s13] =	ssyncset.done $0x0  }
0x26: {  	[sflag:s13] =	ssyncadd.s32 $0xFFFFC000  }
0x27: {  	[spmem:s11] =	stream.linear.scatter [tilespmem:s12], [sflag:$0x2], $0x4000, $0x38;
	[tilespmem:$0x9000] =	vst v63  }
0x28: {  	_ =	swait.ge [sflag:s13], $0x4000  }
0x29: {  	[sflag:s13] =	ssyncset.done $0x0  }
0x2a: {  	s19 =	simm.s32 $0x200;
	s20 =	simm.s32 $0x0;
	[sflag:s13] =	ssyncadd.s32 $0xFFFFC000  }
.LBB2_4:
0x2b: {  	p0 =	sne.s32 s19, $0xFE00;
	[tilespmem:s20+$0x2800] =	vst v1;
	s20 =	smov.u32 s19;
	s19 =	sadd.s32 $0x200, s19  }
.Ltmp1:
0x2c: {  	(pc) =	sbr.rel @p0 .LBB2_4-.Ltmp1, $2  }
0x2d: {  	_ =	sdelay $0x2  }
0x2e: {  	s20 =	sshra.s32 s20, $0x2  }
0x2f: {  	[tilespmem:s20+$0x2800] =	vst v1  }
0x30: {  	_ =	swait.ge [sflag:s14], $0x2800  }
0x31: {  	[sflag:s14] =	ssyncset.done $0x0  }
0x32: {  	[sflag:s14] =	ssyncadd.s32 $0xFFFFD800  }
0x33: {  	s19 =	simm.s32 $0x0;
	[bflag:$0x0] =	sbarrier.arrive $0xFFFF  }
0x34: {  	[spmem:s2] =	stream.indirect.scatter.add.f32 [tilespmem:s12], [sflag:$0x2], $0x10, s19, s15, $0xb8;
	[tilespmem:$0x9000] =	vst v63  }
0x35: {  	_ =	swait.ge [sflag:s13], $0x800  }
0x36: {  	s19 =	simm.s32 $0x200;
	[sflag:s13] =	ssyncset.done $0x0  }
.LBB2_6:
0x37: {  	s20 =	sshra.s32 s19, $0x2;
	[sflag:s13] =	ssyncadd.s32 $0xFFFFF800;
	p0 =	sne.s32 s19, $0x9E00  }
0x38: {  	[spmem:s2] =	stream.indirect.scatter.add.f32 [tilespmem:s12], [sflag:$0x2], $0x10, s20, s15, $0xb8;
	[tilespmem:$0x9000] =	vst v63  }
.Ltmp2:
0x39: {  	_ = 	snop;
	(pc) =	sbr.rel @p0 .LBB2_6-.Ltmp2, $4  }
0x3a: {  	_ = 	snop  }
0x3b: {  	s19 =	sadd.s32 $0x200, s19  }
0x3c: {  	_ =	swait.ge [sflag:s13], $0x800  }
0x3d: {  	[sflag:s13] =	ssyncset.done $0x0  }
0x3e: {  	s18 =	sadd.s32 $0x1, s18  }
0x3f: {  	[sflag:s13] =	ssyncadd.s32 $0xFFFFF800;
	p0 =	sne.s32 s18, s7  }
.Ltmp3:
0x40: {  	[bflag:$0x0] =	sbarrier.arrive $0xFFFF;
	(pc) =	sbr.rel @p0 .LBB2_1-.Ltmp3, $4  }
0x41: {  	[hbm:s6], [sflag:s16] =	dma.local [spmem:s17], $0x2800  }
0x42: {  	_ =	swait.ge [sflag:s13], $0x2800  }
0x43: {  	[sflag:s13] =	ssyncset.done $0x0  }
0x44: {  	[sflag:s13] =	ssyncadd.s32 $0xFFFFD800  }
0x45: {  	_ =	sfence.sel $0x180000  }
0x46: {  	[bflag:$0x0] =	sbarrier.arrive $0xFFFF  }
0x47: {  	p0 =	sne.s32 s0, $0x0;
	_ =	strace $0x90000047  }
0x48: {  	s0 =	sadd.s32 @!p0 $0x100000, s1;
	[bflag:$0x2] =	sbarrier.arrive $0xFFFF  }
0x49: {  	[sflag:s0] =	ssyncadd.tile.s32 @!p0 $0x1;
	_ =	shalt  }
.Lfunc_end2:
_tile_overlayer_lowered:
.L_overlay_start_2:
0x4a: {  	(tag) =	ssettag $0x2  }
0x4b: {  	s0 =	rddreg [dreg:$0x0];
	s2 =	stileid.u32  }
0x4c: {  	s1 =	rddreg [dreg:$0x1];
	p0 =	sne.s32 s2, $0x0  }
0x4d: {  	s3 =	rddreg [dreg:$0x2];
	[bflag:$0x3] =	sbarrier.arrive $0xFFFF;
	s2 =	simm.s32 @!p0 $0x1C02  }
0x4e: {  	[timem:s3], [sflag:s2] =	dma.local @!p0 [hbm:s0], s1  }
0x4f: {  	s0 =	simm.s32 @!p0 $0x2  }
0x50: {  	_ =	swait.ge @!p0 [sflag:s0], s1  }
0x51: {  	s1 =	ssub.s32 @!p0 $0x0, s1;
	[sflag:s0] =	ssyncset.done @!p0 $0x0  }
0x52: {  	[sflag:s0] =	ssyncadd.s32 @!p0 s1  }
0x53: {  	[bflag:$0x3] =	sbarrier.arrive $0xFFFF  }
0x54: {  	_ =	shalt  }

// kernel: kernel.14.cloned.1.call-start
scs
__scs_entry_jumppad:
0x0: {  	(pc) =	sbr.rel $0x88, $3  }
0x1: {  	(tag) =	ssettag $0x0;
	lr =	simm.s32 $0x1  }
0x2: {  	[smem:$0x3F95] =	sst lr;
	_ =	strace $0xD0000000  }
0x3: {  	_ = 	snop  }
0x4: {  	_ = 	snop  }
0x5: {  	_ = 	snop  }
0x6: {  	_ = 	snop  }
0x7: {  	_ = 	snop  }
__scs_overlays_trampoline_lowered:
0x8: {  	[smem:$0x3FA4] =	sst s0  }
0x9: {  	[smem:$0x3FA5] =	sst s1  }
0xa: {  	[smem:$0x3FA6] =	sst s2  }
0xb: {  	[smem:$0x3FA7] =	sst s3  }
0xc: {  	[smem:$0x3FA8] =	sst s4  }
0xd: {  	[smem:$0x3FA9] =	sst s5  }
0xe: {  	[smem:$0x3FAA] =	sst s6  }
0xf: {  	[smem:$0x3FAB] =	sst s7  }
0x10: {  	[smem:$0x3FAC] =	sst s8  }
0x11: {  	[smem:$0x3FAD] =	sst s9;
	s0 =	simm.s32 @!p0 $0x0  }
0x12: {  	s1 =	sld [smem:$0x3F93];
	s0 =	simm.s32 @p0 $0x1  }
0x13: {  	[smem:$0x3FAE] =	sst s0;
	s0 =	simm.s32 @!p1 $0x0  }
0x14: {  	s2 =	sld [smem:$0x3F92];
	s0 =	simm.s32 @p1 $0x1  }
0x15: {  	[smem:$0x3FAF] =	sst s0;
	s0 =	simm.s32 @!p2 $0x0  }
0x16: {  	s3 =	sld [smem:$0x3FDB];
	s0 =	simm.s32 @p2 $0x1  }
0x17: {  	s4 =	simm.s32 $0x1BF5;
	[smem:$0x3FB1] =	sst s0  }
0x18: {  	s0 =	sld [smem:$0x3F94];
	_ =	swait.ge [sflag:s4], $0x0  }
0x19: {  	s7 =	sld [smem:$0x3F95]  }
0x1a: {  	s8 =	sadd.s32 $0xFFFFE003, lr  }
0x1b: {  	s9 =	sadd.s32 $0xFFFFFEF7, lr;
	s5 =	simm.s32 $0xFFFFFFFF;
	p2 =	slt.u32 s8, $0xFFFFF086  }
0x1c: {  	p1 =	slt.u32 s9, $0xF7A;
	s5 =	simm.s32 @!p2 $0x0  }
0x1d: {  	s5 =	simm.s32 @p1 $0x1;
	p0 =	seq.s32 s7, s2  }
0x1e: {  	s7 =	smul.u32 @!p0 $0xF7A, s2;
	p2 =	seq.s32 @!p0 s5, $0x0  }
0x1f: {  	s9 =	smul.u32 $0xF7A, s1;
	s8 =	simm.s32 @!p0 $0x1BF5;
	p2 =	por !p2, p0  }
0x20: {  	[sflag:s8] =	ssyncset.s32 @!p0 $0xFFFFF086;
	s6 =	sadd.s32 @!p0 s3, s7;
	s7 =	simm.s32 @!p0 $0x108  }
0x21: {  	s3 =	sadd.s32 s3, s9;
	s6 =	sadd.s32 @!p0 $0x88, s6;
	s7 =	simm.s32 @p2 $0x1082  }
0x22: {  	[simem:s7], [sflag:s8] =	dma.local @!p0 [hbm:s6], $0xF7A  }
0x23: {  	s9 =	sor.u32 $0xD0000000, s2;
	s6 =	simm.s32 $0x108;
	_ =	swait.ge @!p0 [sflag:s8], $0x0  }
0x24: {  	s3 =	sadd.s32 $0x88, s3;
	s6 =	simm.s32 @!p1 $0x1082;
	[sflag:s4] =	ssyncset.s32 $0xFFFFF086  }
0x25: {  	[simem:s6], [sflag:s4] =	dma.local [hbm:s3], $0xF7A  }
0x26: {  	[smem:$0x3F95] =	sst s1;
	(tag) =	ssettag s2;
	_ =	strace s9  }
0x27: {  	s1 =	sld [smem:$0x3FA5]  }
0x28: {  	s2 =	sld [smem:$0x3FA6]  }
0x29: {  	s4 =	sld [smem:$0x3FA8]  }
0x2a: {  	p0 =	seq.s32 s5, $0x0;
	s5 =	sld [smem:$0x3FA9]  }
0x2b: {  	s6 =	sld [smem:$0x3FAA]  }
0x2c: {  	s7 =	sld [smem:$0x3FAB]  }
0x2d: {  	s3 =	simm.s32 $0x108;
	s8 =	sld [smem:$0x3FAC]  }
0x2e: {  	s3 =	simm.s32 @!p0 $0x1082;
	s9 =	sld [smem:$0x3FAD]  }
0x2f: {  	lr =	sadd.s32 s0, s3;
	s0 =	sld [smem:$0x3FA4]  }
0x30: {  	s3 =	sld [smem:$0x3FA7]  }
0x31: {  	[smem:$0x3FB0] =	sst s10  }
0x32: {  	s10 =	sld [smem:$0x3FAE];
	_ =	sdelay $0x3  }
0x33: {  	p0 =	seq.s32 s10, $0x1;
	s10 =	sld [smem:$0x3FB0];
	_ =	sdelay $0x3  }
0x34: {  	[smem:$0x3FB0] =	sst s10  }
0x35: {  	s10 =	sld [smem:$0x3FAF];
	_ =	sdelay $0x3  }
0x36: {  	p1 =	seq.s32 s10, $0x1;
	s10 =	sld [smem:$0x3FB0];
	_ =	sdelay $0x3  }
0x37: {  	[smem:$0x3FB0] =	sst s10  }
0x38: {  	s10 =	sld [smem:$0x3FB1]  }
0x39: {  	_ = 	snop;
	(pc) =	sbr.ind lr, $3  }
0x3a: {  	_ = 	snop  }
0x3b: {  	_ = 	snop  }
0x3c: {  	p2 =	seq.s32 s10, $0x1;
	s10 =	sld [smem:$0x3FB0]  }
0x3d: {  	_ =	shalt  }
0x3e: {  	_ =	shalt  }
0x3f: {  	_ =	shalt  }
0x40: {  	_ =	shalt  }
0x41: {  	_ =	shalt  }
0x42: {  	_ =	shalt  }
0x43: {  	_ =	shalt  }
0x44: {  	_ =	shalt  }
0x45: {  	_ =	shalt  }
0x46: {  	_ =	shalt  }
0x47: {  	_ =	shalt  }
0x48: {  	_ =	shalt  }
0x49: {  	_ =	shalt  }
0x4a: {  	_ =	shalt  }
0x4b: {  	_ =	shalt  }
0x4c: {  	_ =	shalt  }
0x4d: {  	_ =	shalt  }
0x4e: {  	_ =	shalt  }
0x4f: {  	_ =	shalt  }
0x50: {  	_ =	shalt  }
0x51: {  	_ =	shalt  }
0x52: {  	_ =	shalt  }
0x53: {  	_ =	shalt  }
0x54: {  	_ =	shalt  }
0x55: {  	_ =	shalt  }
0x56: {  	_ =	shalt  }
0x57: {  	_ =	shalt  }
0x58: {  	_ =	shalt  }
0x59: {  	_ =	shalt  }
0x5a: {  	_ =	shalt  }
0x5b: {  	_ =	shalt  }
0x5c: {  	_ =	shalt  }
0x5d: {  	_ =	shalt  }
0x5e: {  	_ =	shalt  }
0x5f: {  	_ =	shalt  }
0x60: {  	_ =	shalt  }
0x61: {  	_ =	shalt  }
0x62: {  	_ =	shalt  }
0x63: {  	_ =	shalt  }
0x64: {  	_ =	shalt  }
0x65: {  	_ =	shalt  }
0x66: {  	_ =	shalt  }
0x67: {  	_ =	shalt  }
0x68: {  	_ =	shalt  }
0x69: {  	_ =	shalt  }
0x6a: {  	_ =	shalt  }
0x6b: {  	_ =	shalt  }
0x6c: {  	_ =	shalt  }
0x6d: {  	_ =	shalt  }
0x6e: {  	_ =	shalt  }
0x6f: {  	_ =	shalt  }
0x70: {  	_ =	shalt  }
0x71: {  	_ =	shalt  }
0x72: {  	_ =	shalt  }
0x73: {  	_ =	shalt  }
0x74: {  	_ =	shalt  }
0x75: {  	_ =	shalt  }
0x76: {  	_ =	shalt  }
0x77: {  	_ =	shalt  }
0x78: {  	_ =	shalt  }
0x79: {  	_ =	shalt  }
0x7a: {  	_ =	shalt  }
0x7b: {  	_ =	shalt  }
0x7c: {  	_ =	shalt  }
0x7d: {  	_ =	shalt  }
0x7e: {  	_ =	shalt  }
0x7f: {  	_ =	shalt  }
0x80: {  	_ =	shalt  }
0x81: {  	_ =	shalt  }
0x82: {  	_ =	shalt  }
0x83: {  	_ =	shalt  }
0x84: {  	_ =	shalt  }
0x85: {  	_ =	shalt  }
0x86: {  	_ =	shalt  }
0x87: {  	_ =	shalt  }
.Lfunc_end0:
.L_simem_size_0:
called_computation.1_lowered:
.L_overlay_start_0:
0x88: {  	s2 =	sld [smem:$0x3FD9]  }
0x89: {  	s3 =	sld [smem:$0x3FFE];
	_ =	sdelay $0x1  }
0x8a: {  	s1 =	srdreg.scid  }
0x8b: {  	s0 =	sand.u32 $0x1, s1  }
0x8c: {  	s17 =	sshll.u32 s0, $0xA;
	s2 =	sadd.s32 s3, s2  }
0x8d: {  	s2 =	sadd.s32 s2, s17  }
0x8e: {  	[smem:$0x3FBC] =	sst s2  }
0x8f: {  	_ = 	snop  }
0x90: {  	s2 =	sld [smem:$0x3FD0];
	(tm) =	ssettm $0x1  }
0x91: {  	s18 =	sld [smem:$0x3FFB];
	_ =	sdelay $0x3  }
0x92: {  	_ =	strace s18  }
0x93: {  	s3 =	sld [smem:$0x3FFC];
	_ =	sdelay $0x3  }
0x94: {  	_ =	strace s3  }
0x95: {  	s3 =	sld [smem:$0x3FFD];
	_ =	sdelay $0x3  }
0x96: {  	_ =	strace s3  }
0x97: {  	_ =	strace $0x8FFFFFFF  }
0x98: {  	s19 =	sld [smem:$0x3FDB];
	_ =	sdelay $0x1  }
0x99: {  	s4 =	simm.s32 $_scs_section_size  }
0x9a: {  	s5 =	simm.s32 $_size__tile_overlayer_lowered;
	s6 =	simm.s32 $_tile_overlayer_lowered  }
0x9b: {  	s22 =	simm.s32 $0x1BFF;
	s21 =	sshll.u32 s6, $0x1;
	s3 =	sadd.s32 s4, s19  }
0x9c: {  	s7 =	simm.s32 $0x0;
	s20 =	sshll.u32 s5, $0x1;
	s5 =	sadd.s32 s21, s3  }
0x9d: {  	[timem:s7], [sflag:s22] =	dma.local [hbm:s5], s20  }
0x9e: {  	_ =	swait.ge [sflag:s22], s20  }
0x9f: {  	s4 =	ssub.s32 $0x0, s20;
	[sflag:s22] =	ssyncset.done $0x0  }
0xa0: {  	[sflag:s22] =	ssyncadd.s32 s4;
	_ =	sdelay $0x1  }
0xa1: {  	s23 =	simm.s32 $0x1B8B  }
0xa2: {  	_ =	swait.ge [sflag:s23], $0x1  }
0xa3: {  	[sflag:s23] =	ssyncset.done $0x0  }
0xa4: {  	s25 =	simm.s32 $0x1B8E;
	s24 =	sld [smem:$0x3FFE];
	[sflag:s23] =	ssyncadd.s32 $0xFFFFFFFF  }
0xa5: {  	s26 =	simm.s32 $execute0_lowered;
	[smem:$0x3FD2] =	sst s25  }
0xa6: {  	s5 =	sshll.u32 s26, $0x1;
	_ =	strace $0x80000049;
	[dreg:$0x1] =	wrdreg $0xFFFFFFFF  }
0xa7: {  	s28 =	simm.s32 $_size_execute0_lowered;
	s3 =	sadd.s32 s3, s5;
	[dreg:$0x0] =	wrdreg $0x0  }
0xa8: {  	s5 =	sshll.u32 s28, $0x1;
	[dreg:$0x2] =	wrdreg s3  }
0xa9: {  	[dreg:$0x3] =	wrdreg s5  }
0xaa: {  	[dreg:$0x4] =	wrdreg $0xC0  }
0xab: {  	_ =	task [dreg:s7], $0x5FFFF  }
0xac: {  	[dreg:$0x1] =	wrdreg $0xFFFFFFFF  }
0xad: {  	[dreg:$0x0] =	wrdreg $0x60  }
0xae: {  	[dreg:$0x2] =	wrdreg s24  }
0xaf: {  	[dreg:$0x3] =	wrdreg s2  }
0xb0: {  	[dreg:$0x4] =	wrdreg $0xA8000  }
0xb1: {  	[dreg:$0x5] =	wrdreg $0x9  }
0xb2: {  	_ =	task.clear_ibuf [dreg:s7], $0x6FFFF;
	_ =	strace $0x90000049  }
0xb3: {  	s29 =	simm.s32 $0x9;
	_ =	strace $0x8000004B  }
0xb4: {  	_ =	swait.ge [sflag:s29], $0x1  }
0xb5: {  	[sflag:s29] =	ssyncadd.s32 $0xFFFFFFFF  }
0xb6: {  	_ =	strace $0x9000004B  }
0xb7: {  	_ =	sfence  }
0xb8: {  	s30 =	sld [smem:$0x0];
	_ =	sdelay $0x2  }
0xb9: {  	s31 =	sshll.u32 s1, $0xD;
	s1 =	sshrl.u32 s1, $0x2  }
0xba: {  	s3 =	sand.u32 $0x4000, s31;
	s1 =	sadd.s32 s1, s30  }
0xbb: {  	s0 =	sor.u32 s3, s0;
	s1 =	sshll.u32 s1, $0x11  }
0xbc: {  	s0 =	sor.u32 s1, s0  }
0xbd: {  	s0 =	sadd.s32 $0x8F2B, s0  }
0xbe: {  	[sflag:s0] =	ssyncadd.remote.s32 $0x1  }
0xbf: {  	_ =	sfence.sel $0xFFFF  }
0xc0: {  	[dreg:$0x0] =	wrdreg $0xFFFFFFFF;
	(pc) =	sbr.abs _section_cstart, $3  }
0xc1: {  	[dreg:$0x1] =	wrdreg $0xFFFFFFFF  }
0xc2: {  	_ =	task.clear_ibuf [dreg:s7], $0x2FFFF;
	_ =	strace $0x9FFFFFFF  }
0xc3: {  	(tm) =	ssettm $0x7FFFFFFF  }
tec
execute0_lowered:
.L_overlay_start_1:
0x0: {  	(tag) =	ssettag $0x1  }
0x1: {  	s5 =	rddreg [dreg:$0x0]  }
0x2: {  	s8 =	rddreg [dreg:$0x1];
	s0 =	srdreg.scid  }
0x3: {  	s2 =	rddreg [dreg:$0x2];
	s1 =	stileid.u32  }
0x4: {  	s3 =	simm.s32 $0x0;
	s16 =	simm.s32 $0x1400;
	s17 =	simm.s32 $0x2800  }
0x5: {  	s18 =	simm.s32 $0x4;
	s19 =	simm.s32 $0x1;
	s20 =	simm.s32 $0x80  }
0x6: {  	s21 =	simm.s32 $0x2;
	s22 =	simm.s32 $0x6800;
	s7 =	smul.u32 $0x14000, s1  }
0x7: {  	s23 =	simm.s32 $0x5;
	s24 =	simm.s32 $0x3;
	s10 =	smul.u32 $0x2800, s1  }
0x8: {  	s25 =	simm.s32 $0x1380;
	s6 =	sand.u32 $0x1, s0;
	s26 =	smul.u32 $0x50000, s1  }
0x9: {  	s28 =	simm.s32 $0x2780;
	s29 =	simm.s32 $0x0;
	s4 =	smul.u32 $0x140000, s6  }
0xa: {  	[smem:$0x7FF] =	sst s3;
	s9 =	smul.u32 $0x28000, s6;
	s6 =	ssub.s32 $0x2, s6  }
0xb: {  	s11 =	sadd.s32 $0x3A00, s5;
	_ =	strace $0x8000004A;
	s30 =	sshrl.u32 s6, $0x1  }
0xc: {  	s31 =	sshrl.u32 s26, $0x2;
	s26 =	simm.s32 $0x2700;
	s7 =	sadd.s32 s7, s4  }
0xd: {  	s4 =	sadd.s32 $0xDA00, s5;
	s9 =	sadd.s32 s10, s9;
	s7 =	sshrl.u32 s7, $0x3  }
0xe: {  	s13 =	ssub.s32 s6, s30;
	s9 =	sshrl.u32 s9, $0x3;
	s12 =	sadd.s32 s7, s5  }
0xf: {  	s5 =	sadd.s32 s8, s9;
	s6 =	sadd.s32 s11, s9;
	s9 =	sadd.s32 $0x280, s9  }
0x10: {  	s7 =	sadd.s32 s31, s2;
	s8 =	sadd.s32 s8, s9;
	s9 =	sadd.s32 s11, s9  }
0x11: {  	s10 =	sadd.s32 $0x35A00, s12;
	s11 =	smax.u32 s13, $0x1;
	s12 =	sadd.s32 $0x4000, s7  }
0x12: {  	v0 =	vimm.f32 $0.0e+00;
	s13 =	sadd.s32 $0x8000, s7;
	s14 =	sadd.s32 $0xC000, s7;
	s15 =	sadd.s32 $0x10000, s7  }
.LBB2_1:
0x13: {  	[tilespmem:s3], [sflag:$0x1] =	stream.linear.gather [hbm4b:s5+s3], $0x1400, $0x38;
	[tilespmem:$0x1E800] =	vst v63  }
0x14: {  	s30 =	simm.s32 $0x0;
	s31 =	simm.s32 $0x200  }
0x15: {  	[tilespmem:s16], [sflag:$0x1] =	stream.linear.gather [hbm4b:s6+s3], $0x1400, $0x38;
	[tilespmem:$0x1E800] =	vst v63  }
.LBB2_2:
0x16: {  	p0 =	sne.s32 s31, $0xFE00;
	[tilespmem:s30+$0x2870] =	vst v0  }
0x17: {  	[tilespmem:s30+$0x2800] =	vst v0  }
0x18: {  	[tilespmem:s30+$0x2810] =	vst v0  }
.Ltmp0:
0x19: {  	[tilespmem:s30+$0x2820] =	vst v0;
	(pc) =	sbr.rel @p0 .LBB2_2-.Ltmp0, $4  }
0x1a: {  	[tilespmem:s30+$0x2830] =	vst v0  }
0x1b: {  	[tilespmem:s30+$0x2840] =	vst v0  }
0x1c: {  	[tilespmem:s30+$0x2850] =	vst v0  }
0x1d: {  	[tilespmem:s30+$0x2860] =	vst v0;
	s30 =	sshra.s32 s31, $0x2;
	s31 =	sadd.s32 $0x200, s31  }
0x1e: {  	[tilespmem:s30+$0x2870] =	vst v0  }
0x1f: {  	[tilespmem:s30+$0x2800] =	vst v0  }
0x20: {  	[tilespmem:s30+$0x2810] =	vst v0  }
0x21: {  	[tilespmem:s30+$0x2820] =	vst v0  }
0x22: {  	[tilespmem:s30+$0x2830] =	vst v0  }
0x23: {  	[tilespmem:s30+$0x2840] =	vst v0  }
0x24: {  	[tilespmem:s30+$0x2850] =	vst v0  }
0x25: {  	[tilespmem:s30+$0x2860] =	vst v0  }
0x26: {  	[spmem:s7] =	stream.linear.scatter [tilespmem:s17], [sflag:$0x4], $0x4000, $0x38;
	[tilespmem:$0x1E800] =	vst v63  }
0x27: {  	_ =	swait.ge [sflag:s18], $0x4000  }
0x28: {  	[sflag:s18] =	ssyncset.done $0x0  }
0x29: {  	[sflag:s18] =	ssyncadd.s32 $0xFFFFC000  }
0x2a: {  	[spmem:s12] =	stream.linear.scatter [tilespmem:s17], [sflag:$0x4], $0x4000, $0x38;
	[tilespmem:$0x1E800] =	vst v63  }
0x2b: {  	_ =	swait.ge [sflag:s18], $0x4000  }
0x2c: {  	[sflag:s18] =	ssyncset.done $0x0  }
0x2d: {  	[sflag:s18] =	ssyncadd.s32 $0xFFFFC000  }
0x2e: {  	[spmem:s13] =	stream.linear.scatter [tilespmem:s17], [sflag:$0x4], $0x4000, $0x38;
	[tilespmem:$0x1E800] =	vst v63  }
0x2f: {  	_ =	swait.ge [sflag:s18], $0x4000  }
0x30: {  	[sflag:s18] =	ssyncset.done $0x0  }
0x31: {  	[sflag:s18] =	ssyncadd.s32 $0xFFFFC000  }
0x32: {  	[spmem:s14] =	stream.linear.scatter [tilespmem:s17], [sflag:$0x4], $0x4000, $0x38;
	[tilespmem:$0x1E800] =	vst v63  }
0x33: {  	_ =	swait.ge [sflag:s18], $0x4000  }
0x34: {  	[sflag:s18] =	ssyncset.done $0x0  }
0x35: {  	[sflag:s18] =	ssyncadd.s32 $0xFFFFC000  }
0x36: {  	[spmem:s15] =	stream.linear.scatter [tilespmem:s17], [sflag:$0x4], $0x4000, $0x38;
	[tilespmem:$0x1E800] =	vst v63  }
0x37: {  	_ =	swait.ge [sflag:s18], $0x4000  }
0x38: {  	[sflag:s18] =	ssyncset.done $0x0  }
0x39: {  	[sflag:s18] =	ssyncadd.s32 $0xFFFFC000  }
0x3a: {  	_ =	swait.ge [sflag:s19], $0x1400  }
0x3b: {  	[sflag:s19] =	ssyncset.done $0x0  }
0x3c: {  	[sflag:s19] =	ssyncadd.s32 $0xFFFFEC00  }
0x3d: {  	_ =	swait.ge [sflag:s19], $0x1400  }
0x3e: {  	[sflag:s19] =	ssyncset.done $0x0  }
0x3f: {  	[sflag:s19] =	ssyncadd.s32 $0xFFFFEC00  }
0x40: {  	s30 =	simm.s32 $0x0;
	[bflag:$0x0] =	sbarrier.arrive $0xFFFF  }
0x41: {  	[tilespmem:s17], [sflag:$0x2] =	stream.indirect.gather [hbm4b:s4+s20], $0x80, s30, s20, $0xb8;
	[tilespmem:$0x1E800] =	vst v63  }
0x42: {  	_ =	swait.ge [sflag:s21], $0x4000  }
0x43: {  	[sflag:s21] =	ssyncset.done $0x0  }
0x44: {  	s30 =	simm.s32 $0x80;
	[sflag:s21] =	ssyncadd.s32 $0xFFFFC000  }
0x45: {  	[tilespmem:s22], [sflag:$0x3] =	stream.indirect.gather [hbm4b:s4+s20], $0x80, s30, s20, $0xb8;
	[tilespmem:$0x1E800] =	vst v63  }
0x46: {  	s30 =	simm.s32 $0x1400  }
0x47: {  	[spmem:s2] =	stream.indirect.scatter.add.f32 [tilespmem:s17], [sflag:$0x5], $0x80, s30, s20, $0xb8;
	[tilespmem:$0x1E800] =	vst v63  }
0x48: {  	_ =	swait.ge [sflag:s23], $0x4000  }
0x49: {  	[sflag:s23] =	ssyncset.done $0x0  }
0x4a: {  	[sflag:s23] =	ssyncadd.s32 $0xFFFFC000  }
0x4b: {  	_ =	swait.ge [sflag:s24], $0x4000  }
0x4c: {  	[sflag:s24] =	ssyncset.done $0x0  }
0x4d: {  	s30 =	simm.s32 $0x100;
	[sflag:s24] =	ssyncadd.s32 $0xFFFFC000  }
0x4e: {  	[tilespmem:s17], [sflag:$0x2] =	stream.indirect.gather [hbm4b:s4+s20], $0x80, s30, s20, $0xb8;
	[tilespmem:$0x1E800] =	vst v63  }
0x4f: {  	s30 =	simm.s32 $0x1480  }
0x50: {  	[spmem:s2] =	stream.indirect.scatter.add.f32 [tilespmem:s22], [sflag:$0x4], $0x80, s30, s20, $0xb8;
	[tilespmem:$0x1E800] =	vst v63  }
0x51: {  	_ =	swait.ge [sflag:s18], $0x4000  }
0x52: {  	s30 =	simm.s32 $0x400;
	[sflag:s18] =	ssyncset.done $0x0  }
.LBB2_4:
0x53: {  	p0 =	sne.s32 s30, $0x4800  }
0x54: {  	[sflag:s18] =	ssyncadd.s32 $0xFFFFC000;
	s31 =	smov.u32 s30;
	s30 =	sadd.s32 $0x400, s30  }
0x55: {  	_ = 	snop  }
0x56: {  	_ =	swait.ge [sflag:s21], $0x4000  }
0x57: {  	s31 =	sshra.s32 s31, $0x2;
	[sflag:s21] =	ssyncset.done $0x0  }
0x58: {  	s0 =	sadd.s32 $0x80, s31;
	[sflag:s21] =	ssyncadd.s32 $0xFFFFC000  }
0x59: {  	[tilespmem:s22], [sflag:$0x3] =	stream.indirect.gather [hbm4b:s4+s20], $0x80, s0, s20, $0xb8;
	[tilespmem:$0x1E800] =	vst v63  }
0x5a: {  	s0 =	sadd.s32 $0x1400, s31  }
0x5b: {  	[spmem:s2] =	stream.indirect.scatter.add.f32 [tilespmem:s17], [sflag:$0x5], $0x80, s0, s20, $0xb8;
	[tilespmem:$0x1E800] =	vst v63  }
0x5c: {  	_ =	swait.ge [sflag:s23], $0x4000  }
0x5d: {  	[sflag:s23] =	ssyncset.done $0x0  }
0x5e: {  	[sflag:s23] =	ssyncadd.s32 $0xFFFFC000  }
0x5f: {  	_ =	swait.ge [sflag:s24], $0x4000  }
0x60: {  	[sflag:s24] =	ssyncset.done $0x0  }
0x61: {  	s0 =	sadd.s32 $0x100, s31;
	[sflag:s24] =	ssyncadd.s32 $0xFFFFC000  }
0x62: {  	[tilespmem:s17], [sflag:$0x2] =	stream.indirect.gather [hbm4b:s4+s20], $0x80, s0, s20, $0xb8;
	[tilespmem:$0x1E800] =	vst v63  }
.Ltmp1:
0x63: {  	_ = 	snop;
	(pc) =	sbr.rel @p0 .LBB2_4-.Ltmp1, $4  }
0x64: {  	s0 =	sadd.s32 $0x1480, s31  }
0x65: {  	[spmem:s2] =	stream.indirect.scatter.add.f32 [tilespmem:s22], [sflag:$0x4], $0x80, s0, s20, $0xb8;
	[tilespmem:$0x1E800] =	vst v63  }
0x66: {  	_ =	swait.ge [sflag:s18], $0x4000  }
0x67: {  	[sflag:s18] =	ssyncset.done $0x0  }
0x68: {  	[sflag:s18] =	ssyncadd.s32 $0xFFFFC000  }
0x69: {  	_ =	swait.ge [sflag:s21], $0x4000  }
0x6a: {  	[sflag:s21] =	ssyncset.done $0x0  }
0x6b: {  	[sflag:s21] =	ssyncadd.s32 $0xFFFFC000  }
0x6c: {  	[tilespmem:s22], [sflag:$0x3] =	stream.indirect.gather [hbm4b:s4+s20], $0x80, s25, s20, $0xb8;
	[tilespmem:$0x1E800] =	vst v63  }
0x6d: {  	_ = 	snop  }
0x6e: {  	[spmem:s2] =	stream.indirect.scatter.add.f32 [tilespmem:s17], [sflag:$0x5], $0x80, s26, s20, $0xb8;
	[tilespmem:$0x1E800] =	vst v63  }
0x6f: {  	_ =	swait.ge [sflag:s23], $0x4000  }
0x70: {  	[sflag:s23] =	ssyncset.done $0x0  }
0x71: {  	[sflag:s23] =	ssyncadd.s32 $0xFFFFC000  }
0x72: {  	_ =	swait.ge [sflag:s24], $0x4000  }
0x73: {  	[sflag:s24] =	ssyncset.done $0x0  }
0x74: {  	[sflag:s24] =	ssyncadd.s32 $0xFFFFC000  }
0x75: {  	[spmem:s2] =	stream.indirect.scatter.add.f32 [tilespmem:s22], [sflag:$0x4], $0x80, s28, s20, $0xb8;
	[tilespmem:$0x1E800] =	vst v63  }
0x76: {  	_ =	swait.ge [sflag:s18], $0x4000  }
0x77: {  	[sflag:s18] =	ssyncset.done $0x0  }
0x78: {  	s0 =	simm.s32 $0x0;
	[sflag:s18] =	ssyncadd.s32 $0xFFFFC000  }
0x79: {  	[tilespmem:s0], [sflag:$0x4] =	stream.linear.gather [hbm4b:s8+s0], $0x1400, $0x38;
	[tilespmem:$0x1E800] =	vst v63  }
0x7a: {  	_ =	swait.ge [sflag:s18], $0x1400  }
0x7b: {  	[sflag:s18] =	ssyncset.done $0x0  }
0x7c: {  	[sflag:s18] =	ssyncadd.s32 $0xFFFFEC00  }
0x7d: {  	[tilespmem:s16], [sflag:$0x4] =	stream.linear.gather [hbm4b:s9+s0], $0x1400, $0x38;
	[tilespmem:$0x1E800] =	vst v63  }
0x7e: {  	_ =	swait.ge [sflag:s18], $0x1400  }
0x7f: {  	[sflag:s18] =	ssyncset.done $0x0  }
0x80: {  	[sflag:s18] =	ssyncadd.s32 $0xFFFFEC00  }
0x81: {  	[tilespmem:s17], [sflag:$0x2] =	stream.indirect.gather [hbm4b:s4+s20], $0x80, s0, s20, $0xb8;
	[tilespmem:$0x1E800] =	vst v63  }
0x82: {  	_ =	swait.ge [sflag:s21], $0x4000  }
0x83: {  	[sflag:s21] =	ssyncset.done $0x0  }
0x84: {  	s31 =	simm.s32 $0x80;
	[sflag:s21] =	ssyncadd.s32 $0xFFFFC000  }
0x85: {  	[tilespmem:s22], [sflag:$0x3] =	stream.indirect.gather [hbm4b:s4+s20], $0x80, s31, s20, $0xb8;
	[tilespmem:$0x1E800] =	vst v63  }
0x86: {  	s31 =	simm.s32 $0x1400  }
0x87: {  	[spmem:s2] =	stream.indirect.scatter.add.f32 [tilespmem:s17], [sflag:$0x5], $0x80, s31, s20, $0xb8;
	[tilespmem:$0x1E800] =	vst v63  }
0x88: {  	_ =	swait.ge [sflag:s23], $0x4000  }
0x89: {  	[sflag:s23] =	ssyncset.done $0x0  }
0x8a: {  	[sflag:s23] =	ssyncadd.s32 $0xFFFFC000  }
0x8b: {  	_ =	swait.ge [sflag:s24], $0x4000  }
0x8c: {  	[sflag:s24] =	ssyncset.done $0x0  }
0x8d: {  	s31 =	simm.s32 $0x100;
	[sflag:s24] =	ssyncadd.s32 $0xFFFFC000  }
0x8e: {  	[tilespmem:s17], [sflag:$0x2] =	stream.indirect.gather [hbm4b:s4+s20], $0x80, s31, s20, $0xb8;
	[tilespmem:$0x1E800] =	vst v63  }
0x8f: {  	s31 =	simm.s32 $0x1480  }
0x90: {  	[spmem:s2] =	stream.indirect.scatter.add.f32 [tilespmem:s22], [sflag:$0x4], $0x80, s31, s20, $0xb8;
	[tilespmem:$0x1E800] =	vst v63  }
0x91: {  	_ =	swait.ge [sflag:s18], $0x4000  }
0x92: {  	s30 =	simm.s32 $0x400;
	[sflag:s18] =	ssyncset.done $0x0  }
.LBB2_6:
0x93: {  	p0 =	sne.s32 s30, $0x4800  }
0x94: {  	[sflag:s18] =	ssyncadd.s32 $0xFFFFC000;
	s0 =	smov.u32 s30;
	s30 =	sadd.s32 $0x400, s30  }
0x95: {  	_ = 	snop  }
0x96: {  	_ =	swait.ge [sflag:s21], $0x4000  }
0x97: {  	s0 =	sshra.s32 s0, $0x2;
	[sflag:s21] =	ssyncset.done $0x0  }
0x98: {  	s31 =	sadd.s32 $0x80, s0;
	[sflag:s21] =	ssyncadd.s32 $0xFFFFC000  }
0x99: {  	[tilespmem:s22], [sflag:$0x3] =	stream.indirect.gather [hbm4b:s4+s20], $0x80, s31, s20, $0xb8;
	[tilespmem:$0x1E800] =	vst v63  }
0x9a: {  	s31 =	sadd.s32 $0x1400, s0  }
0x9b: {  	[spmem:s2] =	stream.indirect.scatter.add.f32 [tilespmem:s17], [sflag:$0x5], $0x80, s31, s20, $0xb8;
	[tilespmem:$0x1E800] =	vst v63  }
0x9c: {  	_ =	swait.ge [sflag:s23], $0x4000  }
0x9d: {  	[sflag:s23] =	ssyncset.done $0x0  }
0x9e: {  	[sflag:s23] =	ssyncadd.s32 $0xFFFFC000  }
0x9f: {  	_ =	swait.ge [sflag:s24], $0x4000  }
0xa0: {  	[sflag:s24] =	ssyncset.done $0x0  }
0xa1: {  	s31 =	sadd.s32 $0x100, s0;
	[sflag:s24] =	ssyncadd.s32 $0xFFFFC000  }
0xa2: {  	[tilespmem:s17], [sflag:$0x2] =	stream.indirect.gather [hbm4b:s4+s20], $0x80, s31, s20, $0xb8;
	[tilespmem:$0x1E800] =	vst v63  }
.Ltmp2:
0xa3: {  	_ = 	snop;
	(pc) =	sbr.rel @p0 .LBB2_6-.Ltmp2, $4  }
0xa4: {  	s0 =	sadd.s32 $0x1480, s0  }
0xa5: {  	[spmem:s2] =	stream.indirect.scatter.add.f32 [tilespmem:s22], [sflag:$0x4], $0x80, s0, s20, $0xb8;
	[tilespmem:$0x1E800] =	vst v63  }
0xa6: {  	_ =	swait.ge [sflag:s18], $0x4000  }
0xa7: {  	[sflag:s18] =	ssyncset.done $0x0  }
0xa8: {  	[sflag:s18] =	ssyncadd.s32 $0xFFFFC000  }
0xa9: {  	_ =	swait.ge [sflag:s21], $0x4000  }
0xaa: {  	[sflag:s21] =	ssyncset.done $0x0  }
0xab: {  	[sflag:s21] =	ssyncadd.s32 $0xFFFFC000  }
0xac: {  	[tilespmem:s22], [sflag:$0x3] =	stream.indirect.gather [hbm4b:s4+s20], $0x80, s25, s20, $0xb8;
	[tilespmem:$0x1E800] =	vst v63  }
0xad: {  	_ = 	snop  }
0xae: {  	[spmem:s2] =	stream.indirect.scatter.add.f32 [tilespmem:s17], [sflag:$0x5], $0x80, s26, s20, $0xb8;
	[tilespmem:$0x1E800] =	vst v63  }
0xaf: {  	_ =	swait.ge [sflag:s23], $0x4000  }
0xb0: {  	[sflag:s23] =	ssyncset.done $0x0  }
0xb1: {  	[sflag:s23] =	ssyncadd.s32 $0xFFFFC000  }
0xb2: {  	_ =	swait.ge [sflag:s24], $0x4000  }
0xb3: {  	[sflag:s24] =	ssyncset.done $0x0  }
0xb4: {  	[sflag:s24] =	ssyncadd.s32 $0xFFFFC000  }
0xb5: {  	[spmem:s2] =	stream.indirect.scatter.add.f32 [tilespmem:s22], [sflag:$0x4], $0x80, s28, s20, $0xb8;
	[tilespmem:$0x1E800] =	vst v63  }
0xb6: {  	_ =	swait.ge [sflag:s18], $0x4000  }
0xb7: {  	s0 =	sshll.u32 s1, $0x6;
	s29 =	sadd.s32 $0x1, s29;
	[sflag:s18] =	ssyncset.done $0x0  }
0xb8: {  	s30 =	sshrl.u32 s7, $0x3;
	p0 =	sne.s32 s29, s11;
	[sflag:s18] =	ssyncadd.s32 $0xFFFFC000  }
.Ltmp3:
0xb9: {  	s0 =	sor.u32 $0x1C04, s0;
	[bflag:$0x0] =	sbarrier.arrive $0xFFFF;
	(pc) =	sbr.rel @p0 .LBB2_1-.Ltmp3, $4  }
0xba: {  	[hbm:s10], [sflag:s0] =	dma.local [spmem:s30], $0x2800  }
0xbb: {  	_ =	swait.ge [sflag:s18], $0x2800  }
0xbc: {  	[sflag:s18] =	ssyncset.done $0x0  }
0xbd: {  	[sflag:s18] =	ssyncadd.s32 $0xFFFFD800  }
0xbe: {  	_ =	sfence.sel $0x180000  }
0xbf: {  	[bflag:$0x0] =	sbarrier.arrive $0xFFFF  }
0xc0: {  	_ =	strace $0x9000004A  }
0xc1: {  	[bflag:$0x2] =	sbarrier.arrive $0xFFFF  }
0xc2: {  	p0 =	sne.s32 s1, $0x0;
	s0 =	rddreg [dreg:$0x3]  }
0xc3: {  	s0 =	sadd.s32 @!p0 $0x100000, s0  }
0xc4: {  	[sflag:s0] =	ssyncadd.tile.s32 @!p0 $0x1;
	_ =	shalt  }
.Lfunc_end2:
_tile_overlayer_lowered:
.L_overlay_start_2:
0xc5: {  	(tag) =	ssettag $0x2  }
0xc6: {  	s0 =	rddreg [dreg:$0x0];
	s2 =	stileid.u32  }
0xc7: {  	s1 =	rddreg [dreg:$0x1];
	p0 =	sne.s32 s2, $0x0  }
0xc8: {  	s3 =	rddreg [dreg:$0x2];
	[bflag:$0x3] =	sbarrier.arrive $0xFFFF;
	s2 =	simm.s32 @!p0 $0x1C04  }
0xc9: {  	[timem:s3], [sflag:s2] =	dma.local @!p0 [hbm:s0], s1  }
0xca: {  	s0 =	simm.s32 @!p0 $0x4  }
0xcb: {  	_ =	swait.ge @!p0 [sflag:s0], s1  }
0xcc: {  	s1 =	ssub.s32 @!p0 $0x0, s1;
	[sflag:s0] =	ssyncset.done @!p0 $0x0  }
0xcd: {  	[sflag:s0] =	ssyncadd.s32 @!p0 s1  }
0xce: {  	[bflag:$0x3] =	sbarrier.arrive $0xFFFF  }
0xcf: {  	_ =	shalt  }

// kernel: kernel.17.cloned.1.call-start
scs
__scs_entry_jumppad:
0x0: {  	(pc) =	sbr.rel $0x88, $3  }
0x1: {  	(tag) =	ssettag $0x0;
	lr =	simm.s32 $0x1  }
0x2: {  	[smem:$0x3F95] =	sst lr;
	_ =	strace $0xD0000000  }
0x3: {  	_ = 	snop  }
0x4: {  	_ = 	snop  }
0x5: {  	_ = 	snop  }
0x6: {  	_ = 	snop  }
0x7: {  	_ = 	snop  }
__scs_overlays_trampoline_lowered:
0x8: {  	[smem:$0x3FA4] =	sst s0  }
0x9: {  	[smem:$0x3FA5] =	sst s1  }
0xa: {  	[smem:$0x3FA6] =	sst s2  }
0xb: {  	[smem:$0x3FA7] =	sst s3  }
0xc: {  	[smem:$0x3FA8] =	sst s4  }
0xd: {  	[smem:$0x3FA9] =	sst s5  }
0xe: {  	[smem:$0x3FAA] =	sst s6  }
0xf: {  	[smem:$0x3FAB] =	sst s7  }
0x10: {  	[smem:$0x3FAC] =	sst s8  }
0x11: {  	[smem:$0x3FAD] =	sst s9;
	s0 =	simm.s32 @!p0 $0x0  }
0x12: {  	s1 =	sld [smem:$0x3F93];
	s0 =	simm.s32 @p0 $0x1  }
0x13: {  	[smem:$0x3FAE] =	sst s0;
	s0 =	simm.s32 @!p1 $0x0  }
0x14: {  	s2 =	sld [smem:$0x3F92];
	s0 =	simm.s32 @p1 $0x1  }
0x15: {  	[smem:$0x3FAF] =	sst s0;
	s0 =	simm.s32 @!p2 $0x0  }
0x16: {  	s3 =	sld [smem:$0x3FDB];
	s0 =	simm.s32 @p2 $0x1  }
0x17: {  	s4 =	simm.s32 $0x1BF5;
	[smem:$0x3FB1] =	sst s0  }
0x18: {  	s0 =	sld [smem:$0x3F94];
	_ =	swait.ge [sflag:s4], $0x0  }
0x19: {  	s7 =	sld [smem:$0x3F95]  }
0x1a: {  	s8 =	sadd.s32 $0xFFFFE003, lr  }
0x1b: {  	s9 =	sadd.s32 $0xFFFFFEF7, lr;
	s5 =	simm.s32 $0xFFFFFFFF;
	p2 =	slt.u32 s8, $0xFFFFF086  }
0x1c: {  	p1 =	slt.u32 s9, $0xF7A;
	s5 =	simm.s32 @!p2 $0x0  }
0x1d: {  	s5 =	simm.s32 @p1 $0x1;
	p0 =	seq.s32 s7, s2  }
0x1e: {  	s7 =	smul.u32 @!p0 $0xF7A, s2;
	p2 =	seq.s32 @!p0 s5, $0x0  }
0x1f: {  	s9 =	smul.u32 $0xF7A, s1;
	s8 =	simm.s32 @!p0 $0x1BF5;
	p2 =	por !p2, p0  }
0x20: {  	[sflag:s8] =	ssyncset.s32 @!p0 $0xFFFFF086;
	s6 =	sadd.s32 @!p0 s3, s7;
	s7 =	simm.s32 @!p0 $0x108  }
0x21: {  	s3 =	sadd.s32 s3, s9;
	s6 =	sadd.s32 @!p0 $0x88, s6;
	s7 =	simm.s32 @p2 $0x1082  }
0x22: {  	[simem:s7], [sflag:s8] =	dma.local @!p0 [hbm:s6], $0xF7A  }
0x23: {  	s9 =	sor.u32 $0xD0000000, s2;
	s6 =	simm.s32 $0x108;
	_ =	swait.ge @!p0 [sflag:s8], $0x0  }
0x24: {  	s3 =	sadd.s32 $0x88, s3;
	s6 =	simm.s32 @!p1 $0x1082;
	[sflag:s4] =	ssyncset.s32 $0xFFFFF086  }
0x25: {  	[simem:s6], [sflag:s4] =	dma.local [hbm:s3], $0xF7A  }
0x26: {  	[smem:$0x3F95] =	sst s1;
	(tag) =	ssettag s2;
	_ =	strace s9  }
0x27: {  	s1 =	sld [smem:$0x3FA5]  }
0x28: {  	s2 =	sld [smem:$0x3FA6]  }
0x29: {  	s4 =	sld [smem:$0x3FA8]  }
0x2a: {  	p0 =	seq.s32 s5, $0x0;
	s5 =	sld [smem:$0x3FA9]  }
0x2b: {  	s6 =	sld [smem:$0x3FAA]  }
0x2c: {  	s7 =	sld [smem:$0x3FAB]  }
0x2d: {  	s3 =	simm.s32 $0x108;
	s8 =	sld [smem:$0x3FAC]  }
0x2e: {  	s3 =	simm.s32 @!p0 $0x1082;
	s9 =	sld [smem:$0x3FAD]  }
0x2f: {  	lr =	sadd.s32 s0, s3;
	s0 =	sld [smem:$0x3FA4]  }
0x30: {  	s3 =	sld [smem:$0x3FA7]  }
0x31: {  	[smem:$0x3FB0] =	sst s10  }
0x32: {  	s10 =	sld [smem:$0x3FAE];
	_ =	sdelay $0x3  }
0x33: {  	p0 =	seq.s32 s10, $0x1;
	s10 =	sld [smem:$0x3FB0];
	_ =	sdelay $0x3  }
0x34: {  	[smem:$0x3FB0] =	sst s10  }
0x35: {  	s10 =	sld [smem:$0x3FAF];
	_ =	sdelay $0x3  }
0x36: {  	p1 =	seq.s32 s10, $0x1;
	s10 =	sld [smem:$0x3FB0];
	_ =	sdelay $0x3  }
0x37: {  	[smem:$0x3FB0] =	sst s10  }
0x38: {  	s10 =	sld [smem:$0x3FB1]  }
0x39: {  	_ = 	snop;
	(pc) =	sbr.ind lr, $3  }
0x3a: {  	_ = 	snop  }
0x3b: {  	_ = 	snop  }
0x3c: {  	p2 =	seq.s32 s10, $0x1;
	s10 =	sld [smem:$0x3FB0]  }
0x3d: {  	_ =	shalt  }
0x3e: {  	_ =	shalt  }
0x3f: {  	_ =	shalt  }
0x40: {  	_ =	shalt  }
0x41: {  	_ =	shalt  }
0x42: {  	_ =	shalt  }
0x43: {  	_ =	shalt  }
0x44: {  	_ =	shalt  }
0x45: {  	_ =	shalt  }
0x46: {  	_ =	shalt  }
0x47: {  	_ =	shalt  }
0x48: {  	_ =	shalt  }
0x49: {  	_ =	shalt  }
0x4a: {  	_ =	shalt  }
0x4b: {  	_ =	shalt  }
0x4c: {  	_ =	shalt  }
0x4d: {  	_ =	shalt  }
0x4e: {  	_ =	shalt  }
0x4f: {  	_ =	shalt  }
0x50: {  	_ =	shalt  }
0x51: {  	_ =	shalt  }
0x52: {  	_ =	shalt  }
0x53: {  	_ =	shalt  }
0x54: {  	_ =	shalt  }
0x55: {  	_ =	shalt  }
0x56: {  	_ =	shalt  }
0x57: {  	_ =	shalt  }
0x58: {  	_ =	shalt  }
0x59: {  	_ =	shalt  }
0x5a: {  	_ =	shalt  }
0x5b: {  	_ =	shalt  }
0x5c: {  	_ =	shalt  }
0x5d: {  	_ =	shalt  }
0x5e: {  	_ =	shalt  }
0x5f: {  	_ =	shalt  }
0x60: {  	_ =	shalt  }
0x61: {  	_ =	shalt  }
0x62: {  	_ =	shalt  }
0x63: {  	_ =	shalt  }
0x64: {  	_ =	shalt  }
0x65: {  	_ =	shalt  }
0x66: {  	_ =	shalt  }
0x67: {  	_ =	shalt  }
0x68: {  	_ =	shalt  }
0x69: {  	_ =	shalt  }
0x6a: {  	_ =	shalt  }
0x6b: {  	_ =	shalt  }
0x6c: {  	_ =	shalt  }
0x6d: {  	_ =	shalt  }
0x6e: {  	_ =	shalt  }
0x6f: {  	_ =	shalt  }
0x70: {  	_ =	shalt  }
0x71: {  	_ =	shalt  }
0x72: {  	_ =	shalt  }
0x73: {  	_ =	shalt  }
0x74: {  	_ =	shalt  }
0x75: {  	_ =	shalt  }
0x76: {  	_ =	shalt  }
0x77: {  	_ =	shalt  }
0x78: {  	_ =	shalt  }
0x79: {  	_ =	shalt  }
0x7a: {  	_ =	shalt  }
0x7b: {  	_ =	shalt  }
0x7c: {  	_ =	shalt  }
0x7d: {  	_ =	shalt  }
0x7e: {  	_ =	shalt  }
0x7f: {  	_ =	shalt  }
0x80: {  	_ =	shalt  }
0x81: {  	_ =	shalt  }
0x82: {  	_ =	shalt  }
0x83: {  	_ =	shalt  }
0x84: {  	_ =	shalt  }
0x85: {  	_ =	shalt  }
0x86: {  	_ =	shalt  }
0x87: {  	_ =	shalt  }
.Lfunc_end0:
.L_simem_size_0:
called_computation.2_lowered:
.L_overlay_start_0:
0x88: {  	s2 =	sld [smem:$0x3FD9]  }
0x89: {  	s3 =	sld [smem:$0x3FFE];
	_ =	sdelay $0x1  }
0x8a: {  	s1 =	srdreg.scid  }
0x8b: {  	s0 =	sand.u32 $0x1, s1  }
0x8c: {  	s17 =	sshll.u32 s0, $0xA;
	s2 =	sadd.s32 s3, s2  }
0x8d: {  	s2 =	sadd.s32 s2, s17  }
0x8e: {  	[smem:$0x3FBC] =	sst s2  }
0x8f: {  	_ = 	snop  }
0x90: {  	s2 =	sld [smem:$0x3FD0];
	(tm) =	ssettm $0x1  }
0x91: {  	s18 =	sld [smem:$0x3FFB];
	_ =	sdelay $0x3  }
0x92: {  	_ =	strace s18  }
0x93: {  	s3 =	sld [smem:$0x3FFC];
	_ =	sdelay $0x3  }
0x94: {  	_ =	strace s3  }
0x95: {  	s3 =	sld [smem:$0x3FFD];
	_ =	sdelay $0x3  }
0x96: {  	_ =	strace s3  }
0x97: {  	_ =	strace $0x8FFFFFFF  }
0x98: {  	s19 =	sld [smem:$0x3FDB];
	_ =	sdelay $0x1  }
0x99: {  	s4 =	simm.s32 $_scs_section_size  }
0x9a: {  	s5 =	simm.s32 $_size__tile_overlayer_lowered;
	s6 =	simm.s32 $_tile_overlayer_lowered  }
0x9b: {  	s22 =	simm.s32 $0x1BFF;
	s21 =	sshll.u32 s6, $0x1;
	s3 =	sadd.s32 s4, s19  }
0x9c: {  	s7 =	simm.s32 $0x0;
	s20 =	sshll.u32 s5, $0x1;
	s5 =	sadd.s32 s21, s3  }
0x9d: {  	[timem:s7], [sflag:s22] =	dma.local [hbm:s5], s20  }
0x9e: {  	_ =	swait.ge [sflag:s22], s20  }
0x9f: {  	s4 =	ssub.s32 $0x0, s20;
	[sflag:s22] =	ssyncset.done $0x0  }
0xa0: {  	[sflag:s22] =	ssyncadd.s32 s4;
	_ =	sdelay $0x1  }
0xa1: {  	s23 =	simm.s32 $0x1B8B  }
0xa2: {  	_ =	swait.ge [sflag:s23], $0x1  }
0xa3: {  	[sflag:s23] =	ssyncset.done $0x0  }
0xa4: {  	s25 =	simm.s32 $0x1B8E;
	s24 =	sld [smem:$0x3FFE];
	[sflag:s23] =	ssyncadd.s32 $0xFFFFFFFF  }
0xa5: {  	s26 =	simm.s32 $execute0_lowered;
	[smem:$0x3FD2] =	sst s25  }
0xa6: {  	s5 =	sshll.u32 s26, $0x1;
	_ =	strace $0x8000004C;
	[dreg:$0x1] =	wrdreg $0xFFFFFFFF  }
0xa7: {  	s28 =	simm.s32 $_size_execute0_lowered;
	s3 =	sadd.s32 s3, s5;
	[dreg:$0x0] =	wrdreg $0x0  }
0xa8: {  	s5 =	sshll.u32 s28, $0x1;
	[dreg:$0x2] =	wrdreg s3  }
0xa9: {  	[dreg:$0x3] =	wrdreg s5  }
0xaa: {  	[dreg:$0x4] =	wrdreg $0xC0  }
0xab: {  	_ =	task [dreg:s7], $0x5FFFF  }
0xac: {  	[dreg:$0x1] =	wrdreg $0xFFFFFFFF  }
0xad: {  	[dreg:$0x0] =	wrdreg $0x60  }
0xae: {  	[dreg:$0x2] =	wrdreg s24  }
0xaf: {  	[dreg:$0x3] =	wrdreg s2  }
0xb0: {  	[dreg:$0x4] =	wrdreg $0xA8000  }
0xb1: {  	[dreg:$0x5] =	wrdreg $0x9  }
0xb2: {  	_ =	task.clear_ibuf [dreg:s7], $0x6FFFF;
	_ =	strace $0x9000004C  }
0xb3: {  	s29 =	simm.s32 $0x9;
	_ =	strace $0x8000004E  }
0xb4: {  	_ =	swait.ge [sflag:s29], $0x1  }
0xb5: {  	[sflag:s29] =	ssyncadd.s32 $0xFFFFFFFF  }
0xb6: {  	_ =	strace $0x9000004E  }
0xb7: {  	_ =	sfence  }
0xb8: {  	s30 =	sld [smem:$0x0];
	_ =	sdelay $0x2  }
0xb9: {  	s31 =	sshll.u32 s1, $0xD;
	s1 =	sshrl.u32 s1, $0x2  }
0xba: {  	s3 =	sand.u32 $0x4000, s31;
	s1 =	sadd.s32 s1, s30  }
0xbb: {  	s0 =	sor.u32 s3, s0;
	s1 =	sshll.u32 s1, $0x11  }
0xbc: {  	s0 =	sor.u32 s1, s0  }
0xbd: {  	s0 =	sadd.s32 $0x8F2B, s0  }
0xbe: {  	[sflag:s0] =	ssyncadd.remote.s32 $0x1  }
0xbf: {  	_ =	sfence.sel $0xFFFF  }
0xc0: {  	[dreg:$0x0] =	wrdreg $0xFFFFFFFF;
	(pc) =	sbr.abs _section_cstart, $3  }
0xc1: {  	[dreg:$0x1] =	wrdreg $0xFFFFFFFF  }
0xc2: {  	_ =	task.clear_ibuf [dreg:s7], $0x2FFFF;
	_ =	strace $0x9FFFFFFF  }
0xc3: {  	(tm) =	ssettm $0x7FFFFFFF  }
tec
execute0_lowered:
.L_overlay_start_1:
0x0: {  	(tag) =	ssettag $0x1  }
0x1: {  	s5 =	rddreg [dreg:$0x0]  }
0x2: {  	s8 =	rddreg [dreg:$0x1];
	s0 =	srdreg.scid  }
0x3: {  	s2 =	rddreg [dreg:$0x2];
	s1 =	stileid.u32  }
0x4: {  	s3 =	simm.s32 $0x0;
	s16 =	simm.s32 $0x1400;
	s17 =	simm.s32 $0x2800  }
0x5: {  	s18 =	simm.s32 $0x4;
	s19 =	simm.s32 $0x1;
	s20 =	simm.s32 $0x80  }
0x6: {  	s21 =	simm.s32 $0x2;
	s22 =	simm.s32 $0x6800;
	s7 =	smul.u32 $0x14000, s1  }
0x7: {  	s23 =	simm.s32 $0x5;
	s24 =	simm.s32 $0x3;
	s10 =	smul.u32 $0x2800, s1  }
0x8: {  	s25 =	simm.s32 $0x1380;
	s6 =	sand.u32 $0x1, s0;
	s26 =	smul.u32 $0x50000, s1  }
0x9: {  	s28 =	simm.s32 $0x2780;
	s29 =	simm.s32 $0x0;
	s4 =	smul.u32 $0x140000, s6  }
0xa: {  	[smem:$0x7FF] =	sst s3;
	s9 =	smul.u32 $0x28000, s6;
	s6 =	ssub.s32 $0x2, s6  }
0xb: {  	s11 =	sadd.s32 $0x3A00, s5;
	_ =	strace $0x8000004D;
	s30 =	sshrl.u32 s6, $0x1  }
0xc: {  	s31 =	sshrl.u32 s26, $0x2;
	s26 =	simm.s32 $0x2700;
	s7 =	sadd.s32 s7, s4  }
0xd: {  	s4 =	sadd.s32 $0xDA00, s5;
	s9 =	sadd.s32 s10, s9;
	s7 =	sshrl.u32 s7, $0x3  }
0xe: {  	s13 =	ssub.s32 s6, s30;
	s9 =	sshrl.u32 s9, $0x3;
	s12 =	sadd.s32 s7, s5  }
0xf: {  	s5 =	sadd.s32 s8, s9;
	s6 =	sadd.s32 s11, s9;
	s9 =	sadd.s32 $0x280, s9  }
0x10: {  	s7 =	sadd.s32 s31, s2;
	s8 =	sadd.s32 s8, s9;
	s9 =	sadd.s32 s11, s9  }
0x11: {  	s10 =	sadd.s32 $0x35A00, s12;
	s11 =	smax.u32 s13, $0x1;
	s12 =	sadd.s32 $0x4000, s7  }
0x12: {  	v0 =	vimm.f32 $0.0e+00;
	s13 =	sadd.s32 $0x8000, s7;
	s14 =	sadd.s32 $0xC000, s7;
	s15 =	sadd.s32 $0x10000, s7  }
.LBB2_1:
0x13: {  	[tilespmem:s3], [sflag:$0x1] =	stream.linear.gather [hbm4b:s5+s3], $0x1400, $0x38;
	[tilespmem:$0x1E800] =	vst v63  }
0x14: {  	s30 =	simm.s32 $0x0;
	s31 =	simm.s32 $0x200  }
0x15: {  	[tilespmem:s16], [sflag:$0x1] =	stream.linear.gather [hbm4b:s6+s3], $0x1400, $0x38;
	[tilespmem:$0x1E800] =	vst v63  }
.LBB2_2:
0x16: {  	p0 =	sne.s32 s31, $0xFE00;
	[tilespmem:s30+$0x2870] =	vst v0  }
0x17: {  	[tilespmem:s30+$0x2800] =	vst v0  }
0x18: {  	[tilespmem:s30+$0x2810] =	vst v0  }
.Ltmp0:
0x19: {  	[tilespmem:s30+$0x2820] =	vst v0;
	(pc) =	sbr.rel @p0 .LBB2_2-.Ltmp0, $4  }
0x1a: {  	[tilespmem:s30+$0x2830] =	vst v0  }
0x1b: {  	[tilespmem:s30+$0x2840] =	vst v0  }
0x1c: {  	[tilespmem:s30+$0x2850] =	vst v0  }
0x1d: {  	[tilespmem:s30+$0x2860] =	vst v0;
	s30 =	sshra.s32 s31, $0x2;
	s31 =	sadd.s32 $0x200, s31  }
0x1e: {  	[tilespmem:s30+$0x2870] =	vst v0  }
0x1f: {  	[tilespmem:s30+$0x2800] =	vst v0  }
0x20: {  	[tilespmem:s30+$0x2810] =	vst v0  }
0x21: {  	[tilespmem:s30+$0x2820] =	vst v0  }
0x22: {  	[tilespmem:s30+$0x2830] =	vst v0  }
0x23: {  	[tilespmem:s30+$0x2840] =	vst v0  }
0x24: {  	[tilespmem:s30+$0x2850] =	vst v0  }
0x25: {  	[tilespmem:s30+$0x2860] =	vst v0  }
0x26: {  	[spmem:s7] =	stream.linear.scatter [tilespmem:s17], [sflag:$0x4], $0x4000, $0x38;
	[tilespmem:$0x1E800] =	vst v63  }
0x27: {  	_ =	swait.ge [sflag:s18], $0x4000  }
0x28: {  	[sflag:s18] =	ssyncset.done $0x0  }
0x29: {  	[sflag:s18] =	ssyncadd.s32 $0xFFFFC000  }
0x2a: {  	[spmem:s12] =	stream.linear.scatter [tilespmem:s17], [sflag:$0x4], $0x4000, $0x38;
	[tilespmem:$0x1E800] =	vst v63  }
0x2b: {  	_ =	swait.ge [sflag:s18], $0x4000  }
0x2c: {  	[sflag:s18] =	ssyncset.done $0x0  }
0x2d: {  	[sflag:s18] =	ssyncadd.s32 $0xFFFFC000  }
0x2e: {  	[spmem:s13] =	stream.linear.scatter [tilespmem:s17], [sflag:$0x4], $0x4000, $0x38;
	[tilespmem:$0x1E800] =	vst v63  }
0x2f: {  	_ =	swait.ge [sflag:s18], $0x4000  }
0x30: {  	[sflag:s18] =	ssyncset.done $0x0  }
0x31: {  	[sflag:s18] =	ssyncadd.s32 $0xFFFFC000  }
0x32: {  	[spmem:s14] =	stream.linear.scatter [tilespmem:s17], [sflag:$0x4], $0x4000, $0x38;
	[tilespmem:$0x1E800] =	vst v63  }
0x33: {  	_ =	swait.ge [sflag:s18], $0x4000  }
0x34: {  	[sflag:s18] =	ssyncset.done $0x0  }
0x35: {  	[sflag:s18] =	ssyncadd.s32 $0xFFFFC000  }
0x36: {  	[spmem:s15] =	stream.linear.scatter [tilespmem:s17], [sflag:$0x4], $0x4000, $0x38;
	[tilespmem:$0x1E800] =	vst v63  }
0x37: {  	_ =	swait.ge [sflag:s18], $0x4000  }
0x38: {  	[sflag:s18] =	ssyncset.done $0x0  }
0x39: {  	[sflag:s18] =	ssyncadd.s32 $0xFFFFC000  }
0x3a: {  	_ =	swait.ge [sflag:s19], $0x1400  }
0x3b: {  	[sflag:s19] =	ssyncset.done $0x0  }
0x3c: {  	[sflag:s19] =	ssyncadd.s32 $0xFFFFEC00  }
0x3d: {  	_ =	swait.ge [sflag:s19], $0x1400  }
0x3e: {  	[sflag:s19] =	ssyncset.done $0x0  }
0x3f: {  	[sflag:s19] =	ssyncadd.s32 $0xFFFFEC00  }
0x40: {  	s30 =	simm.s32 $0x0;
	[bflag:$0x0] =	sbarrier.arrive $0xFFFF  }
0x41: {  	[tilespmem:s17], [sflag:$0x2] =	stream.indirect.gather [hbm4b:s4+s20], $0x80, s30, s20, $0xb8;
	[tilespmem:$0x1E800] =	vst v63  }
0x42: {  	_ =	swait.ge [sflag:s21], $0x4000  }
0x43: {  	[sflag:s21] =	ssyncset.done $0x0  }
0x44: {  	s30 =	simm.s32 $0x80;
	[sflag:s21] =	ssyncadd.s32 $0xFFFFC000  }
0x45: {  	[tilespmem:s22], [sflag:$0x3] =	stream.indirect.gather [hbm4b:s4+s20], $0x80, s30, s20, $0xb8;
	[tilespmem:$0x1E800] =	vst v63  }
0x46: {  	s30 =	simm.s32 $0x1400  }
0x47: {  	[spmem:s2] =	stream.indirect.scatter.add.f32 [tilespmem:s17], [sflag:$0x5], $0x80, s30, s20, $0xb8;
	[tilespmem:$0x1E800] =	vst v63  }
0x48: {  	_ =	swait.ge [sflag:s23], $0x4000  }
0x49: {  	[sflag:s23] =	ssyncset.done $0x0  }
0x4a: {  	[sflag:s23] =	ssyncadd.s32 $0xFFFFC000  }
0x4b: {  	_ =	swait.ge [sflag:s24], $0x4000  }
0x4c: {  	[sflag:s24] =	ssyncset.done $0x0  }
0x4d: {  	s30 =	simm.s32 $0x100;
	[sflag:s24] =	ssyncadd.s32 $0xFFFFC000  }
0x4e: {  	[tilespmem:s17], [sflag:$0x2] =	stream.indirect.gather [hbm4b:s4+s20], $0x80, s30, s20, $0xb8;
	[tilespmem:$0x1E800] =	vst v63  }
0x4f: {  	s30 =	simm.s32 $0x1480  }
0x50: {  	[spmem:s2] =	stream.indirect.scatter.add.f32 [tilespmem:s22], [sflag:$0x4], $0x80, s30, s20, $0xb8;
	[tilespmem:$0x1E800] =	vst v63  }
0x51: {  	_ =	swait.ge [sflag:s18], $0x4000  }
0x52: {  	s30 =	simm.s32 $0x400;
	[sflag:s18] =	ssyncset.done $0x0  }
.LBB2_4:
0x53: {  	p0 =	sne.s32 s30, $0x4800  }
0x54: {  	[sflag:s18] =	ssyncadd.s32 $0xFFFFC000;
	s31 =	smov.u32 s30;
	s30 =	sadd.s32 $0x400, s30  }
0x55: {  	_ = 	snop  }
0x56: {  	_ =	swait.ge [sflag:s21], $0x4000  }
0x57: {  	s31 =	sshra.s32 s31, $0x2;
	[sflag:s21] =	ssyncset.done $0x0  }
0x58: {  	s0 =	sadd.s32 $0x80, s31;
	[sflag:s21] =	ssyncadd.s32 $0xFFFFC000  }
0x59: {  	[tilespmem:s22], [sflag:$0x3] =	stream.indirect.gather [hbm4b:s4+s20], $0x80, s0, s20, $0xb8;
	[tilespmem:$0x1E800] =	vst v63  }
0x5a: {  	s0 =	sadd.s32 $0x1400, s31  }
0x5b: {  	[spmem:s2] =	stream.indirect.scatter.add.f32 [tilespmem:s17], [sflag:$0x5], $0x80, s0, s20, $0xb8;
	[tilespmem:$0x1E800] =	vst v63  }
0x5c: {  	_ =	swait.ge [sflag:s23], $0x4000  }
0x5d: {  	[sflag:s23] =	ssyncset.done $0x0  }
0x5e: {  	[sflag:s23] =	ssyncadd.s32 $0xFFFFC000  }
0x5f: {  	_ =	swait.ge [sflag:s24], $0x4000  }
0x60: {  	[sflag:s24] =	ssyncset.done $0x0  }
0x61: {  	s0 =	sadd.s32 $0x100, s31;
	[sflag:s24] =	ssyncadd.s32 $0xFFFFC000  }
0x62: {  	[tilespmem:s17], [sflag:$0x2] =	stream.indirect.gather [hbm4b:s4+s20], $0x80, s0, s20, $0xb8;
	[tilespmem:$0x1E800] =	vst v63  }
.Ltmp1:
0x63: {  	_ = 	snop;
	(pc) =	sbr.rel @p0 .LBB2_4-.Ltmp1, $4  }
0x64: {  	s0 =	sadd.s32 $0x1480, s31  }
0x65: {  	[spmem:s2] =	stream.indirect.scatter.add.f32 [tilespmem:s22], [sflag:$0x4], $0x80, s0, s20, $0xb8;
	[tilespmem:$0x1E800] =	vst v63  }
0x66: {  	_ =	swait.ge [sflag:s18], $0x4000  }
0x67: {  	[sflag:s18] =	ssyncset.done $0x0  }
0x68: {  	[sflag:s18] =	ssyncadd.s32 $0xFFFFC000  }
0x69: {  	_ =	swait.ge [sflag:s21], $0x4000  }
0x6a: {  	[sflag:s21] =	ssyncset.done $0x0  }
0x6b: {  	[sflag:s21] =	ssyncadd.s32 $0xFFFFC000  }
0x6c: {  	[tilespmem:s22], [sflag:$0x3] =	stream.indirect.gather [hbm4b:s4+s20], $0x80, s25, s20, $0xb8;
	[tilespmem:$0x1E800] =	vst v63  }
0x6d: {  	_ = 	snop  }
0x6e: {  	[spmem:s2] =	stream.indirect.scatter.add.f32 [tilespmem:s17], [sflag:$0x5], $0x80, s26, s20, $0xb8;
	[tilespmem:$0x1E800] =	vst v63  }
0x6f: {  	_ =	swait.ge [sflag:s23], $0x4000  }
0x70: {  	[sflag:s23] =	ssyncset.done $0x0  }
0x71: {  	[sflag:s23] =	ssyncadd.s32 $0xFFFFC000  }
0x72: {  	_ =	swait.ge [sflag:s24], $0x4000  }
0x73: {  	[sflag:s24] =	ssyncset.done $0x0  }
0x74: {  	[sflag:s24] =	ssyncadd.s32 $0xFFFFC000  }
0x75: {  	[spmem:s2] =	stream.indirect.scatter.add.f32 [tilespmem:s22], [sflag:$0x4], $0x80, s28, s20, $0xb8;
	[tilespmem:$0x1E800] =	vst v63  }
0x76: {  	_ =	swait.ge [sflag:s18], $0x4000  }
0x77: {  	[sflag:s18] =	ssyncset.done $0x0  }
0x78: {  	s0 =	simm.s32 $0x0;
	[sflag:s18] =	ssyncadd.s32 $0xFFFFC000  }
0x79: {  	[tilespmem:s0], [sflag:$0x4] =	stream.linear.gather [hbm4b:s8+s0], $0x1400, $0x38;
	[tilespmem:$0x1E800] =	vst v63  }
0x7a: {  	_ =	swait.ge [sflag:s18], $0x1400  }
0x7b: {  	[sflag:s18] =	ssyncset.done $0x0  }
0x7c: {  	[sflag:s18] =	ssyncadd.s32 $0xFFFFEC00  }
0x7d: {  	[tilespmem:s16], [sflag:$0x4] =	stream.linear.gather [hbm4b:s9+s0], $0x1400, $0x38;
	[tilespmem:$0x1E800] =	vst v63  }
0x7e: {  	_ =	swait.ge [sflag:s18], $0x1400  }
0x7f: {  	[sflag:s18] =	ssyncset.done $0x0  }
0x80: {  	[sflag:s18] =	ssyncadd.s32 $0xFFFFEC00  }
0x81: {  	[tilespmem:s17], [sflag:$0x2] =	stream.indirect.gather [hbm4b:s4+s20], $0x80, s0, s20, $0xb8;
	[tilespmem:$0x1E800] =	vst v63  }
0x82: {  	_ =	swait.ge [sflag:s21], $0x4000  }
0x83: {  	[sflag:s21] =	ssyncset.done $0x0  }
0x84: {  	s31 =	simm.s32 $0x80;
	[sflag:s21] =	ssyncadd.s32 $0xFFFFC000  }
0x85: {  	[tilespmem:s22], [sflag:$0x3] =	stream.indirect.gather [hbm4b:s4+s20], $0x80, s31, s20, $0xb8;
	[tilespmem:$0x1E800] =	vst v63  }
0x86: {  	s31 =	simm.s32 $0x1400  }
0x87: {  	[spmem:s2] =	stream.indirect.scatter.add.f32 [tilespmem:s17], [sflag:$0x5], $0x80, s31, s20, $0xb8;
	[tilespmem:$0x1E800] =	vst v63  }
0x88: {  	_ =	swait.ge [sflag:s23], $0x4000  }
0x89: {  	[sflag:s23] =	ssyncset.done $0x0  }
0x8a: {  	[sflag:s23] =	ssyncadd.s32 $0xFFFFC000  }
0x8b: {  	_ =	swait.ge [sflag:s24], $0x4000  }
0x8c: {  	[sflag:s24] =	ssyncset.done $0x0  }
0x8d: {  	s31 =	simm.s32 $0x100;
	[sflag:s24] =	ssyncadd.s32 $0xFFFFC000  }
0x8e: {  	[tilespmem:s17], [sflag:$0x2] =	stream.indirect.gather [hbm4b:s4+s20], $0x80, s31, s20, $0xb8;
	[tilespmem:$0x1E800] =	vst v63  }
0x8f: {  	s31 =	simm.s32 $0x1480  }
0x90: {  	[spmem:s2] =	stream.indirect.scatter.add.f32 [tilespmem:s22], [sflag:$0x4], $0x80, s31, s20, $0xb8;
	[tilespmem:$0x1E800] =	vst v63  }
0x91: {  	_ =	swait.ge [sflag:s18], $0x4000  }
0x92: {  	s30 =	simm.s32 $0x400;
	[sflag:s18] =	ssyncset.done $0x0  }
.LBB2_6:
0x93: {  	p0 =	sne.s32 s30, $0x4800  }
0x94: {  	[sflag:s18] =	ssyncadd.s32 $0xFFFFC000;
	s0 =	smov.u32 s30;
	s30 =	sadd.s32 $0x400, s30  }
0x95: {  	_ = 	snop  }
0x96: {  	_ =	swait.ge [sflag:s21], $0x4000  }
0x97: {  	s0 =	sshra.s32 s0, $0x2;
	[sflag:s21] =	ssyncset.done $0x0  }
0x98: {  	s31 =	sadd.s32 $0x80, s0;
	[sflag:s21] =	ssyncadd.s32 $0xFFFFC000  }
0x99: {  	[tilespmem:s22], [sflag:$0x3] =	stream.indirect.gather [hbm4b:s4+s20], $0x80, s31, s20, $0xb8;
	[tilespmem:$0x1E800] =	vst v63  }
0x9a: {  	s31 =	sadd.s32 $0x1400, s0  }
0x9b: {  	[spmem:s2] =	stream.indirect.scatter.add.f32 [tilespmem:s17], [sflag:$0x5], $0x80, s31, s20, $0xb8;
	[tilespmem:$0x1E800] =	vst v63  }
0x9c: {  	_ =	swait.ge [sflag:s23], $0x4000  }
0x9d: {  	[sflag:s23] =	ssyncset.done $0x0  }
0x9e: {  	[sflag:s23] =	ssyncadd.s32 $0xFFFFC000  }
0x9f: {  	_ =	swait.ge [sflag:s24], $0x4000  }
0xa0: {  	[sflag:s24] =	ssyncset.done $0x0  }
0xa1: {  	s31 =	sadd.s32 $0x100, s0;
	[sflag:s24] =	ssyncadd.s32 $0xFFFFC000  }
0xa2: {  	[tilespmem:s17], [sflag:$0x2] =	stream.indirect.gather [hbm4b:s4+s20], $0x80, s31, s20, $0xb8;
	[tilespmem:$0x1E800] =	vst v63  }
.Ltmp2:
0xa3: {  	_ = 	snop;
	(pc) =	sbr.rel @p0 .LBB2_6-.Ltmp2, $4  }
0xa4: {  	s0 =	sadd.s32 $0x1480, s0  }
0xa5: {  	[spmem:s2] =	stream.indirect.scatter.add.f32 [tilespmem:s22], [sflag:$0x4], $0x80, s0, s20, $0xb8;
	[tilespmem:$0x1E800] =	vst v63  }
0xa6: {  	_ =	swait.ge [sflag:s18], $0x4000  }
0xa7: {  	[sflag:s18] =	ssyncset.done $0x0  }
0xa8: {  	[sflag:s18] =	ssyncadd.s32 $0xFFFFC000  }
0xa9: {  	_ =	swait.ge [sflag:s21], $0x4000  }
0xaa: {  	[sflag:s21] =	ssyncset.done $0x0  }
0xab: {  	[sflag:s21] =	ssyncadd.s32 $0xFFFFC000  }
0xac: {  	[tilespmem:s22], [sflag:$0x3] =	stream.indirect.gather [hbm4b:s4+s20], $0x80, s25, s20, $0xb8;
	[tilespmem:$0x1E800] =	vst v63  }
0xad: {  	_ = 	snop  }
0xae: {  	[spmem:s2] =	stream.indirect.scatter.add.f32 [tilespmem:s17], [sflag:$0x5], $0x80, s26, s20, $0xb8;
	[tilespmem:$0x1E800] =	vst v63  }
0xaf: {  	_ =	swait.ge [sflag:s23], $0x4000  }
0xb0: {  	[sflag:s23] =	ssyncset.done $0x0  }
0xb1: {  	[sflag:s23] =	ssyncadd.s32 $0xFFFFC000  }
0xb2: {  	_ =	swait.ge [sflag:s24], $0x4000  }
0xb3: {  	[sflag:s24] =	ssyncset.done $0x0  }
0xb4: {  	[sflag:s24] =	ssyncadd.s32 $0xFFFFC000  }
0xb5: {  	[spmem:s2] =	stream.indirect.scatter.add.f32 [tilespmem:s22], [sflag:$0x4], $0x80, s28, s20, $0xb8;
	[tilespmem:$0x1E800] =	vst v63  }
0xb6: {  	_ =	swait.ge [sflag:s18], $0x4000  }
0xb7: {  	s0 =	sshll.u32 s1, $0x6;
	s29 =	sadd.s32 $0x1, s29;
	[sflag:s18] =	ssyncset.done $0x0  }
0xb8: {  	s30 =	sshrl.u32 s7, $0x3;
	p0 =	sne.s32 s29, s11;
	[sflag:s18] =	ssyncadd.s32 $0xFFFFC000  }
.Ltmp3:
0xb9: {  	s0 =	sor.u32 $0x1C04, s0;
	[bflag:$0x0] =	sbarrier.arrive $0xFFFF;
	(pc) =	sbr.rel @p0 .LBB2_1-.Ltmp3, $4  }
0xba: {  	[hbm:s10], [sflag:s0] =	dma.local [spmem:s30], $0x2800  }
0xbb: {  	_ =	swait.ge [sflag:s18], $0x2800  }
0xbc: {  	[sflag:s18] =	ssyncset.done $0x0  }
0xbd: {  	[sflag:s18] =	ssyncadd.s32 $0xFFFFD800  }
0xbe: {  	_ =	sfence.sel $0x180000  }
0xbf: {  	[bflag:$0x0] =	sbarrier.arrive $0xFFFF  }
0xc0: {  	_ =	strace $0x9000004D  }
0xc1: {  	[bflag:$0x2] =	sbarrier.arrive $0xFFFF  }
0xc2: {  	p0 =	sne.s32 s1, $0x0;
	s0 =	rddreg [dreg:$0x3]  }
0xc3: {  	s0 =	sadd.s32 @!p0 $0x100000, s0  }
0xc4: {  	[sflag:s0] =	ssyncadd.tile.s32 @!p0 $0x1;
	_ =	shalt  }
.Lfunc_end2:
_tile_overlayer_lowered:
.L_overlay_start_2:
0xc5: {  	(tag) =	ssettag $0x2  }
0xc6: {  	s0 =	rddreg [dreg:$0x0];
	s2 =	stileid.u32  }
0xc7: {  	s1 =	rddreg [dreg:$0x1];
	p0 =	sne.s32 s2, $0x0  }
0xc8: {  	s3 =	rddreg [dreg:$0x2];
	[bflag:$0x3] =	sbarrier.arrive $0xFFFF;
	s2 =	simm.s32 @!p0 $0x1C04  }
0xc9: {  	[timem:s3], [sflag:s2] =	dma.local @!p0 [hbm:s0], s1  }
0xca: {  	s0 =	simm.s32 @!p0 $0x4  }
0xcb: {  	_ =	swait.ge @!p0 [sflag:s0], s1  }
0xcc: {  	s1 =	ssub.s32 @!p0 $0x0, s1;
	[sflag:s0] =	ssyncset.done @!p0 $0x0  }
0xcd: {  	[sflag:s0] =	ssyncadd.s32 @!p0 s1  }
0xce: {  	[bflag:$0x3] =	sbarrier.arrive $0xFFFF  }
0xcf: {  	_ =	shalt  }

// kernel: kernel.20.cloned.1.call-start
scs
__scs_entry_jumppad:
0x0: {  	(pc) =	sbr.rel $0x88, $3  }
0x1: {  	(tag) =	ssettag $0x0;
	lr =	simm.s32 $0x1  }
0x2: {  	[smem:$0x3F95] =	sst lr;
	_ =	strace $0xD0000000  }
0x3: {  	_ = 	snop  }
0x4: {  	_ = 	snop  }
0x5: {  	_ = 	snop  }
0x6: {  	_ = 	snop  }
0x7: {  	_ = 	snop  }
__scs_overlays_trampoline_lowered:
0x8: {  	[smem:$0x3FA4] =	sst s0  }
0x9: {  	[smem:$0x3FA5] =	sst s1  }
0xa: {  	[smem:$0x3FA6] =	sst s2  }
0xb: {  	[smem:$0x3FA7] =	sst s3  }
0xc: {  	[smem:$0x3FA8] =	sst s4  }
0xd: {  	[smem:$0x3FA9] =	sst s5  }
0xe: {  	[smem:$0x3FAA] =	sst s6  }
0xf: {  	[smem:$0x3FAB] =	sst s7  }
0x10: {  	[smem:$0x3FAC] =	sst s8  }
0x11: {  	[smem:$0x3FAD] =	sst s9;
	s0 =	simm.s32 @!p0 $0x0  }
0x12: {  	s1 =	sld [smem:$0x3F93];
	s0 =	simm.s32 @p0 $0x1  }
0x13: {  	[smem:$0x3FAE] =	sst s0;
	s0 =	simm.s32 @!p1 $0x0  }
0x14: {  	s2 =	sld [smem:$0x3F92];
	s0 =	simm.s32 @p1 $0x1  }
0x15: {  	[smem:$0x3FAF] =	sst s0;
	s0 =	simm.s32 @!p2 $0x0  }
0x16: {  	s3 =	sld [smem:$0x3FDB];
	s0 =	simm.s32 @p2 $0x1  }
0x17: {  	s4 =	simm.s32 $0x1BF5;
	[smem:$0x3FB1] =	sst s0  }
0x18: {  	s0 =	sld [smem:$0x3F94];
	_ =	swait.ge [sflag:s4], $0x0  }
0x19: {  	s7 =	sld [smem:$0x3F95]  }
0x1a: {  	s8 =	sadd.s32 $0xFFFFE003, lr  }
0x1b: {  	s9 =	sadd.s32 $0xFFFFFEF7, lr;
	s5 =	simm.s32 $0xFFFFFFFF;
	p2 =	slt.u32 s8, $0xFFFFF086  }
0x1c: {  	p1 =	slt.u32 s9, $0xF7A;
	s5 =	simm.s32 @!p2 $0x0  }
0x1d: {  	s5 =	simm.s32 @p1 $0x1;
	p0 =	seq.s32 s7, s2  }
0x1e: {  	s7 =	smul.u32 @!p0 $0xF7A, s2;
	p2 =	seq.s32 @!p0 s5, $0x0  }
0x1f: {  	s9 =	smul.u32 $0xF7A, s1;
	s8 =	simm.s32 @!p0 $0x1BF5;
	p2 =	por !p2, p0  }
0x20: {  	[sflag:s8] =	ssyncset.s32 @!p0 $0xFFFFF086;
	s6 =	sadd.s32 @!p0 s3, s7;
	s7 =	simm.s32 @!p0 $0x108  }
0x21: {  	s3 =	sadd.s32 s3, s9;
	s6 =	sadd.s32 @!p0 $0x88, s6;
	s7 =	simm.s32 @p2 $0x1082  }
0x22: {  	[simem:s7], [sflag:s8] =	dma.local @!p0 [hbm:s6], $0xF7A  }
0x23: {  	s9 =	sor.u32 $0xD0000000, s2;
	s6 =	simm.s32 $0x108;
	_ =	swait.ge @!p0 [sflag:s8], $0x0  }
0x24: {  	s3 =	sadd.s32 $0x88, s3;
	s6 =	simm.s32 @!p1 $0x1082;
	[sflag:s4] =	ssyncset.s32 $0xFFFFF086  }
0x25: {  	[simem:s6], [sflag:s4] =	dma.local [hbm:s3], $0xF7A  }
0x26: {  	[smem:$0x3F95] =	sst s1;
	(tag) =	ssettag s2;
	_ =	strace s9  }
0x27: {  	s1 =	sld [smem:$0x3FA5]  }
0x28: {  	s2 =	sld [smem:$0x3FA6]  }
0x29: {  	s4 =	sld [smem:$0x3FA8]  }
0x2a: {  	p0 =	seq.s32 s5, $0x0;
	s5 =	sld [smem:$0x3FA9]  }
0x2b: {  	s6 =	sld [smem:$0x3FAA]  }
0x2c: {  	s7 =	sld [smem:$0x3FAB]  }
0x2d: {  	s3 =	simm.s32 $0x108;
	s8 =	sld [smem:$0x3FAC]  }
0x2e: {  	s3 =	simm.s32 @!p0 $0x1082;
	s9 =	sld [smem:$0x3FAD]  }
0x2f: {  	lr =	sadd.s32 s0, s3;
	s0 =	sld [smem:$0x3FA4]  }
0x30: {  	s3 =	sld [smem:$0x3FA7]  }
0x31: {  	[smem:$0x3FB0] =	sst s10  }
0x32: {  	s10 =	sld [smem:$0x3FAE];
	_ =	sdelay $0x3  }
0x33: {  	p0 =	seq.s32 s10, $0x1;
	s10 =	sld [smem:$0x3FB0];
	_ =	sdelay $0x3  }
0x34: {  	[smem:$0x3FB0] =	sst s10  }
0x35: {  	s10 =	sld [smem:$0x3FAF];
	_ =	sdelay $0x3  }
0x36: {  	p1 =	seq.s32 s10, $0x1;
	s10 =	sld [smem:$0x3FB0];
	_ =	sdelay $0x3  }
0x37: {  	[smem:$0x3FB0] =	sst s10  }
0x38: {  	s10 =	sld [smem:$0x3FB1]  }
0x39: {  	_ = 	snop;
	(pc) =	sbr.ind lr, $3  }
0x3a: {  	_ = 	snop  }
0x3b: {  	_ = 	snop  }
0x3c: {  	p2 =	seq.s32 s10, $0x1;
	s10 =	sld [smem:$0x3FB0]  }
0x3d: {  	_ =	shalt  }
0x3e: {  	_ =	shalt  }
0x3f: {  	_ =	shalt  }
0x40: {  	_ =	shalt  }
0x41: {  	_ =	shalt  }
0x42: {  	_ =	shalt  }
0x43: {  	_ =	shalt  }
0x44: {  	_ =	shalt  }
0x45: {  	_ =	shalt  }
0x46: {  	_ =	shalt  }
0x47: {  	_ =	shalt  }
0x48: {  	_ =	shalt  }
0x49: {  	_ =	shalt  }
0x4a: {  	_ =	shalt  }
0x4b: {  	_ =	shalt  }
0x4c: {  	_ =	shalt  }
0x4d: {  	_ =	shalt  }
0x4e: {  	_ =	shalt  }
0x4f: {  	_ =	shalt  }
0x50: {  	_ =	shalt  }
0x51: {  	_ =	shalt  }
0x52: {  	_ =	shalt  }
0x53: {  	_ =	shalt  }
0x54: {  	_ =	shalt  }
0x55: {  	_ =	shalt  }
0x56: {  	_ =	shalt  }
0x57: {  	_ =	shalt  }
0x58: {  	_ =	shalt  }
0x59: {  	_ =	shalt  }
0x5a: {  	_ =	shalt  }
0x5b: {  	_ =	shalt  }
0x5c: {  	_ =	shalt  }
0x5d: {  	_ =	shalt  }
0x5e: {  	_ =	shalt  }
0x5f: {  	_ =	shalt  }
0x60: {  	_ =	shalt  }
0x61: {  	_ =	shalt  }
0x62: {  	_ =	shalt  }
0x63: {  	_ =	shalt  }
0x64: {  	_ =	shalt  }
0x65: {  	_ =	shalt  }
0x66: {  	_ =	shalt  }
0x67: {  	_ =	shalt  }
0x68: {  	_ =	shalt  }
0x69: {  	_ =	shalt  }
0x6a: {  	_ =	shalt  }
0x6b: {  	_ =	shalt  }
0x6c: {  	_ =	shalt  }
0x6d: {  	_ =	shalt  }
0x6e: {  	_ =	shalt  }
0x6f: {  	_ =	shalt  }
0x70: {  	_ =	shalt  }
0x71: {  	_ =	shalt  }
0x72: {  	_ =	shalt  }
0x73: {  	_ =	shalt  }
0x74: {  	_ =	shalt  }
0x75: {  	_ =	shalt  }
0x76: {  	_ =	shalt  }
0x77: {  	_ =	shalt  }
0x78: {  	_ =	shalt  }
0x79: {  	_ =	shalt  }
0x7a: {  	_ =	shalt  }
0x7b: {  	_ =	shalt  }
0x7c: {  	_ =	shalt  }
0x7d: {  	_ =	shalt  }
0x7e: {  	_ =	shalt  }
0x7f: {  	_ =	shalt  }
0x80: {  	_ =	shalt  }
0x81: {  	_ =	shalt  }
0x82: {  	_ =	shalt  }
0x83: {  	_ =	shalt  }
0x84: {  	_ =	shalt  }
0x85: {  	_ =	shalt  }
0x86: {  	_ =	shalt  }
0x87: {  	_ =	shalt  }
.Lfunc_end0:
.L_simem_size_0:
called_computation.3_lowered:
.L_overlay_start_0:
0x88: {  	s2 =	sld [smem:$0x3FD9]  }
0x89: {  	s3 =	sld [smem:$0x3FFE];
	_ =	sdelay $0x1  }
0x8a: {  	s1 =	srdreg.scid  }
0x8b: {  	s0 =	sand.u32 $0x1, s1  }
0x8c: {  	s17 =	sshll.u32 s0, $0xA;
	s2 =	sadd.s32 s3, s2  }
0x8d: {  	s2 =	sadd.s32 s2, s17  }
0x8e: {  	[smem:$0x3FBC] =	sst s2  }
0x8f: {  	_ = 	snop  }
0x90: {  	s2 =	sld [smem:$0x3FD0];
	(tm) =	ssettm $0x1  }
0x91: {  	s18 =	sld [smem:$0x3FFB];
	_ =	sdelay $0x3  }
0x92: {  	_ =	strace s18  }
0x93: {  	s3 =	sld [smem:$0x3FFC];
	_ =	sdelay $0x3  }
0x94: {  	_ =	strace s3  }
0x95: {  	s3 =	sld [smem:$0x3FFD];
	_ =	sdelay $0x3  }
0x96: {  	_ =	strace s3  }
0x97: {  	_ =	strace $0x8FFFFFFF  }
0x98: {  	s19 =	sld [smem:$0x3FDB];
	_ =	sdelay $0x1  }
0x99: {  	s4 =	simm.s32 $_scs_section_size  }
0x9a: {  	s5 =	simm.s32 $_size__tile_overlayer_lowered;
	s6 =	simm.s32 $_tile_overlayer_lowered  }
0x9b: {  	s22 =	simm.s32 $0x1BFF;
	s21 =	sshll.u32 s6, $0x1;
	s3 =	sadd.s32 s4, s19  }
0x9c: {  	s7 =	simm.s32 $0x0;
	s20 =	sshll.u32 s5, $0x1;
	s5 =	sadd.s32 s21, s3  }
0x9d: {  	[timem:s7], [sflag:s22] =	dma.local [hbm:s5], s20  }
0x9e: {  	_ =	swait.ge [sflag:s22], s20  }
0x9f: {  	s4 =	ssub.s32 $0x0, s20;
	[sflag:s22] =	ssyncset.done $0x0  }
0xa0: {  	[sflag:s22] =	ssyncadd.s32 s4;
	_ =	sdelay $0x1  }
0xa1: {  	s23 =	simm.s32 $0x1B8B  }
0xa2: {  	_ =	swait.ge [sflag:s23], $0x1  }
0xa3: {  	[sflag:s23] =	ssyncset.done $0x0  }
0xa4: {  	s25 =	simm.s32 $0x1B8E;
	s24 =	sld [smem:$0x3FFE];
	[sflag:s23] =	ssyncadd.s32 $0xFFFFFFFF  }
0xa5: {  	s26 =	simm.s32 $execute0_lowered;
	[smem:$0x3FD2] =	sst s25  }
0xa6: {  	s5 =	sshll.u32 s26, $0x1;
	_ =	strace $0x8000004F;
	[dreg:$0x1] =	wrdreg $0xFFFFFFFF  }
0xa7: {  	s28 =	simm.s32 $_size_execute0_lowered;
	s3 =	sadd.s32 s3, s5;
	[dreg:$0x0] =	wrdreg $0x0  }
0xa8: {  	s5 =	sshll.u32 s28, $0x1;
	[dreg:$0x2] =	wrdreg s3  }
0xa9: {  	[dreg:$0x3] =	wrdreg s5  }
0xaa: {  	[dreg:$0x4] =	wrdreg $0xC0  }
0xab: {  	_ =	task [dreg:s7], $0x5FFFF  }
0xac: {  	[dreg:$0x1] =	wrdreg $0xFFFFFFFF  }
0xad: {  	[dreg:$0x0] =	wrdreg $0x60  }
0xae: {  	[dreg:$0x2] =	wrdreg s24  }
0xaf: {  	[dreg:$0x3] =	wrdreg s2  }
0xb0: {  	[dreg:$0x4] =	wrdreg $0xA8000  }
0xb1: {  	[dreg:$0x5] =	wrdreg $0x9  }
0xb2: {  	_ =	task.clear_ibuf [dreg:s7], $0x6FFFF;
	_ =	strace $0x9000004F  }
0xb3: {  	s29 =	simm.s32 $0x9;
	_ =	strace $0x80000051  }
0xb4: {  	_ =	swait.ge [sflag:s29], $0x1  }
0xb5: {  	[sflag:s29] =	ssyncadd.s32 $0xFFFFFFFF  }
0xb6: {  	_ =	strace $0x90000051  }
0xb7: {  	_ =	sfence  }
0xb8: {  	s30 =	sld [smem:$0x0];
	_ =	sdelay $0x2  }
0xb9: {  	s31 =	sshll.u32 s1, $0xD;
	s1 =	sshrl.u32 s1, $0x2  }
0xba: {  	s3 =	sand.u32 $0x4000, s31;
	s1 =	sadd.s32 s1, s30  }
0xbb: {  	s0 =	sor.u32 s3, s0;
	s1 =	sshll.u32 s1, $0x11  }
0xbc: {  	s0 =	sor.u32 s1, s0  }
0xbd: {  	s0 =	sadd.s32 $0x8F2B, s0  }
0xbe: {  	[sflag:s0] =	ssyncadd.remote.s32 $0x1  }
0xbf: {  	_ =	sfence.sel $0xFFFF  }
0xc0: {  	[dreg:$0x0] =	wrdreg $0xFFFFFFFF;
	(pc) =	sbr.abs _section_cstart, $3  }
0xc1: {  	[dreg:$0x1] =	wrdreg $0xFFFFFFFF  }
0xc2: {  	_ =	task.clear_ibuf [dreg:s7], $0x2FFFF;
	_ =	strace $0x9FFFFFFF  }
0xc3: {  	(tm) =	ssettm $0x7FFFFFFF  }
tec
execute0_lowered:
.L_overlay_start_1:
0x0: {  	(tag) =	ssettag $0x1  }
0x1: {  	s5 =	rddreg [dreg:$0x0]  }
0x2: {  	s8 =	rddreg [dreg:$0x1];
	s0 =	srdreg.scid  }
0x3: {  	s2 =	rddreg [dreg:$0x2];
	s1 =	stileid.u32  }
0x4: {  	s3 =	simm.s32 $0x0;
	s16 =	simm.s32 $0x1400;
	s17 =	simm.s32 $0x2800  }
0x5: {  	s18 =	simm.s32 $0x4;
	s19 =	simm.s32 $0x1;
	s20 =	simm.s32 $0x80  }
0x6: {  	s21 =	simm.s32 $0x2;
	s22 =	simm.s32 $0x6800;
	s7 =	smul.u32 $0x14000, s1  }
0x7: {  	s23 =	simm.s32 $0x5;
	s24 =	simm.s32 $0x3;
	s10 =	smul.u32 $0x2800, s1  }
0x8: {  	s25 =	simm.s32 $0x1380;
	s6 =	sand.u32 $0x1, s0;
	s26 =	smul.u32 $0x50000, s1  }
0x9: {  	s28 =	simm.s32 $0x2780;
	s29 =	simm.s32 $0x0;
	s4 =	smul.u32 $0x140000, s6  }
0xa: {  	[smem:$0x7FF] =	sst s3;
	s9 =	smul.u32 $0x28000, s6;
	s6 =	ssub.s32 $0x2, s6  }
0xb: {  	s11 =	sadd.s32 $0x3A00, s5;
	_ =	strace $0x80000050;
	s30 =	sshrl.u32 s6, $0x1  }
0xc: {  	s31 =	sshrl.u32 s26, $0x2;
	s26 =	simm.s32 $0x2700;
	s7 =	sadd.s32 s7, s4  }
0xd: {  	s4 =	sadd.s32 $0xDA00, s5;
	s9 =	sadd.s32 s10, s9;
	s7 =	sshrl.u32 s7, $0x3  }
0xe: {  	s13 =	ssub.s32 s6, s30;
	s9 =	sshrl.u32 s9, $0x3;
	s12 =	sadd.s32 s7, s5  }
0xf: {  	s5 =	sadd.s32 s8, s9;
	s6 =	sadd.s32 s11, s9;
	s9 =	sadd.s32 $0x280, s9  }
0x10: {  	s7 =	sadd.s32 s31, s2;
	s8 =	sadd.s32 s8, s9;
	s9 =	sadd.s32 s11, s9  }
0x11: {  	s10 =	sadd.s32 $0x35A00, s12;
	s11 =	smax.u32 s13, $0x1;
	s12 =	sadd.s32 $0x4000, s7  }
0x12: {  	v0 =	vimm.f32 $0.0e+00;
	s13 =	sadd.s32 $0x8000, s7;
	s14 =	sadd.s32 $0xC000, s7;
	s15 =	sadd.s32 $0x10000, s7  }
.LBB2_1:
0x13: {  	[tilespmem:s3], [sflag:$0x1] =	stream.linear.gather [hbm4b:s5+s3], $0x1400, $0x38;
	[tilespmem:$0x1E800] =	vst v63  }
0x14: {  	s30 =	simm.s32 $0x0;
	s31 =	simm.s32 $0x200  }
0x15: {  	[tilespmem:s16], [sflag:$0x1] =	stream.linear.gather [hbm4b:s6+s3], $0x1400, $0x38;
	[tilespmem:$0x1E800] =	vst v63  }
.LBB2_2:
0x16: {  	p0 =	sne.s32 s31, $0xFE00;
	[tilespmem:s30+$0x2870] =	vst v0  }
0x17: {  	[tilespmem:s30+$0x2800] =	vst v0  }
0x18: {  	[tilespmem:s30+$0x2810] =	vst v0  }
.Ltmp0:
0x19: {  	[tilespmem:s30+$0x2820] =	vst v0;
	(pc) =	sbr.rel @p0 .LBB2_2-.Ltmp0, $4  }
0x1a: {  	[tilespmem:s30+$0x2830] =	vst v0  }
0x1b: {  	[tilespmem:s30+$0x2840] =	vst v0  }
0x1c: {  	[tilespmem:s30+$0x2850] =	vst v0  }
0x1d: {  	[tilespmem:s30+$0x2860] =	vst v0;
	s30 =	sshra.s32 s31, $0x2;
	s31 =	sadd.s32 $0x200, s31  }
0x1e: {  	[tilespmem:s30+$0x2870] =	vst v0  }
0x1f: {  	[tilespmem:s30+$0x2800] =	vst v0  }
0x20: {  	[tilespmem:s30+$0x2810] =	vst v0  }
0x21: {  	[tilespmem:s30+$0x2820] =	vst v0  }
0x22: {  	[tilespmem:s30+$0x2830] =	vst v0  }
0x23: {  	[tilespmem:s30+$0x2840] =	vst v0  }
0x24: {  	[tilespmem:s30+$0x2850] =	vst v0  }
0x25: {  	[tilespmem:s30+$0x2860] =	vst v0  }
0x26: {  	[spmem:s7] =	stream.linear.scatter [tilespmem:s17], [sflag:$0x4], $0x4000, $0x38;
	[tilespmem:$0x1E800] =	vst v63  }
0x27: {  	_ =	swait.ge [sflag:s18], $0x4000  }
0x28: {  	[sflag:s18] =	ssyncset.done $0x0  }
0x29: {  	[sflag:s18] =	ssyncadd.s32 $0xFFFFC000  }
0x2a: {  	[spmem:s12] =	stream.linear.scatter [tilespmem:s17], [sflag:$0x4], $0x4000, $0x38;
	[tilespmem:$0x1E800] =	vst v63  }
0x2b: {  	_ =	swait.ge [sflag:s18], $0x4000  }
0x2c: {  	[sflag:s18] =	ssyncset.done $0x0  }
0x2d: {  	[sflag:s18] =	ssyncadd.s32 $0xFFFFC000  }
0x2e: {  	[spmem:s13] =	stream.linear.scatter [tilespmem:s17], [sflag:$0x4], $0x4000, $0x38;
	[tilespmem:$0x1E800] =	vst v63  }
0x2f: {  	_ =	swait.ge [sflag:s18], $0x4000  }
0x30: {  	[sflag:s18] =	ssyncset.done $0x0  }
0x31: {  	[sflag:s18] =	ssyncadd.s32 $0xFFFFC000  }
0x32: {  	[spmem:s14] =	stream.linear.scatter [tilespmem:s17], [sflag:$0x4], $0x4000, $0x38;
	[tilespmem:$0x1E800] =	vst v63  }
0x33: {  	_ =	swait.ge [sflag:s18], $0x4000  }
0x34: {  	[sflag:s18] =	ssyncset.done $0x0  }
0x35: {  	[sflag:s18] =	ssyncadd.s32 $0xFFFFC000  }
0x36: {  	[spmem:s15] =	stream.linear.scatter [tilespmem:s17], [sflag:$0x4], $0x4000, $0x38;
	[tilespmem:$0x1E800] =	vst v63  }
0x37: {  	_ =	swait.ge [sflag:s18], $0x4000  }
0x38: {  	[sflag:s18] =	ssyncset.done $0x0  }
0x39: {  	[sflag:s18] =	ssyncadd.s32 $0xFFFFC000  }
0x3a: {  	_ =	swait.ge [sflag:s19], $0x1400  }
0x3b: {  	[sflag:s19] =	ssyncset.done $0x0  }
0x3c: {  	[sflag:s19] =	ssyncadd.s32 $0xFFFFEC00  }
0x3d: {  	_ =	swait.ge [sflag:s19], $0x1400  }
0x3e: {  	[sflag:s19] =	ssyncset.done $0x0  }
0x3f: {  	[sflag:s19] =	ssyncadd.s32 $0xFFFFEC00  }
0x40: {  	s30 =	simm.s32 $0x0;
	[bflag:$0x0] =	sbarrier.arrive $0xFFFF  }
0x41: {  	[tilespmem:s17], [sflag:$0x2] =	stream.indirect.gather [hbm4b:s4+s20], $0x80, s30, s20, $0xb8;
	[tilespmem:$0x1E800] =	vst v63  }
0x42: {  	_ =	swait.ge [sflag:s21], $0x4000  }
0x43: {  	[sflag:s21] =	ssyncset.done $0x0  }
0x44: {  	s30 =	simm.s32 $0x80;
	[sflag:s21] =	ssyncadd.s32 $0xFFFFC000  }
0x45: {  	[tilespmem:s22], [sflag:$0x3] =	stream.indirect.gather [hbm4b:s4+s20], $0x80, s30, s20, $0xb8;
	[tilespmem:$0x1E800] =	vst v63  }
0x46: {  	s30 =	simm.s32 $0x1400  }
0x47: {  	[spmem:s2] =	stream.indirect.scatter.add.f32 [tilespmem:s17], [sflag:$0x5], $0x80, s30, s20, $0xb8;
	[tilespmem:$0x1E800] =	vst v63  }
0x48: {  	_ =	swait.ge [sflag:s23], $0x4000  }
0x49: {  	[sflag:s23] =	ssyncset.done $0x0  }
0x4a: {  	[sflag:s23] =	ssyncadd.s32 $0xFFFFC000  }
0x4b: {  	_ =	swait.ge [sflag:s24], $0x4000  }
0x4c: {  	[sflag:s24] =	ssyncset.done $0x0  }
0x4d: {  	s30 =	simm.s32 $0x100;
	[sflag:s24] =	ssyncadd.s32 $0xFFFFC000  }
0x4e: {  	[tilespmem:s17], [sflag:$0x2] =	stream.indirect.gather [hbm4b:s4+s20], $0x80, s30, s20, $0xb8;
	[tilespmem:$0x1E800] =	vst v63  }
0x4f: {  	s30 =	simm.s32 $0x1480  }
0x50: {  	[spmem:s2] =	stream.indirect.scatter.add.f32 [tilespmem:s22], [sflag:$0x4], $0x80, s30, s20, $0xb8;
	[tilespmem:$0x1E800] =	vst v63  }
0x51: {  	_ =	swait.ge [sflag:s18], $0x4000  }
0x52: {  	s30 =	simm.s32 $0x400;
	[sflag:s18] =	ssyncset.done $0x0  }
.LBB2_4:
0x53: {  	p0 =	sne.s32 s30, $0x4800  }
0x54: {  	[sflag:s18] =	ssyncadd.s32 $0xFFFFC000;
	s31 =	smov.u32 s30;
	s30 =	sadd.s32 $0x400, s30  }
0x55: {  	_ = 	snop  }
0x56: {  	_ =	swait.ge [sflag:s21], $0x4000  }
0x57: {  	s31 =	sshra.s32 s31, $0x2;
	[sflag:s21] =	ssyncset.done $0x0  }
0x58: {  	s0 =	sadd.s32 $0x80, s31;
	[sflag:s21] =	ssyncadd.s32 $0xFFFFC000  }
0x59: {  	[tilespmem:s22], [sflag:$0x3] =	stream.indirect.gather [hbm4b:s4+s20], $0x80, s0, s20, $0xb8;
	[tilespmem:$0x1E800] =	vst v63  }
0x5a: {  	s0 =	sadd.s32 $0x1400, s31  }
0x5b: {  	[spmem:s2] =	stream.indirect.scatter.add.f32 [tilespmem:s17], [sflag:$0x5], $0x80, s0, s20, $0xb8;
	[tilespmem:$0x1E800] =	vst v63  }
0x5c: {  	_ =	swait.ge [sflag:s23], $0x4000  }
0x5d: {  	[sflag:s23] =	ssyncset.done $0x0  }
0x5e: {  	[sflag:s23] =	ssyncadd.s32 $0xFFFFC000  }
0x5f: {  	_ =	swait.ge [sflag:s24], $0x4000  }
0x60: {  	[sflag:s24] =	ssyncset.done $0x0  }
0x61: {  	s0 =	sadd.s32 $0x100, s31;
	[sflag:s24] =	ssyncadd.s32 $0xFFFFC000  }
0x62: {  	[tilespmem:s17], [sflag:$0x2] =	stream.indirect.gather [hbm4b:s4+s20], $0x80, s0, s20, $0xb8;
	[tilespmem:$0x1E800] =	vst v63  }
.Ltmp1:
0x63: {  	_ = 	snop;
	(pc) =	sbr.rel @p0 .LBB2_4-.Ltmp1, $4  }
0x64: {  	s0 =	sadd.s32 $0x1480, s31  }
0x65: {  	[spmem:s2] =	stream.indirect.scatter.add.f32 [tilespmem:s22], [sflag:$0x4], $0x80, s0, s20, $0xb8;
	[tilespmem:$0x1E800] =	vst v63  }
0x66: {  	_ =	swait.ge [sflag:s18], $0x4000  }
0x67: {  	[sflag:s18] =	ssyncset.done $0x0  }
0x68: {  	[sflag:s18] =	ssyncadd.s32 $0xFFFFC000  }
0x69: {  	_ =	swait.ge [sflag:s21], $0x4000  }
0x6a: {  	[sflag:s21] =	ssyncset.done $0x0  }
0x6b: {  	[sflag:s21] =	ssyncadd.s32 $0xFFFFC000  }
0x6c: {  	[tilespmem:s22], [sflag:$0x3] =	stream.indirect.gather [hbm4b:s4+s20], $0x80, s25, s20, $0xb8;
	[tilespmem:$0x1E800] =	vst v63  }
0x6d: {  	_ = 	snop  }
0x6e: {  	[spmem:s2] =	stream.indirect.scatter.add.f32 [tilespmem:s17], [sflag:$0x5], $0x80, s26, s20, $0xb8;
	[tilespmem:$0x1E800] =	vst v63  }
0x6f: {  	_ =	swait.ge [sflag:s23], $0x4000  }
0x70: {  	[sflag:s23] =	ssyncset.done $0x0  }
0x71: {  	[sflag:s23] =	ssyncadd.s32 $0xFFFFC000  }
0x72: {  	_ =	swait.ge [sflag:s24], $0x4000  }
0x73: {  	[sflag:s24] =	ssyncset.done $0x0  }
0x74: {  	[sflag:s24] =	ssyncadd.s32 $0xFFFFC000  }
0x75: {  	[spmem:s2] =	stream.indirect.scatter.add.f32 [tilespmem:s22], [sflag:$0x4], $0x80, s28, s20, $0xb8;
	[tilespmem:$0x1E800] =	vst v63  }
0x76: {  	_ =	swait.ge [sflag:s18], $0x4000  }
0x77: {  	[sflag:s18] =	ssyncset.done $0x0  }
0x78: {  	s0 =	simm.s32 $0x0;
	[sflag:s18] =	ssyncadd.s32 $0xFFFFC000  }
0x79: {  	[tilespmem:s0], [sflag:$0x4] =	stream.linear.gather [hbm4b:s8+s0], $0x1400, $0x38;
	[tilespmem:$0x1E800] =	vst v63  }
0x7a: {  	_ =	swait.ge [sflag:s18], $0x1400  }
0x7b: {  	[sflag:s18] =	ssyncset.done $0x0  }
0x7c: {  	[sflag:s18] =	ssyncadd.s32 $0xFFFFEC00  }
0x7d: {  	[tilespmem:s16], [sflag:$0x4] =	stream.linear.gather [hbm4b:s9+s0], $0x1400, $0x38;
	[tilespmem:$0x1E800] =	vst v63  }
0x7e: {  	_ =	swait.ge [sflag:s18], $0x1400  }
0x7f: {  	[sflag:s18] =	ssyncset.done $0x0  }
0x80: {  	[sflag:s18] =	ssyncadd.s32 $0xFFFFEC00  }
0x81: {  	[tilespmem:s17], [sflag:$0x2] =	stream.indirect.gather [hbm4b:s4+s20], $0x80, s0, s20, $0xb8;
	[tilespmem:$0x1E800] =	vst v63  }
0x82: {  	_ =	swait.ge [sflag:s21], $0x4000  }
0x83: {  	[sflag:s21] =	ssyncset.done $0x0  }
0x84: {  	s31 =	simm.s32 $0x80;
	[sflag:s21] =	ssyncadd.s32 $0xFFFFC000  }
0x85: {  	[tilespmem:s22], [sflag:$0x3] =	stream.indirect.gather [hbm4b:s4+s20], $0x80, s31, s20, $0xb8;
	[tilespmem:$0x1E800] =	vst v63  }
0x86: {  	s31 =	simm.s32 $0x1400  }
0x87: {  	[spmem:s2] =	stream.indirect.scatter.add.f32 [tilespmem:s17], [sflag:$0x5], $0x80, s31, s20, $0xb8;
	[tilespmem:$0x1E800] =	vst v63  }
0x88: {  	_ =	swait.ge [sflag:s23], $0x4000  }
0x89: {  	[sflag:s23] =	ssyncset.done $0x0  }
0x8a: {  	[sflag:s23] =	ssyncadd.s32 $0xFFFFC000  }
0x8b: {  	_ =	swait.ge [sflag:s24], $0x4000  }
0x8c: {  	[sflag:s24] =	ssyncset.done $0x0  }
0x8d: {  	s31 =	simm.s32 $0x100;
	[sflag:s24] =	ssyncadd.s32 $0xFFFFC000  }
0x8e: {  	[tilespmem:s17], [sflag:$0x2] =	stream.indirect.gather [hbm4b:s4+s20], $0x80, s31, s20, $0xb8;
	[tilespmem:$0x1E800] =	vst v63  }
0x8f: {  	s31 =	simm.s32 $0x1480  }
0x90: {  	[spmem:s2] =	stream.indirect.scatter.add.f32 [tilespmem:s22], [sflag:$0x4], $0x80, s31, s20, $0xb8;
	[tilespmem:$0x1E800] =	vst v63  }
0x91: {  	_ =	swait.ge [sflag:s18], $0x4000  }
0x92: {  	s30 =	simm.s32 $0x400;
	[sflag:s18] =	ssyncset.done $0x0  }
.LBB2_6:
0x93: {  	p0 =	sne.s32 s30, $0x4800  }
0x94: {  	[sflag:s18] =	ssyncadd.s32 $0xFFFFC000;
	s0 =	smov.u32 s30;
	s30 =	sadd.s32 $0x400, s30  }
0x95: {  	_ = 	snop  }
0x96: {  	_ =	swait.ge [sflag:s21], $0x4000  }
0x97: {  	s0 =	sshra.s32 s0, $0x2;
	[sflag:s21] =	ssyncset.done $0x0  }
0x98: {  	s31 =	sadd.s32 $0x80, s0;
	[sflag:s21] =	ssyncadd.s32 $0xFFFFC000  }
0x99: {  	[tilespmem:s22], [sflag:$0x3] =	stream.indirect.gather [hbm4b:s4+s20], $0x80, s31, s20, $0xb8;
	[tilespmem:$0x1E800] =	vst v63  }
0x9a: {  	s31 =	sadd.s32 $0x1400, s0  }
0x9b: {  	[spmem:s2] =	stream.indirect.scatter.add.f32 [tilespmem:s17], [sflag:$0x5], $0x80, s31, s20, $0xb8;
	[tilespmem:$0x1E800] =	vst v63  }
0x9c: {  	_ =	swait.ge [sflag:s23], $0x4000  }
0x9d: {  	[sflag:s23] =	ssyncset.done $0x0  }
0x9e: {  	[sflag:s23] =	ssyncadd.s32 $0xFFFFC000  }
0x9f: {  	_ =	swait.ge [sflag:s24], $0x4000  }
0xa0: {  	[sflag:s24] =	ssyncset.done $0x0  }
0xa1: {  	s31 =	sadd.s32 $0x100, s0;
	[sflag:s24] =	ssyncadd.s32 $0xFFFFC000  }
0xa2: {  	[tilespmem:s17], [sflag:$0x2] =	stream.indirect.gather [hbm4b:s4+s20], $0x80, s31, s20, $0xb8;
	[tilespmem:$0x1E800] =	vst v63  }
.Ltmp2:
0xa3: {  	_ = 	snop;
	(pc) =	sbr.rel @p0 .LBB2_6-.Ltmp2, $4  }
0xa4: {  	s0 =	sadd.s32 $0x1480, s0  }
0xa5: {  	[spmem:s2] =	stream.indirect.scatter.add.f32 [tilespmem:s22], [sflag:$0x4], $0x80, s0, s20, $0xb8;
	[tilespmem:$0x1E800] =	vst v63  }
0xa6: {  	_ =	swait.ge [sflag:s18], $0x4000  }
0xa7: {  	[sflag:s18] =	ssyncset.done $0x0  }
0xa8: {  	[sflag:s18] =	ssyncadd.s32 $0xFFFFC000  }
0xa9: {  	_ =	swait.ge [sflag:s21], $0x4000  }
0xaa: {  	[sflag:s21] =	ssyncset.done $0x0  }
0xab: {  	[sflag:s21] =	ssyncadd.s32 $0xFFFFC000  }
0xac: {  	[tilespmem:s22], [sflag:$0x3] =	stream.indirect.gather [hbm4b:s4+s20], $0x80, s25, s20, $0xb8;
	[tilespmem:$0x1E800] =	vst v63  }
0xad: {  	_ = 	snop  }
0xae: {  	[spmem:s2] =	stream.indirect.scatter.add.f32 [tilespmem:s17], [sflag:$0x5], $0x80, s26, s20, $0xb8;
	[tilespmem:$0x1E800] =	vst v63  }
0xaf: {  	_ =	swait.ge [sflag:s23], $0x4000  }
0xb0: {  	[sflag:s23] =	ssyncset.done $0x0  }
0xb1: {  	[sflag:s23] =	ssyncadd.s32 $0xFFFFC000  }
0xb2: {  	_ =	swait.ge [sflag:s24], $0x4000  }
0xb3: {  	[sflag:s24] =	ssyncset.done $0x0  }
0xb4: {  	[sflag:s24] =	ssyncadd.s32 $0xFFFFC000  }
0xb5: {  	[spmem:s2] =	stream.indirect.scatter.add.f32 [tilespmem:s22], [sflag:$0x4], $0x80, s28, s20, $0xb8;
	[tilespmem:$0x1E800] =	vst v63  }
0xb6: {  	_ =	swait.ge [sflag:s18], $0x4000  }
0xb7: {  	s0 =	sshll.u32 s1, $0x6;
	s29 =	sadd.s32 $0x1, s29;
	[sflag:s18] =	ssyncset.done $0x0  }
0xb8: {  	s30 =	sshrl.u32 s7, $0x3;
	p0 =	sne.s32 s29, s11;
	[sflag:s18] =	ssyncadd.s32 $0xFFFFC000  }
.Ltmp3:
0xb9: {  	s0 =	sor.u32 $0x1C04, s0;
	[bflag:$0x0] =	sbarrier.arrive $0xFFFF;
	(pc) =	sbr.rel @p0 .LBB2_1-.Ltmp3, $4  }
0xba: {  	[hbm:s10], [sflag:s0] =	dma.local [spmem:s30], $0x2800  }
0xbb: {  	_ =	swait.ge [sflag:s18], $0x2800  }
0xbc: {  	[sflag:s18] =	ssyncset.done $0x0  }
0xbd: {  	[sflag:s18] =	ssyncadd.s32 $0xFFFFD800  }
0xbe: {  	_ =	sfence.sel $0x180000  }
0xbf: {  	[bflag:$0x0] =	sbarrier.arrive $0xFFFF  }
0xc0: {  	_ =	strace $0x90000050  }
0xc1: {  	[bflag:$0x2] =	sbarrier.arrive $0xFFFF  }
0xc2: {  	p0 =	sne.s32 s1, $0x0;
	s0 =	rddreg [dreg:$0x3]  }
0xc3: {  	s0 =	sadd.s32 @!p0 $0x100000, s0  }
0xc4: {  	[sflag:s0] =	ssyncadd.tile.s32 @!p0 $0x1;
	_ =	shalt  }
.Lfunc_end2:
_tile_overlayer_lowered:
.L_overlay_start_2:
0xc5: {  	(tag) =	ssettag $0x2  }
0xc6: {  	s0 =	rddreg [dreg:$0x0];
	s2 =	stileid.u32  }
0xc7: {  	s1 =	rddreg [dreg:$0x1];
	p0 =	sne.s32 s2, $0x0  }
0xc8: {  	s3 =	rddreg [dreg:$0x2];
	[bflag:$0x3] =	sbarrier.arrive $0xFFFF;
	s2 =	simm.s32 @!p0 $0x1C04  }
0xc9: {  	[timem:s3], [sflag:s2] =	dma.local @!p0 [hbm:s0], s1  }
0xca: {  	s0 =	simm.s32 @!p0 $0x4  }
0xcb: {  	_ =	swait.ge @!p0 [sflag:s0], s1  }
0xcc: {  	s1 =	ssub.s32 @!p0 $0x0, s1;
	[sflag:s0] =	ssyncset.done @!p0 $0x0  }
0xcd: {  	[sflag:s0] =	ssyncadd.s32 @!p0 s1  }
0xce: {  	[bflag:$0x3] =	sbarrier.arrive $0xFFFF  }
0xcf: {  	_ =	shalt  }

</sc_bundles>
